<compile_context>
chip_gen: v7x
topology: tpu7x:2x2x1
jax: 0.10.2.dev20260603
libtpu: 0.0.44.dev20260713+nightly
codegen_flags: <defaults>
</compile_context>

<pallas_src>
import functools
import math

import jax
import jax.numpy as jnp
from jax import lax
from jax.experimental import pallas as pl
from jax.experimental.pallas import tpu as pltpu
from jax.experimental.pallas import tpu_sc as plsc

N_NODES = 10000
E_EDGES = 160000
IN_MUL = 32
OUT_MUL = 32
N_EDGE_FEAT = 16
HIDDEN = 16
EPS = 1e-5

NC = 2
NS = 16
NW = NC * NS

ROWS128 = E_EDGES // 128
ROWS_PER_MACRO = 8
RPW = 40
MAC = RPW // ROWS_PER_MACRO
ROWS_PER_TILE = N_NODES // NS
CNT_W = 16

_F32 = jnp.float32
_SC_PARAMS = pltpu.CompilerParams(use_tc_tiling_on_sc=False)


def _sc_mesh():
    return plsc.VectorSubcoreMesh(core_axis_name="c", subcore_axis_name="s")


def _sc_gather(table, edge_index):

    @functools.partial(
        pl.kernel,
        out_type=jax.ShapeDtypeStruct((E_EDGES, IN_MUL), _F32),
        mesh=_sc_mesh(),
        compiler_params=_SC_PARAMS,
        scratch_types=[
            pltpu.VMEM((ROWS_PER_MACRO, 128), jnp.int32),
            pltpu.VMEM((ROWS_PER_MACRO * 128, IN_MUL), _F32),
            pltpu.SemaphoreType.DMA,
            pltpu.SemaphoreType.DMA,
            pltpu.SemaphoreType.DMA,
        ],
    )
    def k(table_hbm, ei_hbm, out_hbm, idx_v, rows_v, sem_i, sem_g, sem_w):
        c = lax.axis_index("c")
        s = lax.axis_index("s")
        w = s * NC + c

        def macro(m, carry):
            row0 = w * RPW + m * ROWS_PER_MACRO
            for j in range(ROWS_PER_MACRO):
                @pl.when(row0 + j < ROWS128)
                def _():
                    pltpu.async_copy(
                        ei_hbm.at[1, pl.ds((row0 + j) * 128, 128)],
                        idx_v.at[j], sem_i)
            for j in range(ROWS_PER_MACRO):
                @pl.when(row0 + j < ROWS128)
                def _():
                    pltpu.make_async_copy(
                        ei_hbm.at[1, pl.ds((row0 + j) * 128, 128)],
                        idx_v.at[j], sem_i).wait()
            for j in range(ROWS_PER_MACRO):
                @pl.when(row0 + j < ROWS128)
                def _():
                    pltpu.async_copy(
                        table_hbm.at[idx_v.at[j]],
                        rows_v.at[pl.ds(j * 128, 128)], sem_g)
            for j in range(ROWS_PER_MACRO):
                @pl.when(row0 + j < ROWS128)
                def _():
                    pltpu.make_async_copy(
                        table_hbm.at[idx_v.at[j]],
                        rows_v.at[pl.ds(j * 128, 128)], sem_g).wait()
            for j in range(ROWS_PER_MACRO):
                @pl.when(row0 + j < ROWS128)
                def _():
                    pltpu.async_copy(
                        rows_v.at[pl.ds(j * 128, 128)],
                        out_hbm.at[pl.ds((row0 + j) * 128, 128)], sem_w)
            for j in range(ROWS_PER_MACRO):
                @pl.when(row0 + j < ROWS128)
                def _():
                    pltpu.make_async_copy(
                        rows_v.at[pl.ds(j * 128, 128)],
                        out_hbm.at[pl.ds((row0 + j) * 128, 128)], sem_w).wait()
            return carry

        lax.fori_loop(0, MAC, macro, 0)

    return k(table, edge_index)


def _sc_scatter(tp, edge_index, zeros32, zeros16, ones16):

    @functools.partial(
        pl.kernel,
        out_type=(
            jax.ShapeDtypeStruct((NC, N_NODES, IN_MUL), _F32),
            jax.ShapeDtypeStruct((NC, N_NODES, CNT_W), _F32),
        ),
        mesh=_sc_mesh(),
        compiler_params=_SC_PARAMS,
        scratch_types=[
            pltpu.VMEM((ROWS_PER_MACRO, 128), jnp.int32),
            pltpu.VMEM((ROWS_PER_MACRO * 128, IN_MUL), _F32),
            pltpu.VMEM((128, CNT_W), _F32),
            pltpu.VMEM_SHARED((N_NODES, IN_MUL), _F32),
            pltpu.VMEM_SHARED((N_NODES, CNT_W), _F32),
            pltpu.SemaphoreType.DMA,
            pltpu.SemaphoreType.DMA,
        ],
    )
    def k(tp_hbm, ei_hbm, z32_hbm, z16_hbm, o16_hbm, sum_hbm, cnt_hbm,
          idx_v, rows_v, ones_v, tsum_sh, tcnt_sh, sem_i, sem_r):
        c = lax.axis_index("c")
        s = lax.axis_index("s")
        w = s * NC + c
        pltpu.sync_copy(o16_hbm, ones_v)
        pltpu.sync_copy(
            z32_hbm.at[pl.ds(s * ROWS_PER_TILE, ROWS_PER_TILE)],
            tsum_sh.at[pl.ds(s * ROWS_PER_TILE, ROWS_PER_TILE)])
        pltpu.sync_copy(
            z16_hbm.at[pl.ds(s * ROWS_PER_TILE, ROWS_PER_TILE)],
            tcnt_sh.at[pl.ds(s * ROWS_PER_TILE, ROWS_PER_TILE)])
        plsc.subcore_barrier()

        def macro(m, carry):
            row0 = w * RPW + m * ROWS_PER_MACRO
            for j in range(ROWS_PER_MACRO):
                @pl.when(row0 + j < ROWS128)
                def _():
                    pltpu.async_copy(
                        ei_hbm.at[0, pl.ds((row0 + j) * 128, 128)],
                        idx_v.at[j], sem_i)
                    pltpu.async_copy(
                        tp_hbm.at[pl.ds((row0 + j) * 128, 128)],
                        rows_v.at[pl.ds(j * 128, 128)], sem_r)
            for j in range(ROWS_PER_MACRO):
                @pl.when(row0 + j < ROWS128)
                def _():
                    pltpu.make_async_copy(
                        ei_hbm.at[0, pl.ds((row0 + j) * 128, 128)],
                        idx_v.at[j], sem_i).wait()
                    pltpu.make_async_copy(
                        tp_hbm.at[pl.ds((row0 + j) * 128, 128)],
                        rows_v.at[pl.ds(j * 128, 128)], sem_r).wait()
                    pltpu.sync_copy(
                        rows_v.at[pl.ds(j * 128, 128)],
                        tsum_sh.at[idx_v.at[j]], add=True)
                    pltpu.sync_copy(ones_v, tcnt_sh.at[idx_v.at[j]], add=True)
            return carry

        lax.fori_loop(0, MAC, macro, 0)
        plsc.subcore_barrier()
        pltpu.sync_copy(
            tsum_sh.at[pl.ds(s * ROWS_PER_TILE, ROWS_PER_TILE)],
            sum_hbm.at[c, pl.ds(s * ROWS_PER_TILE, ROWS_PER_TILE)])
        pltpu.sync_copy(
            tcnt_sh.at[pl.ds(s * ROWS_PER_TILE, ROWS_PER_TILE)],
            cnt_hbm.at[c, pl.ds(s * ROWS_PER_TILE, ROWS_PER_TILE)])

    return k(tp, edge_index, zeros32, zeros16, ones16)


_BL = 3200


def _tc_dense(xgT, eaT, shT, W1T, b1c, W2vT, b2rT):
    rs = 1.0 / math.sqrt(float(IN_MUL))
    grid = E_EDGES // _BL

    def body(x_r, ea_r, s_r, w1_r, b1_r, w2v_r, b2r_r, o_r):
        x = x_r[...]
        s = s_r[...]
        h = jnp.dot(w1_r[...], ea_r[...], preferred_element_type=_F32)
        h = jnp.maximum(h + b1_r[...], 0.0) * s
        op = (h[:, None, :] * x[None, :, :]).reshape(HIDDEN * IN_MUL, _BL)
        tp = jnp.dot(w2v_r[...], op, preferred_element_type=_F32)
        bias = jnp.dot(b2r_r[...], x, preferred_element_type=_F32) * s
        o_r[...] = (tp + bias) * rs

    wspec = lambda shape: pl.BlockSpec(shape, lambda i: (0, 0))
    return pl.pallas_call(
        body,
        grid=(grid,),
        in_specs=[
            pl.BlockSpec((IN_MUL, _BL), lambda i: (0, i)),
            pl.BlockSpec((N_EDGE_FEAT, _BL), lambda i: (0, i)),
            pl.BlockSpec((1, _BL), lambda i: (0, i)),
            wspec((N_EDGE_FEAT, N_EDGE_FEAT)),
            wspec((N_EDGE_FEAT, 1)),
            wspec((OUT_MUL, HIDDEN * IN_MUL)),
            wspec((OUT_MUL, IN_MUL)),
        ],
        out_specs=pl.BlockSpec((IN_MUL, _BL), lambda i: (0, i)),
        out_shape=jax.ShapeDtypeStruct((IN_MUL, E_EDGES), _F32),
    )(xgT, eaT, shT, W1T, b1c, W2vT, b2rT)


def _tc_final(sumsT, cntsT, node_attrT, gammac, betac):
    def body(su_r, cn_r, na_r, g_r, b_r, o_r):
        out_sum = su_r[0] + su_r[1]
        cnt = jnp.maximum(cn_r[0, 0:1] + cn_r[1, 0:1], 1.0)
        out = out_sum / cnt + na_r[...]
        mean = jnp.mean(out, axis=1, keepdims=True)
        xc = out - mean
        var = jnp.mean(xc * xc, axis=1, keepdims=True)
        o_r[...] = xc * lax.rsqrt(var + EPS) * g_r[...] + b_r[...]

    return pl.pallas_call(
        body,
        out_shape=jax.ShapeDtypeStruct((IN_MUL, N_NODES), _F32),
    )(sumsT, cntsT, node_attrT, gammac, betac)


def kernel(node_attr, edge_index, edge_attr, edge_sh, W1, b1, W2, b2, gamma, beta):
    W2v = W2.reshape(HIDDEN * IN_MUL, OUT_MUL)
    zeros32 = jnp.zeros((N_NODES, IN_MUL), _F32)
    zeros16 = jnp.zeros((N_NODES, CNT_W), _F32)
    ones16 = jnp.ones((128, CNT_W), _F32)

    xg = _sc_gather(node_attr, edge_index)
    tpT = _tc_dense(
        xg.T,
        edge_attr.T,
        edge_sh.T,
        W1.T, b1.reshape(-1, 1), W2v.T, b2.reshape(IN_MUL, OUT_MUL).T)
    sums, cnts = _sc_scatter(tpT.T, edge_index, zeros32, zeros16, ones16)
    outT = _tc_final(
        jnp.transpose(sums, (0, 2, 1)), jnp.transpose(cnts, (0, 2, 1)),
        node_attr.T, gamma.reshape(-1, 1), beta.reshape(-1, 1))
    return outT.T

# --- scband reference (transcript-rebuilt; emitter-appended) ---
"""Pipeline reference for scband-tensor-product-conv-layer-9191230013567 (READ-ONLY COPY).

The authoritative reference and input builder live on the scoring server;
editing this copy changes nothing except your own understanding.
"""

import jax, jax.numpy as jnp
import numpy as np

N_NODES = 10000
E_EDGES = 160000
IN_MUL = 32
SH_MUL = 1
OUT_MUL = 32
N_EDGE_FEAT = 16
HIDDEN = 16
WEIGHT_NUMEL = IN_MUL * SH_MUL * OUT_MUL
EPS = 1e-5


def setup_inputs(seed: int = 0) -> dict:
    key = jax.random.key(seed)
    ks = jax.random.split(key, 10)
    node_attr = jax.random.normal(ks[0], (N_NODES, IN_MUL), dtype=jnp.float32)
    # int64 requested; jax defaults to 32-bit ints without x64 - int32 indexing is equivalent here
    edge_index = jax.random.randint(ks[1], (2, E_EDGES), 0, N_NODES, dtype=jnp.int32)
    edge_attr = jax.random.normal(ks[2], (E_EDGES, N_EDGE_FEAT), dtype=jnp.float32)
    edge_sh = jax.random.normal(ks[3], (E_EDGES, SH_MUL), dtype=jnp.float32)
    # fc: Linear(n_edge_features -> hidden) -> ReLU -> Linear(hidden -> weight_numel)
    W1 = jax.random.normal(ks[4], (N_EDGE_FEAT, HIDDEN), dtype=jnp.float32) / np.sqrt(N_EDGE_FEAT)
    b1 = jnp.zeros((HIDDEN,), dtype=jnp.float32)
    W2 = jax.random.normal(ks[5], (HIDDEN, WEIGHT_NUMEL), dtype=jnp.float32) / np.sqrt(HIDDEN)
    b2 = jnp.zeros((WEIGHT_NUMEL,), dtype=jnp.float32)
    # e3nn BatchNorm affine params for scalar (0e) irreps
    gamma = jnp.ones((OUT_MUL,), dtype=jnp.float32)
    beta = jnp.zeros((OUT_MUL,), dtype=jnp.float32)
    return {"node_attr": node_attr, "edge_index": edge_index, "edge_attr": edge_attr,
            "edge_sh": edge_sh, "W1": W1, "b1": b1, "W2": W2, "b2": b2,
            "gamma": gamma, "beta": beta}


def reference(node_attr, edge_index, edge_attr, edge_sh, W1, b1, W2, b2, gamma, beta):
    edge_src = edge_index[0]
    edge_dst = edge_index[1]
    # fc(edge_attr) -> per-edge tensor-product weights
    h = jnp.maximum(edge_attr @ W1 + b1, 0.0)
    w = (h @ W2 + b2).reshape(-1, IN_MUL, SH_MUL, OUT_MUL)
    # gather destination node features (SparseCore gather)
    x = jnp.take(node_attr, edge_dst, axis=0)
    # FullyConnectedTensorProduct for scalar irreps 32x0e (x) 1x0e -> 32x0e
    # path normalization 1/sqrt(in1_mul * in2_mul)
    tp = jnp.einsum('ei,ej,eijk->ek', x, edge_sh, w) / jnp.sqrt(float(IN_MUL * SH_MUL))
    # scatter-mean into out_nodes = node_attr.shape[0] (SparseCore scatter-add)
    out_sum = jax.ops.segment_sum(tp, edge_src, num_segments=N_NODES)
    cnt = jax.ops.segment_sum(jnp.ones((tp.shape[0],), dtype=tp.dtype), edge_src, num_segments=N_NODES)
    cnt = jnp.maximum(cnt, 1.0)
    out = out_sum / cnt[:, None]
    # residual: pad width is 0 since in/out dims match
    out = out + node_attr
    # e3nn BatchNorm (training-mode batch stats) on scalar irreps
    mean = jnp.mean(out, axis=0)
    xc = out - mean
    var = jnp.mean(xc * xc, axis=0)
    out = xc * jax.lax.rsqrt(var + EPS) * gamma + beta
    return out

if __name__ == "__main__":
    import jax
    _d = setup_inputs()
    print(jax.jit(kernel)(*tuple(_d.values())))

</pallas_src>

<mosaic_0001>
#map = affine_map<(d0, d1) -> (0, 0)>
module attributes {stable_mosaic.version = 14 : i64} {
  func.func @k(%arg0: i32, %arg1: i32, %arg2: memref<10000x32xf32, #tpu.memory_space<hbm>>, %arg3: memref<2x160000xi32, #tpu.memory_space<hbm>>, %arg4: memref<160000x32xf32, #tpu.memory_space<hbm>>, %arg5: memref<8x128xi32, #tpu.memory_space<vmem>>, %arg6: memref<1024x32xf32, #tpu.memory_space<vmem>>, %arg7: memref<!tpu.dma_semaphore, #tpu.memory_space<semaphore_mem>>, %arg8: memref<!tpu.dma_semaphore, #tpu.memory_space<semaphore_mem>>, %arg9: memref<!tpu.dma_semaphore, #tpu.memory_space<semaphore_mem>>) attributes {dimension_semantics = [#tpu.dimension_semantics<core_parallel>, #tpu.dimension_semantics<subcore_parallel>], iteration_bounds = array<i64: 2, 16>, scalar_prefetch = 0 : i64, scratch_operands = 5 : i64, tpu.core_type = #tpu.core_type<sc_vector_subcore>, window_params = [{transform_indices = #map}, {transform_indices = #map}, {transform_indices = #map}]} {
    %mul3A = arith.constant 2 : i32
    %mul3A_0 = arith.muli %arg1, %mul3A : i32
    %add3A = arith.addi %mul3A_0, %arg0 : i32
    %scan3A = arith.constant 0 : i32
    %scan3A_1 = arith.constant 0 : i32
    %scan3A_2 = arith.constant 5 : i32
    %scan3A_3 = arith.addi %scan3A_1, %scan3A_2 : i32
    %scan3A_4 = arith.constant 1 : i32
    scf.for %scan3A_6 = %scan3A_1 to %scan3A_3 step %scan3A_4  : i32 {
      %mul3A_7 = arith.constant 40 : i32
      %mul3A_8 = arith.muli %add3A, %mul3A_7 : i32
      %mul3A_9 = arith.constant 8 : i32
      %mul3A_10 = arith.muli %scan3A_6, %mul3A_9 : i32
      %add3A_11 = arith.addi %mul3A_8, %mul3A_10 : i32
      %add3A_12 = arith.constant 0 : i32
      %add3A_13 = arith.addi %add3A_11, %add3A_12 : i32
      %lt3A = arith.constant 1250 : i32
      %lt3A_14 = arith.cmpi slt, %add3A_13, %lt3A : i32
      %convert_element_type3A = arith.extui %lt3A_14 : i1 to i32
      %cond3A = arith.constant 0 : i32
      %cond3A_15 = arith.cmpi ne, %convert_element_type3A, %cond3A : i32
      scf.if %cond3A_15 {
        %add3A_345 = arith.constant 0 : i32
        %add3A_346 = arith.addi %add3A_11, %add3A_345 : i32
        %mul3A_347 = arith.constant 128 : i32
        %mul3A_348 = arith.muli %add3A_346, %mul3A_347 : i32
        %dma_start3A = arith.constant 1 : i32
        %dma_start3A_349 = arith.constant 0 : i32
        %dma_start3A_350 = arith.constant 0 : i32
        %dma_start3A_351 = tpu.memref_slice %arg5[%dma_start3A_349, %dma_start3A_350] : memref<8x128xi32, #tpu.memory_space<vmem>> -> memref<1x128xi32, #tpu.memory_space<vmem>>
        %dma_start3A_352 = tpu.memref_squeeze %dma_start3A_351 : memref<1x128xi32, #tpu.memory_space<vmem>> -> memref<128xi32, #tpu.memory_space<vmem>>
        %dma_start3A_353 = tpu.memref_slice %arg3[%dma_start3A, %mul3A_348] : memref<2x160000xi32, #tpu.memory_space<hbm>> -> memref<1x128xi32, #tpu.memory_space<hbm>>
        %dma_start3A_354 = tpu.memref_squeeze %dma_start3A_353 : memref<1x128xi32, #tpu.memory_space<hbm>> -> memref<128xi32, #tpu.memory_space<hbm>>
        %dma_start3A_355 = arith.constant 0 : i32
        %dma_start3A_356 = tpu.memref_slice %arg5[%dma_start3A_349, %dma_start3A_355] : memref<8x128xi32, #tpu.memory_space<vmem>> -> memref<1x128xi32, #tpu.memory_space<vmem>>
        %dma_start3A_357 = tpu.memref_squeeze %dma_start3A_356 : memref<1x128xi32, #tpu.memory_space<vmem>> -> memref<128xi32, #tpu.memory_space<vmem>>
        %dma_start3A_358 = tpu.memref_slice %arg3[%dma_start3A, %mul3A_348] : memref<2x160000xi32, #tpu.memory_space<hbm>> -> memref<1x128xi32, #tpu.memory_space<hbm>>
        %dma_start3A_359 = tpu.memref_squeeze %dma_start3A_358 : memref<1x128xi32, #tpu.memory_space<hbm>> -> memref<128xi32, #tpu.memory_space<hbm>>
        tpu.enqueue_dma source(%dma_start3A_359 : memref<128xi32, #tpu.memory_space<hbm>>) target(%dma_start3A_357 : memref<128xi32, #tpu.memory_space<vmem>>) target_semaphore(%arg7 : memref<!tpu.dma_semaphore, #tpu.memory_space<semaphore_mem>>)
      } else {
      }
      %add3A_16 = arith.constant 1 : i32
      %add3A_17 = arith.addi %add3A_11, %add3A_16 : i32
      %lt3A_18 = arith.constant 1250 : i32
      %lt3A_19 = arith.cmpi slt, %add3A_17, %lt3A_18 : i32
      %convert_element_type3A_20 = arith.extui %lt3A_19 : i1 to i32
      %cond3A_21 = arith.constant 0 : i32
      %cond3A_22 = arith.cmpi ne, %convert_element_type3A_20, %cond3A_21 : i32
      scf.if %cond3A_22 {
        %add3A_345 = arith.constant 1 : i32
        %add3A_346 = arith.addi %add3A_11, %add3A_345 : i32
        %mul3A_347 = arith.constant 128 : i32
        %mul3A_348 = arith.muli %add3A_346, %mul3A_347 : i32
        %dma_start3A = arith.constant 1 : i32
        %dma_start3A_349 = arith.constant 1 : i32
        %dma_start3A_350 = arith.constant 0 : i32
        %dma_start3A_351 = tpu.memref_slice %arg5[%dma_start3A_349, %dma_start3A_350] : memref<8x128xi32, #tpu.memory_space<vmem>> -> memref<1x128xi32, #tpu.memory_space<vmem>>
        %dma_start3A_352 = tpu.memref_squeeze %dma_start3A_351 : memref<1x128xi32, #tpu.memory_space<vmem>> -> memref<128xi32, #tpu.memory_space<vmem>>
        %dma_start3A_353 = tpu.memref_slice %arg3[%dma_start3A, %mul3A_348] : memref<2x160000xi32, #tpu.memory_space<hbm>> -> memref<1x128xi32, #tpu.memory_space<hbm>>
        %dma_start3A_354 = tpu.memref_squeeze %dma_start3A_353 : memref<1x128xi32, #tpu.memory_space<hbm>> -> memref<128xi32, #tpu.memory_space<hbm>>
        %dma_start3A_355 = arith.constant 0 : i32
        %dma_start3A_356 = tpu.memref_slice %arg5[%dma_start3A_349, %dma_start3A_355] : memref<8x128xi32, #tpu.memory_space<vmem>> -> memref<1x128xi32, #tpu.memory_space<vmem>>
        %dma_start3A_357 = tpu.memref_squeeze %dma_start3A_356 : memref<1x128xi32, #tpu.memory_space<vmem>> -> memref<128xi32, #tpu.memory_space<vmem>>
        %dma_start3A_358 = tpu.memref_slice %arg3[%dma_start3A, %mul3A_348] : memref<2x160000xi32, #tpu.memory_space<hbm>> -> memref<1x128xi32, #tpu.memory_space<hbm>>
        %dma_start3A_359 = tpu.memref_squeeze %dma_start3A_358 : memref<1x128xi32, #tpu.memory_space<hbm>> -> memref<128xi32, #tpu.memory_space<hbm>>
        tpu.enqueue_dma source(%dma_start3A_359 : memref<128xi32, #tpu.memory_space<hbm>>) target(%dma_start3A_357 : memref<128xi32, #tpu.memory_space<vmem>>) target_semaphore(%arg7 : memref<!tpu.dma_semaphore, #tpu.memory_space<semaphore_mem>>)
      } else {
      }
      %add3A_23 = arith.constant 2 : i32
      %add3A_24 = arith.addi %add3A_11, %add3A_23 : i32
      %lt3A_25 = arith.constant 1250 : i32
      %lt3A_26 = arith.cmpi slt, %add3A_24, %lt3A_25 : i32
      %convert_element_type3A_27 = arith.extui %lt3A_26 : i1 to i32
      %cond3A_28 = arith.constant 0 : i32
      %cond3A_29 = arith.cmpi ne, %convert_element_type3A_27, %cond3A_28 : i32
      scf.if %cond3A_29 {
        %add3A_345 = arith.constant 2 : i32
        %add3A_346 = arith.addi %add3A_11, %add3A_345 : i32
        %mul3A_347 = arith.constant 128 : i32
        %mul3A_348 = arith.muli %add3A_346, %mul3A_347 : i32
        %dma_start3A = arith.constant 1 : i32
        %dma_start3A_349 = arith.constant 2 : i32
        %dma_start3A_350 = arith.constant 0 : i32
        %dma_start3A_351 = tpu.memref_slice %arg5[%dma_start3A_349, %dma_start3A_350] : memref<8x128xi32, #tpu.memory_space<vmem>> -> memref<1x128xi32, #tpu.memory_space<vmem>>
        %dma_start3A_352 = tpu.memref_squeeze %dma_start3A_351 : memref<1x128xi32, #tpu.memory_space<vmem>> -> memref<128xi32, #tpu.memory_space<vmem>>
        %dma_start3A_353 = tpu.memref_slice %arg3[%dma_start3A, %mul3A_348] : memref<2x160000xi32, #tpu.memory_space<hbm>> -> memref<1x128xi32, #tpu.memory_space<hbm>>
        %dma_start3A_354 = tpu.memref_squeeze %dma_start3A_353 : memref<1x128xi32, #tpu.memory_space<hbm>> -> memref<128xi32, #tpu.memory_space<hbm>>
        %dma_start3A_355 = arith.constant 0 : i32
        %dma_start3A_356 = tpu.memref_slice %arg5[%dma_start3A_349, %dma_start3A_355] : memref<8x128xi32, #tpu.memory_space<vmem>> -> memref<1x128xi32, #tpu.memory_space<vmem>>
        %dma_start3A_357 = tpu.memref_squeeze %dma_start3A_356 : memref<1x128xi32, #tpu.memory_space<vmem>> -> memref<128xi32, #tpu.memory_space<vmem>>
        %dma_start3A_358 = tpu.memref_slice %arg3[%dma_start3A, %mul3A_348] : memref<2x160000xi32, #tpu.memory_space<hbm>> -> memref<1x128xi32, #tpu.memory_space<hbm>>
        %dma_start3A_359 = tpu.memref_squeeze %dma_start3A_358 : memref<1x128xi32, #tpu.memory_space<hbm>> -> memref<128xi32, #tpu.memory_space<hbm>>
        tpu.enqueue_dma source(%dma_start3A_359 : memref<128xi32, #tpu.memory_space<hbm>>) target(%dma_start3A_357 : memref<128xi32, #tpu.memory_space<vmem>>) target_semaphore(%arg7 : memref<!tpu.dma_semaphore, #tpu.memory_space<semaphore_mem>>)
      } else {
      }
      %add3A_30 = arith.constant 3 : i32
      %add3A_31 = arith.addi %add3A_11, %add3A_30 : i32
      %lt3A_32 = arith.constant 1250 : i32
      %lt3A_33 = arith.cmpi slt, %add3A_31, %lt3A_32 : i32
      %convert_element_type3A_34 = arith.extui %lt3A_33 : i1 to i32
      %cond3A_35 = arith.constant 0 : i32
      %cond3A_36 = arith.cmpi ne, %convert_element_type3A_34, %cond3A_35 : i32
      scf.if %cond3A_36 {
        %add3A_345 = arith.constant 3 : i32
        %add3A_346 = arith.addi %add3A_11, %add3A_345 : i32
        %mul3A_347 = arith.constant 128 : i32
        %mul3A_348 = arith.muli %add3A_346, %mul3A_347 : i32
        %dma_start3A = arith.constant 1 : i32
        %dma_start3A_349 = arith.constant 3 : i32
        %dma_start3A_350 = arith.constant 0 : i32
        %dma_start3A_351 = tpu.memref_slice %arg5[%dma_start3A_349, %dma_start3A_350] : memref<8x128xi32, #tpu.memory_space<vmem>> -> memref<1x128xi32, #tpu.memory_space<vmem>>
        %dma_start3A_352 = tpu.memref_squeeze %dma_start3A_351 : memref<1x128xi32, #tpu.memory_space<vmem>> -> memref<128xi32, #tpu.memory_space<vmem>>
        %dma_start3A_353 = tpu.memref_slice %arg3[%dma_start3A, %mul3A_348] : memref<2x160000xi32, #tpu.memory_space<hbm>> -> memref<1x128xi32, #tpu.memory_space<hbm>>
        %dma_start3A_354 = tpu.memref_squeeze %dma_start3A_353 : memref<1x128xi32, #tpu.memory_space<hbm>> -> memref<128xi32, #tpu.memory_space<hbm>>
        %dma_start3A_355 = arith.constant 0 : i32
        %dma_start3A_356 = tpu.memref_slice %arg5[%dma_start3A_349, %dma_start3A_355] : memref<8x128xi32, #tpu.memory_space<vmem>> -> memref<1x128xi32, #tpu.memory_space<vmem>>
        %dma_start3A_357 = tpu.memref_squeeze %dma_start3A_356 : memref<1x128xi32, #tpu.memory_space<vmem>> -> memref<128xi32, #tpu.memory_space<vmem>>
        %dma_start3A_358 = tpu.memref_slice %arg3[%dma_start3A, %mul3A_348] : memref<2x160000xi32, #tpu.memory_space<hbm>> -> memref<1x128xi32, #tpu.memory_space<hbm>>
        %dma_start3A_359 = tpu.memref_squeeze %dma_start3A_358 : memref<1x128xi32, #tpu.memory_space<hbm>> -> memref<128xi32, #tpu.memory_space<hbm>>
        tpu.enqueue_dma source(%dma_start3A_359 : memref<128xi32, #tpu.memory_space<hbm>>) target(%dma_start3A_357 : memref<128xi32, #tpu.memory_space<vmem>>) target_semaphore(%arg7 : memref<!tpu.dma_semaphore, #tpu.memory_space<semaphore_mem>>)
      } else {
      }
      %add3A_37 = arith.constant 4 : i32
      %add3A_38 = arith.addi %add3A_11, %add3A_37 : i32
      %lt3A_39 = arith.constant 1250 : i32
      %lt3A_40 = arith.cmpi slt, %add3A_38, %lt3A_39 : i32
      %convert_element_type3A_41 = arith.extui %lt3A_40 : i1 to i32
      %cond3A_42 = arith.constant 0 : i32
      %cond3A_43 = arith.cmpi ne, %convert_element_type3A_41, %cond3A_42 : i32
      scf.if %cond3A_43 {
        %add3A_345 = arith.constant 4 : i32
        %add3A_346 = arith.addi %add3A_11, %add3A_345 : i32
        %mul3A_347 = arith.constant 128 : i32
        %mul3A_348 = arith.muli %add3A_346, %mul3A_347 : i32
        %dma_start3A = arith.constant 1 : i32
        %dma_start3A_349 = arith.constant 4 : i32
        %dma_start3A_350 = arith.constant 0 : i32
        %dma_start3A_351 = tpu.memref_slice %arg5[%dma_start3A_349, %dma_start3A_350] : memref<8x128xi32, #tpu.memory_space<vmem>> -> memref<1x128xi32, #tpu.memory_space<vmem>>
        %dma_start3A_352 = tpu.memref_squeeze %dma_start3A_351 : memref<1x128xi32, #tpu.memory_space<vmem>> -> memref<128xi32, #tpu.memory_space<vmem>>
        %dma_start3A_353 = tpu.memref_slice %arg3[%dma_start3A, %mul3A_348] : memref<2x160000xi32, #tpu.memory_space<hbm>> -> memref<1x128xi32, #tpu.memory_space<hbm>>
        %dma_start3A_354 = tpu.memref_squeeze %dma_start3A_353 : memref<1x128xi32, #tpu.memory_space<hbm>> -> memref<128xi32, #tpu.memory_space<hbm>>
        %dma_start3A_355 = arith.constant 0 : i32
        %dma_start3A_356 = tpu.memref_slice %arg5[%dma_start3A_349, %dma_start3A_355] : memref<8x128xi32, #tpu.memory_space<vmem>> -> memref<1x128xi32, #tpu.memory_space<vmem>>
        %dma_start3A_357 = tpu.memref_squeeze %dma_start3A_356 : memref<1x128xi32, #tpu.memory_space<vmem>> -> memref<128xi32, #tpu.memory_space<vmem>>
        %dma_start3A_358 = tpu.memref_slice %arg3[%dma_start3A, %mul3A_348] : memref<2x160000xi32, #tpu.memory_space<hbm>> -> memref<1x128xi32, #tpu.memory_space<hbm>>
        %dma_start3A_359 = tpu.memref_squeeze %dma_start3A_358 : memref<1x128xi32, #tpu.memory_space<hbm>> -> memref<128xi32, #tpu.memory_space<hbm>>
        tpu.enqueue_dma source(%dma_start3A_359 : memref<128xi32, #tpu.memory_space<hbm>>) target(%dma_start3A_357 : memref<128xi32, #tpu.memory_space<vmem>>) target_semaphore(%arg7 : memref<!tpu.dma_semaphore, #tpu.memory_space<semaphore_mem>>)
      } else {
      }
      %add3A_44 = arith.constant 5 : i32
      %add3A_45 = arith.addi %add3A_11, %add3A_44 : i32
      %lt3A_46 = arith.constant 1250 : i32
      %lt3A_47 = arith.cmpi slt, %add3A_45, %lt3A_46 : i32
      %convert_element_type3A_48 = arith.extui %lt3A_47 : i1 to i32
      %cond3A_49 = arith.constant 0 : i32
      %cond3A_50 = arith.cmpi ne, %convert_element_type3A_48, %cond3A_49 : i32
      scf.if %cond3A_50 {
        %add3A_345 = arith.constant 5 : i32
        %add3A_346 = arith.addi %add3A_11, %add3A_345 : i32
        %mul3A_347 = arith.constant 128 : i32
        %mul3A_348 = arith.muli %add3A_346, %mul3A_347 : i32
        %dma_start3A = arith.constant 1 : i32
        %dma_start3A_349 = arith.constant 5 : i32
        %dma_start3A_350 = arith.constant 0 : i32
        %dma_start3A_351 = tpu.memref_slice %arg5[%dma_start3A_349, %dma_start3A_350] : memref<8x128xi32, #tpu.memory_space<vmem>> -> memref<1x128xi32, #tpu.memory_space<vmem>>
        %dma_start3A_352 = tpu.memref_squeeze %dma_start3A_351 : memref<1x128xi32, #tpu.memory_space<vmem>> -> memref<128xi32, #tpu.memory_space<vmem>>
        %dma_start3A_353 = tpu.memref_slice %arg3[%dma_start3A, %mul3A_348] : memref<2x160000xi32, #tpu.memory_space<hbm>> -> memref<1x128xi32, #tpu.memory_space<hbm>>
        %dma_start3A_354 = tpu.memref_squeeze %dma_start3A_353 : memref<1x128xi32, #tpu.memory_space<hbm>> -> memref<128xi32, #tpu.memory_space<hbm>>
        %dma_start3A_355 = arith.constant 0 : i32
        %dma_start3A_356 = tpu.memref_slice %arg5[%dma_start3A_349, %dma_start3A_355] : memref<8x128xi32, #tpu.memory_space<vmem>> -> memref<1x128xi32, #tpu.memory_space<vmem>>
        %dma_start3A_357 = tpu.memref_squeeze %dma_start3A_356 : memref<1x128xi32, #tpu.memory_space<vmem>> -> memref<128xi32, #tpu.memory_space<vmem>>
        %dma_start3A_358 = tpu.memref_slice %arg3[%dma_start3A, %mul3A_348] : memref<2x160000xi32, #tpu.memory_space<hbm>> -> memref<1x128xi32, #tpu.memory_space<hbm>>
        %dma_start3A_359 = tpu.memref_squeeze %dma_start3A_358 : memref<1x128xi32, #tpu.memory_space<hbm>> -> memref<128xi32, #tpu.memory_space<hbm>>
        tpu.enqueue_dma source(%dma_start3A_359 : memref<128xi32, #tpu.memory_space<hbm>>) target(%dma_start3A_357 : memref<128xi32, #tpu.memory_space<vmem>>) target_semaphore(%arg7 : memref<!tpu.dma_semaphore, #tpu.memory_space<semaphore_mem>>)
      } else {
      }
      %add3A_51 = arith.constant 6 : i32
      %add3A_52 = arith.addi %add3A_11, %add3A_51 : i32
      %lt3A_53 = arith.constant 1250 : i32
      %lt3A_54 = arith.cmpi slt, %add3A_52, %lt3A_53 : i32
      %convert_element_type3A_55 = arith.extui %lt3A_54 : i1 to i32
      %cond3A_56 = arith.constant 0 : i32
      %cond3A_57 = arith.cmpi ne, %convert_element_type3A_55, %cond3A_56 : i32
      scf.if %cond3A_57 {
        %add3A_345 = arith.constant 6 : i32
        %add3A_346 = arith.addi %add3A_11, %add3A_345 : i32
        %mul3A_347 = arith.constant 128 : i32
        %mul3A_348 = arith.muli %add3A_346, %mul3A_347 : i32
        %dma_start3A = arith.constant 1 : i32
        %dma_start3A_349 = arith.constant 6 : i32
        %dma_start3A_350 = arith.constant 0 : i32
        %dma_start3A_351 = tpu.memref_slice %arg5[%dma_start3A_349, %dma_start3A_350] : memref<8x128xi32, #tpu.memory_space<vmem>> -> memref<1x128xi32, #tpu.memory_space<vmem>>
        %dma_start3A_352 = tpu.memref_squeeze %dma_start3A_351 : memref<1x128xi32, #tpu.memory_space<vmem>> -> memref<128xi32, #tpu.memory_space<vmem>>
        %dma_start3A_353 = tpu.memref_slice %arg3[%dma_start3A, %mul3A_348] : memref<2x160000xi32, #tpu.memory_space<hbm>> -> memref<1x128xi32, #tpu.memory_space<hbm>>
        %dma_start3A_354 = tpu.memref_squeeze %dma_start3A_353 : memref<1x128xi32, #tpu.memory_space<hbm>> -> memref<128xi32, #tpu.memory_space<hbm>>
        %dma_start3A_355 = arith.constant 0 : i32
        %dma_start3A_356 = tpu.memref_slice %arg5[%dma_start3A_349, %dma_start3A_355] : memref<8x128xi32, #tpu.memory_space<vmem>> -> memref<1x128xi32, #tpu.memory_space<vmem>>
        %dma_start3A_357 = tpu.memref_squeeze %dma_start3A_356 : memref<1x128xi32, #tpu.memory_space<vmem>> -> memref<128xi32, #tpu.memory_space<vmem>>
        %dma_start3A_358 = tpu.memref_slice %arg3[%dma_start3A, %mul3A_348] : memref<2x160000xi32, #tpu.memory_space<hbm>> -> memref<1x128xi32, #tpu.memory_space<hbm>>
        %dma_start3A_359 = tpu.memref_squeeze %dma_start3A_358 : memref<1x128xi32, #tpu.memory_space<hbm>> -> memref<128xi32, #tpu.memory_space<hbm>>
        tpu.enqueue_dma source(%dma_start3A_359 : memref<128xi32, #tpu.memory_space<hbm>>) target(%dma_start3A_357 : memref<128xi32, #tpu.memory_space<vmem>>) target_semaphore(%arg7 : memref<!tpu.dma_semaphore, #tpu.memory_space<semaphore_mem>>)
      } else {
      }
      %add3A_58 = arith.constant 7 : i32
      %add3A_59 = arith.addi %add3A_11, %add3A_58 : i32
      %lt3A_60 = arith.constant 1250 : i32
      %lt3A_61 = arith.cmpi slt, %add3A_59, %lt3A_60 : i32
      %convert_element_type3A_62 = arith.extui %lt3A_61 : i1 to i32
      %cond3A_63 = arith.constant 0 : i32
      %cond3A_64 = arith.cmpi ne, %convert_element_type3A_62, %cond3A_63 : i32
      scf.if %cond3A_64 {
        %add3A_345 = arith.constant 7 : i32
        %add3A_346 = arith.addi %add3A_11, %add3A_345 : i32
        %mul3A_347 = arith.constant 128 : i32
        %mul3A_348 = arith.muli %add3A_346, %mul3A_347 : i32
        %dma_start3A = arith.constant 1 : i32
        %dma_start3A_349 = arith.constant 7 : i32
        %dma_start3A_350 = arith.constant 0 : i32
        %dma_start3A_351 = tpu.memref_slice %arg5[%dma_start3A_349, %dma_start3A_350] : memref<8x128xi32, #tpu.memory_space<vmem>> -> memref<1x128xi32, #tpu.memory_space<vmem>>
        %dma_start3A_352 = tpu.memref_squeeze %dma_start3A_351 : memref<1x128xi32, #tpu.memory_space<vmem>> -> memref<128xi32, #tpu.memory_space<vmem>>
        %dma_start3A_353 = tpu.memref_slice %arg3[%dma_start3A, %mul3A_348] : memref<2x160000xi32, #tpu.memory_space<hbm>> -> memref<1x128xi32, #tpu.memory_space<hbm>>
        %dma_start3A_354 = tpu.memref_squeeze %dma_start3A_353 : memref<1x128xi32, #tpu.memory_space<hbm>> -> memref<128xi32, #tpu.memory_space<hbm>>
        %dma_start3A_355 = arith.constant 0 : i32
        %dma_start3A_356 = tpu.memref_slice %arg5[%dma_start3A_349, %dma_start3A_355] : memref<8x128xi32, #tpu.memory_space<vmem>> -> memref<1x128xi32, #tpu.memory_space<vmem>>
        %dma_start3A_357 = tpu.memref_squeeze %dma_start3A_356 : memref<1x128xi32, #tpu.memory_space<vmem>> -> memref<128xi32, #tpu.memory_space<vmem>>
        %dma_start3A_358 = tpu.memref_slice %arg3[%dma_start3A, %mul3A_348] : memref<2x160000xi32, #tpu.memory_space<hbm>> -> memref<1x128xi32, #tpu.memory_space<hbm>>
        %dma_start3A_359 = tpu.memref_squeeze %dma_start3A_358 : memref<1x128xi32, #tpu.memory_space<hbm>> -> memref<128xi32, #tpu.memory_space<hbm>>
        tpu.enqueue_dma source(%dma_start3A_359 : memref<128xi32, #tpu.memory_space<hbm>>) target(%dma_start3A_357 : memref<128xi32, #tpu.memory_space<vmem>>) target_semaphore(%arg7 : memref<!tpu.dma_semaphore, #tpu.memory_space<semaphore_mem>>)
      } else {
      }
      %add3A_65 = arith.constant 0 : i32
      %add3A_66 = arith.addi %add3A_11, %add3A_65 : i32
      %lt3A_67 = arith.constant 1250 : i32
      %lt3A_68 = arith.cmpi slt, %add3A_66, %lt3A_67 : i32
      %convert_element_type3A_69 = arith.extui %lt3A_68 : i1 to i32
      %cond3A_70 = arith.constant 0 : i32
      %cond3A_71 = arith.cmpi ne, %convert_element_type3A_69, %cond3A_70 : i32
      scf.if %cond3A_71 {
        %add3A_345 = arith.constant 0 : i32
        %add3A_346 = arith.addi %add3A_11, %add3A_345 : i32
        %mul3A_347 = arith.constant 128 : i32
        %mul3A_348 = arith.muli %add3A_346, %mul3A_347 : i32
        %dma_wait3A = arith.constant 1 : i32
        %dma_wait3A_349 = arith.constant 0 : i32
        %dma_wait3A_350 = arith.constant 0 : i32
        %dma_wait3A_351 = tpu.memref_slice %arg5[%dma_wait3A_349, %dma_wait3A_350] : memref<8x128xi32, #tpu.memory_space<vmem>> -> memref<1x128xi32, #tpu.memory_space<vmem>>
        %dma_wait3A_352 = tpu.memref_squeeze %dma_wait3A_351 : memref<1x128xi32, #tpu.memory_space<vmem>> -> memref<128xi32, #tpu.memory_space<vmem>>
        %dma_wait3A_353 = tpu.memref_slice %arg3[%dma_wait3A, %mul3A_348] : memref<2x160000xi32, #tpu.memory_space<hbm>> -> memref<1x128xi32, #tpu.memory_space<hbm>>
        %dma_wait3A_354 = tpu.memref_squeeze %dma_wait3A_353 : memref<1x128xi32, #tpu.memory_space<hbm>> -> memref<128xi32, #tpu.memory_space<hbm>>
        %dma_wait3A_355 = arith.constant 0 : i32
        %dma_wait3A_356 = tpu.memref_slice %arg5[%dma_wait3A_349, %dma_wait3A_355] : memref<8x128xi32, #tpu.memory_space<vmem>> -> memref<1x128xi32, #tpu.memory_space<vmem>>
        %dma_wait3A_357 = tpu.memref_squeeze %dma_wait3A_356 : memref<1x128xi32, #tpu.memory_space<vmem>> -> memref<128xi32, #tpu.memory_space<vmem>>
        %dma_wait3A_358 = tpu.memref_slice %arg3[%dma_wait3A, %mul3A_348] : memref<2x160000xi32, #tpu.memory_space<hbm>> -> memref<1x128xi32, #tpu.memory_space<hbm>>
        %dma_wait3A_359 = tpu.memref_squeeze %dma_wait3A_358 : memref<1x128xi32, #tpu.memory_space<hbm>> -> memref<128xi32, #tpu.memory_space<hbm>>
        tpu.wait_dma2 semaphore(%arg7 : memref<!tpu.dma_semaphore, #tpu.memory_space<semaphore_mem>>) src(%dma_wait3A_359 : memref<128xi32, #tpu.memory_space<hbm>>) dst(%dma_wait3A_357 : memref<128xi32, #tpu.memory_space<vmem>>)
      } else {
      }
      %add3A_72 = arith.constant 1 : i32
      %add3A_73 = arith.addi %add3A_11, %add3A_72 : i32
      %lt3A_74 = arith.constant 1250 : i32
      %lt3A_75 = arith.cmpi slt, %add3A_73, %lt3A_74 : i32
      %convert_element_type3A_76 = arith.extui %lt3A_75 : i1 to i32
      %cond3A_77 = arith.constant 0 : i32
      %cond3A_78 = arith.cmpi ne, %convert_element_type3A_76, %cond3A_77 : i32
      scf.if %cond3A_78 {
        %add3A_345 = arith.constant 1 : i32
        %add3A_346 = arith.addi %add3A_11, %add3A_345 : i32
        %mul3A_347 = arith.constant 128 : i32
        %mul3A_348 = arith.muli %add3A_346, %mul3A_347 : i32
        %dma_wait3A = arith.constant 1 : i32
        %dma_wait3A_349 = arith.constant 1 : i32
        %dma_wait3A_350 = arith.constant 0 : i32
        %dma_wait3A_351 = tpu.memref_slice %arg5[%dma_wait3A_349, %dma_wait3A_350] : memref<8x128xi32, #tpu.memory_space<vmem>> -> memref<1x128xi32, #tpu.memory_space<vmem>>
        %dma_wait3A_352 = tpu.memref_squeeze %dma_wait3A_351 : memref<1x128xi32, #tpu.memory_space<vmem>> -> memref<128xi32, #tpu.memory_space<vmem>>
        %dma_wait3A_353 = tpu.memref_slice %arg3[%dma_wait3A, %mul3A_348] : memref<2x160000xi32, #tpu.memory_space<hbm>> -> memref<1x128xi32, #tpu.memory_space<hbm>>
        %dma_wait3A_354 = tpu.memref_squeeze %dma_wait3A_353 : memref<1x128xi32, #tpu.memory_space<hbm>> -> memref<128xi32, #tpu.memory_space<hbm>>
        %dma_wait3A_355 = arith.constant 0 : i32
        %dma_wait3A_356 = tpu.memref_slice %arg5[%dma_wait3A_349, %dma_wait3A_355] : memref<8x128xi32, #tpu.memory_space<vmem>> -> memref<1x128xi32, #tpu.memory_space<vmem>>
        %dma_wait3A_357 = tpu.memref_squeeze %dma_wait3A_356 : memref<1x128xi32, #tpu.memory_space<vmem>> -> memref<128xi32, #tpu.memory_space<vmem>>
        %dma_wait3A_358 = tpu.memref_slice %arg3[%dma_wait3A, %mul3A_348] : memref<2x160000xi32, #tpu.memory_space<hbm>> -> memref<1x128xi32, #tpu.memory_space<hbm>>
        %dma_wait3A_359 = tpu.memref_squeeze %dma_wait3A_358 : memref<1x128xi32, #tpu.memory_space<hbm>> -> memref<128xi32, #tpu.memory_space<hbm>>
        tpu.wait_dma2 semaphore(%arg7 : memref<!tpu.dma_semaphore, #tpu.memory_space<semaphore_mem>>) src(%dma_wait3A_359 : memref<128xi32, #tpu.memory_space<hbm>>) dst(%dma_wait3A_357 : memref<128xi32, #tpu.memory_space<vmem>>)
      } else {
      }
      %add3A_79 = arith.constant 2 : i32
      %add3A_80 = arith.addi %add3A_11, %add3A_79 : i32
      %lt3A_81 = arith.constant 1250 : i32
      %lt3A_82 = arith.cmpi slt, %add3A_80, %lt3A_81 : i32
      %convert_element_type3A_83 = arith.extui %lt3A_82 : i1 to i32
      %cond3A_84 = arith.constant 0 : i32
      %cond3A_85 = arith.cmpi ne, %convert_element_type3A_83, %cond3A_84 : i32
      scf.if %cond3A_85 {
        %add3A_345 = arith.constant 2 : i32
        %add3A_346 = arith.addi %add3A_11, %add3A_345 : i32
        %mul3A_347 = arith.constant 128 : i32
        %mul3A_348 = arith.muli %add3A_346, %mul3A_347 : i32
        %dma_wait3A = arith.constant 1 : i32
        %dma_wait3A_349 = arith.constant 2 : i32
        %dma_wait3A_350 = arith.constant 0 : i32
        %dma_wait3A_351 = tpu.memref_slice %arg5[%dma_wait3A_349, %dma_wait3A_350] : memref<8x128xi32, #tpu.memory_space<vmem>> -> memref<1x128xi32, #tpu.memory_space<vmem>>
        %dma_wait3A_352 = tpu.memref_squeeze %dma_wait3A_351 : memref<1x128xi32, #tpu.memory_space<vmem>> -> memref<128xi32, #tpu.memory_space<vmem>>
        %dma_wait3A_353 = tpu.memref_slice %arg3[%dma_wait3A, %mul3A_348] : memref<2x160000xi32, #tpu.memory_space<hbm>> -> memref<1x128xi32, #tpu.memory_space<hbm>>
        %dma_wait3A_354 = tpu.memref_squeeze %dma_wait3A_353 : memref<1x128xi32, #tpu.memory_space<hbm>> -> memref<128xi32, #tpu.memory_space<hbm>>
        %dma_wait3A_355 = arith.constant 0 : i32
        %dma_wait3A_356 = tpu.memref_slice %arg5[%dma_wait3A_349, %dma_wait3A_355] : memref<8x128xi32, #tpu.memory_space<vmem>> -> memref<1x128xi32, #tpu.memory_space<vmem>>
        %dma_wait3A_357 = tpu.memref_squeeze %dma_wait3A_356 : memref<1x128xi32, #tpu.memory_space<vmem>> -> memref<128xi32, #tpu.memory_space<vmem>>
        %dma_wait3A_358 = tpu.memref_slice %arg3[%dma_wait3A, %mul3A_348] : memref<2x160000xi32, #tpu.memory_space<hbm>> -> memref<1x128xi32, #tpu.memory_space<hbm>>
        %dma_wait3A_359 = tpu.memref_squeeze %dma_wait3A_358 : memref<1x128xi32, #tpu.memory_space<hbm>> -> memref<128xi32, #tpu.memory_space<hbm>>
        tpu.wait_dma2 semaphore(%arg7 : memref<!tpu.dma_semaphore, #tpu.memory_space<semaphore_mem>>) src(%dma_wait3A_359 : memref<128xi32, #tpu.memory_space<hbm>>) dst(%dma_wait3A_357 : memref<128xi32, #tpu.memory_space<vmem>>)
      } else {
      }
      %add3A_86 = arith.constant 3 : i32
      %add3A_87 = arith.addi %add3A_11, %add3A_86 : i32
      %lt3A_88 = arith.constant 1250 : i32
      %lt3A_89 = arith.cmpi slt, %add3A_87, %lt3A_88 : i32
      %convert_element_type3A_90 = arith.extui %lt3A_89 : i1 to i32
      %cond3A_91 = arith.constant 0 : i32
      %cond3A_92 = arith.cmpi ne, %convert_element_type3A_90, %cond3A_91 : i32
      scf.if %cond3A_92 {
        %add3A_345 = arith.constant 3 : i32
        %add3A_346 = arith.addi %add3A_11, %add3A_345 : i32
        %mul3A_347 = arith.constant 128 : i32
        %mul3A_348 = arith.muli %add3A_346, %mul3A_347 : i32
        %dma_wait3A = arith.constant 1 : i32
        %dma_wait3A_349 = arith.constant 3 : i32
        %dma_wait3A_350 = arith.constant 0 : i32
        %dma_wait3A_351 = tpu.memref_slice %arg5[%dma_wait3A_349, %dma_wait3A_350] : memref<8x128xi32, #tpu.memory_space<vmem>> -> memref<1x128xi32, #tpu.memory_space<vmem>>
        %dma_wait3A_352 = tpu.memref_squeeze %dma_wait3A_351 : memref<1x128xi32, #tpu.memory_space<vmem>> -> memref<128xi32, #tpu.memory_space<vmem>>
        %dma_wait3A_353 = tpu.memref_slice %arg3[%dma_wait3A, %mul3A_348] : memref<2x160000xi32, #tpu.memory_space<hbm>> -> memref<1x128xi32, #tpu.memory_space<hbm>>
        %dma_wait3A_354 = tpu.memref_squeeze %dma_wait3A_353 : memref<1x128xi32, #tpu.memory_space<hbm>> -> memref<128xi32, #tpu.memory_space<hbm>>
        %dma_wait3A_355 = arith.constant 0 : i32
        %dma_wait3A_356 = tpu.memref_slice %arg5[%dma_wait3A_349, %dma_wait3A_355] : memref<8x128xi32, #tpu.memory_space<vmem>> -> memref<1x128xi32, #tpu.memory_space<vmem>>
        %dma_wait3A_357 = tpu.memref_squeeze %dma_wait3A_356 : memref<1x128xi32, #tpu.memory_space<vmem>> -> memref<128xi32, #tpu.memory_space<vmem>>
        %dma_wait3A_358 = tpu.memref_slice %arg3[%dma_wait3A, %mul3A_348] : memref<2x160000xi32, #tpu.memory_space<hbm>> -> memref<1x128xi32, #tpu.memory_space<hbm>>
        %dma_wait3A_359 = tpu.memref_squeeze %dma_wait3A_358 : memref<1x128xi32, #tpu.memory_space<hbm>> -> memref<128xi32, #tpu.memory_space<hbm>>
        tpu.wait_dma2 semaphore(%arg7 : memref<!tpu.dma_semaphore, #tpu.memory_space<semaphore_mem>>) src(%dma_wait3A_359 : memref<128xi32, #tpu.memory_space<hbm>>) dst(%dma_wait3A_357 : memref<128xi32, #tpu.memory_space<vmem>>)
      } else {
      }
      %add3A_93 = arith.constant 4 : i32
      %add3A_94 = arith.addi %add3A_11, %add3A_93 : i32
      %lt3A_95 = arith.constant 1250 : i32
      %lt3A_96 = arith.cmpi slt, %add3A_94, %lt3A_95 : i32
      %convert_element_type3A_97 = arith.extui %lt3A_96 : i1 to i32
      %cond3A_98 = arith.constant 0 : i32
      %cond3A_99 = arith.cmpi ne, %convert_element_type3A_97, %cond3A_98 : i32
      scf.if %cond3A_99 {
        %add3A_345 = arith.constant 4 : i32
        %add3A_346 = arith.addi %add3A_11, %add3A_345 : i32
        %mul3A_347 = arith.constant 128 : i32
        %mul3A_348 = arith.muli %add3A_346, %mul3A_347 : i32
        %dma_wait3A = arith.constant 1 : i32
        %dma_wait3A_349 = arith.constant 4 : i32
        %dma_wait3A_350 = arith.constant 0 : i32
        %dma_wait3A_351 = tpu.memref_slice %arg5[%dma_wait3A_349, %dma_wait3A_350] : memref<8x128xi32, #tpu.memory_space<vmem>> -> memref<1x128xi32, #tpu.memory_space<vmem>>
        %dma_wait3A_352 = tpu.memref_squeeze %dma_wait3A_351 : memref<1x128xi32, #tpu.memory_space<vmem>> -> memref<128xi32, #tpu.memory_space<vmem>>
        %dma_wait3A_353 = tpu.memref_slice %arg3[%dma_wait3A, %mul3A_348] : memref<2x160000xi32, #tpu.memory_space<hbm>> -> memref<1x128xi32, #tpu.memory_space<hbm>>
        %dma_wait3A_354 = tpu.memref_squeeze %dma_wait3A_353 : memref<1x128xi32, #tpu.memory_space<hbm>> -> memref<128xi32, #tpu.memory_space<hbm>>
        %dma_wait3A_355 = arith.constant 0 : i32
        %dma_wait3A_356 = tpu.memref_slice %arg5[%dma_wait3A_349, %dma_wait3A_355] : memref<8x128xi32, #tpu.memory_space<vmem>> -> memref<1x128xi32, #tpu.memory_space<vmem>>
        %dma_wait3A_357 = tpu.memref_squeeze %dma_wait3A_356 : memref<1x128xi32, #tpu.memory_space<vmem>> -> memref<128xi32, #tpu.memory_space<vmem>>
        %dma_wait3A_358 = tpu.memref_slice %arg3[%dma_wait3A, %mul3A_348] : memref<2x160000xi32, #tpu.memory_space<hbm>> -> memref<1x128xi32, #tpu.memory_space<hbm>>
        %dma_wait3A_359 = tpu.memref_squeeze %dma_wait3A_358 : memref<1x128xi32, #tpu.memory_space<hbm>> -> memref<128xi32, #tpu.memory_space<hbm>>
        tpu.wait_dma2 semaphore(%arg7 : memref<!tpu.dma_semaphore, #tpu.memory_space<semaphore_mem>>) src(%dma_wait3A_359 : memref<128xi32, #tpu.memory_space<hbm>>) dst(%dma_wait3A_357 : memref<128xi32, #tpu.memory_space<vmem>>)
      } else {
      }
      %add3A_100 = arith.constant 5 : i32
      %add3A_101 = arith.addi %add3A_11, %add3A_100 : i32
      %lt3A_102 = arith.constant 1250 : i32
      %lt3A_103 = arith.cmpi slt, %add3A_101, %lt3A_102 : i32
      %convert_element_type3A_104 = arith.extui %lt3A_103 : i1 to i32
      %cond3A_105 = arith.constant 0 : i32
      %cond3A_106 = arith.cmpi ne, %convert_element_type3A_104, %cond3A_105 : i32
      scf.if %cond3A_106 {
        %add3A_345 = arith.constant 5 : i32
        %add3A_346 = arith.addi %add3A_11, %add3A_345 : i32
        %mul3A_347 = arith.constant 128 : i32
        %mul3A_348 = arith.muli %add3A_346, %mul3A_347 : i32
        %dma_wait3A = arith.constant 1 : i32
        %dma_wait3A_349 = arith.constant 5 : i32
        %dma_wait3A_350 = arith.constant 0 : i32
        %dma_wait3A_351 = tpu.memref_slice %arg5[%dma_wait3A_349, %dma_wait3A_350] : memref<8x128xi32, #tpu.memory_space<vmem>> -> memref<1x128xi32, #tpu.memory_space<vmem>>
        %dma_wait3A_352 = tpu.memref_squeeze %dma_wait3A_351 : memref<1x128xi32, #tpu.memory_space<vmem>> -> memref<128xi32, #tpu.memory_space<vmem>>
        %dma_wait3A_353 = tpu.memref_slice %arg3[%dma_wait3A, %mul3A_348] : memref<2x160000xi32, #tpu.memory_space<hbm>> -> memref<1x128xi32, #tpu.memory_space<hbm>>
        %dma_wait3A_354 = tpu.memref_squeeze %dma_wait3A_353 : memref<1x128xi32, #tpu.memory_space<hbm>> -> memref<128xi32, #tpu.memory_space<hbm>>
        %dma_wait3A_355 = arith.constant 0 : i32
        %dma_wait3A_356 = tpu.memref_slice %arg5[%dma_wait3A_349, %dma_wait3A_355] : memref<8x128xi32, #tpu.memory_space<vmem>> -> memref<1x128xi32, #tpu.memory_space<vmem>>
        %dma_wait3A_357 = tpu.memref_squeeze %dma_wait3A_356 : memref<1x128xi32, #tpu.memory_space<vmem>> -> memref<128xi32, #tpu.memory_space<vmem>>
        %dma_wait3A_358 = tpu.memref_slice %arg3[%dma_wait3A, %mul3A_348] : memref<2x160000xi32, #tpu.memory_space<hbm>> -> memref<1x128xi32, #tpu.memory_space<hbm>>
        %dma_wait3A_359 = tpu.memref_squeeze %dma_wait3A_358 : memref<1x128xi32, #tpu.memory_space<hbm>> -> memref<128xi32, #tpu.memory_space<hbm>>
        tpu.wait_dma2 semaphore(%arg7 : memref<!tpu.dma_semaphore, #tpu.memory_space<semaphore_mem>>) src(%dma_wait3A_359 : memref<128xi32, #tpu.memory_space<hbm>>) dst(%dma_wait3A_357 : memref<128xi32, #tpu.memory_space<vmem>>)
      } else {
      }
      %add3A_107 = arith.constant 6 : i32
      %add3A_108 = arith.addi %add3A_11, %add3A_107 : i32
      %lt3A_109 = arith.constant 1250 : i32
      %lt3A_110 = arith.cmpi slt, %add3A_108, %lt3A_109 : i32
      %convert_element_type3A_111 = arith.extui %lt3A_110 : i1 to i32
      %cond3A_112 = arith.constant 0 : i32
      %cond3A_113 = arith.cmpi ne, %convert_element_type3A_111, %cond3A_112 : i32
      scf.if %cond3A_113 {
        %add3A_345 = arith.constant 6 : i32
        %add3A_346 = arith.addi %add3A_11, %add3A_345 : i32
        %mul3A_347 = arith.constant 128 : i32
        %mul3A_348 = arith.muli %add3A_346, %mul3A_347 : i32
        %dma_wait3A = arith.constant 1 : i32
        %dma_wait3A_349 = arith.constant 6 : i32
        %dma_wait3A_350 = arith.constant 0 : i32
        %dma_wait3A_351 = tpu.memref_slice %arg5[%dma_wait3A_349, %dma_wait3A_350] : memref<8x128xi32, #tpu.memory_space<vmem>> -> memref<1x128xi32, #tpu.memory_space<vmem>>
        %dma_wait3A_352 = tpu.memref_squeeze %dma_wait3A_351 : memref<1x128xi32, #tpu.memory_space<vmem>> -> memref<128xi32, #tpu.memory_space<vmem>>
        %dma_wait3A_353 = tpu.memref_slice %arg3[%dma_wait3A, %mul3A_348] : memref<2x160000xi32, #tpu.memory_space<hbm>> -> memref<1x128xi32, #tpu.memory_space<hbm>>
        %dma_wait3A_354 = tpu.memref_squeeze %dma_wait3A_353 : memref<1x128xi32, #tpu.memory_space<hbm>> -> memref<128xi32, #tpu.memory_space<hbm>>
        %dma_wait3A_355 = arith.constant 0 : i32
        %dma_wait3A_356 = tpu.memref_slice %arg5[%dma_wait3A_349, %dma_wait3A_355] : memref<8x128xi32, #tpu.memory_space<vmem>> -> memref<1x128xi32, #tpu.memory_space<vmem>>
        %dma_wait3A_357 = tpu.memref_squeeze %dma_wait3A_356 : memref<1x128xi32, #tpu.memory_space<vmem>> -> memref<128xi32, #tpu.memory_space<vmem>>
        %dma_wait3A_358 = tpu.memref_slice %arg3[%dma_wait3A, %mul3A_348] : memref<2x160000xi32, #tpu.memory_space<hbm>> -> memref<1x128xi32, #tpu.memory_space<hbm>>
        %dma_wait3A_359 = tpu.memref_squeeze %dma_wait3A_358 : memref<1x128xi32, #tpu.memory_space<hbm>> -> memref<128xi32, #tpu.memory_space<hbm>>
        tpu.wait_dma2 semaphore(%arg7 : memref<!tpu.dma_semaphore, #tpu.memory_space<semaphore_mem>>) src(%dma_wait3A_359 : memref<128xi32, #tpu.memory_space<hbm>>) dst(%dma_wait3A_357 : memref<128xi32, #tpu.memory_space<vmem>>)
      } else {
      }
      %add3A_114 = arith.constant 7 : i32
      %add3A_115 = arith.addi %add3A_11, %add3A_114 : i32
      %lt3A_116 = arith.constant 1250 : i32
      %lt3A_117 = arith.cmpi slt, %add3A_115, %lt3A_116 : i32
      %convert_element_type3A_118 = arith.extui %lt3A_117 : i1 to i32
      %cond3A_119 = arith.constant 0 : i32
      %cond3A_120 = arith.cmpi ne, %convert_element_type3A_118, %cond3A_119 : i32
      scf.if %cond3A_120 {
        %add3A_345 = arith.constant 7 : i32
        %add3A_346 = arith.addi %add3A_11, %add3A_345 : i32
        %mul3A_347 = arith.constant 128 : i32
        %mul3A_348 = arith.muli %add3A_346, %mul3A_347 : i32
        %dma_wait3A = arith.constant 1 : i32
        %dma_wait3A_349 = arith.constant 7 : i32
        %dma_wait3A_350 = arith.constant 0 : i32
        %dma_wait3A_351 = tpu.memref_slice %arg5[%dma_wait3A_349, %dma_wait3A_350] : memref<8x128xi32, #tpu.memory_space<vmem>> -> memref<1x128xi32, #tpu.memory_space<vmem>>
        %dma_wait3A_352 = tpu.memref_squeeze %dma_wait3A_351 : memref<1x128xi32, #tpu.memory_space<vmem>> -> memref<128xi32, #tpu.memory_space<vmem>>
        %dma_wait3A_353 = tpu.memref_slice %arg3[%dma_wait3A, %mul3A_348] : memref<2x160000xi32, #tpu.memory_space<hbm>> -> memref<1x128xi32, #tpu.memory_space<hbm>>
        %dma_wait3A_354 = tpu.memref_squeeze %dma_wait3A_353 : memref<1x128xi32, #tpu.memory_space<hbm>> -> memref<128xi32, #tpu.memory_space<hbm>>
        %dma_wait3A_355 = arith.constant 0 : i32
        %dma_wait3A_356 = tpu.memref_slice %arg5[%dma_wait3A_349, %dma_wait3A_355] : memref<8x128xi32, #tpu.memory_space<vmem>> -> memref<1x128xi32, #tpu.memory_space<vmem>>
        %dma_wait3A_357 = tpu.memref_squeeze %dma_wait3A_356 : memref<1x128xi32, #tpu.memory_space<vmem>> -> memref<128xi32, #tpu.memory_space<vmem>>
        %dma_wait3A_358 = tpu.memref_slice %arg3[%dma_wait3A, %mul3A_348] : memref<2x160000xi32, #tpu.memory_space<hbm>> -> memref<1x128xi32, #tpu.memory_space<hbm>>
        %dma_wait3A_359 = tpu.memref_squeeze %dma_wait3A_358 : memref<1x128xi32, #tpu.memory_space<hbm>> -> memref<128xi32, #tpu.memory_space<hbm>>
        tpu.wait_dma2 semaphore(%arg7 : memref<!tpu.dma_semaphore, #tpu.memory_space<semaphore_mem>>) src(%dma_wait3A_359 : memref<128xi32, #tpu.memory_space<hbm>>) dst(%dma_wait3A_357 : memref<128xi32, #tpu.memory_space<vmem>>)
      } else {
      }
      %add3A_121 = arith.constant 0 : i32
      %add3A_122 = arith.addi %add3A_11, %add3A_121 : i32
      %lt3A_123 = arith.constant 1250 : i32
      %lt3A_124 = arith.cmpi slt, %add3A_122, %lt3A_123 : i32
      %convert_element_type3A_125 = arith.extui %lt3A_124 : i1 to i32
      %cond3A_126 = arith.constant 0 : i32
      %cond3A_127 = arith.cmpi ne, %convert_element_type3A_125, %cond3A_126 : i32
      scf.if %cond3A_127 {
        %dma_start3A = arith.constant 0 : i32
        %dma_start3A_345 = arith.constant 0 : i32
        %dma_start3A_346 = arith.constant 0 : i32
        %dma_start3A_347 = tpu.memref_slice %arg6[%dma_start3A_345, %dma_start3A_346] : memref<1024x32xf32, #tpu.memory_space<vmem>> -> memref<128x32xf32, #tpu.memory_space<vmem>>
        %dma_start3A_348 = arith.constant 0 : i32
        %dma_start3A_349 = tpu.memref_slice %arg5[%dma_start3A, %dma_start3A_348] : memref<8x128xi32, #tpu.memory_space<vmem>> -> memref<1x128xi32, #tpu.memory_space<vmem>>
        %dma_start3A_350 = tpu.memref_squeeze %dma_start3A_349 : memref<1x128xi32, #tpu.memory_space<vmem>> -> memref<128xi32, #tpu.memory_space<vmem>>
        %dma_start3A_351 = arith.constant 0 : i32
        %dma_start3A_352 = arith.constant 0 : i32
        %dma_start3A_353 = tpu.memref_slice %arg2[%dma_start3A_351, %dma_start3A_352] : memref<10000x32xf32, #tpu.memory_space<hbm>> -> memref<10000x32xf32, #tpu.memory_space<hbm>>
        tpu.enqueue_indirect_dma source(%dma_start3A_353 : memref<10000x32xf32, #tpu.memory_space<hbm>>) target(%dma_start3A_347 : memref<128x32xf32, #tpu.memory_space<vmem>>) offsets(%dma_start3A_350 : memref<128xi32, #tpu.memory_space<vmem>>) semaphore(%arg8 : memref<!tpu.dma_semaphore, #tpu.memory_space<semaphore_mem>>)
      } else {
      }
      %add3A_128 = arith.constant 1 : i32
      %add3A_129 = arith.addi %add3A_11, %add3A_128 : i32
      %lt3A_130 = arith.constant 1250 : i32
      %lt3A_131 = arith.cmpi slt, %add3A_129, %lt3A_130 : i32
      %convert_element_type3A_132 = arith.extui %lt3A_131 : i1 to i32
      %cond3A_133 = arith.constant 0 : i32
      %cond3A_134 = arith.cmpi ne, %convert_element_type3A_132, %cond3A_133 : i32
      scf.if %cond3A_134 {
        %dma_start3A = arith.constant 1 : i32
        %dma_start3A_345 = arith.constant 128 : i32
        %dma_start3A_346 = arith.constant 0 : i32
        %dma_start3A_347 = tpu.memref_slice %arg6[%dma_start3A_345, %dma_start3A_346] : memref<1024x32xf32, #tpu.memory_space<vmem>> -> memref<128x32xf32, #tpu.memory_space<vmem>>
        %dma_start3A_348 = arith.constant 0 : i32
        %dma_start3A_349 = tpu.memref_slice %arg5[%dma_start3A, %dma_start3A_348] : memref<8x128xi32, #tpu.memory_space<vmem>> -> memref<1x128xi32, #tpu.memory_space<vmem>>
        %dma_start3A_350 = tpu.memref_squeeze %dma_start3A_349 : memref<1x128xi32, #tpu.memory_space<vmem>> -> memref<128xi32, #tpu.memory_space<vmem>>
        %dma_start3A_351 = arith.constant 0 : i32
        %dma_start3A_352 = arith.constant 0 : i32
        %dma_start3A_353 = tpu.memref_slice %arg2[%dma_start3A_351, %dma_start3A_352] : memref<10000x32xf32, #tpu.memory_space<hbm>> -> memref<10000x32xf32, #tpu.memory_space<hbm>>
        tpu.enqueue_indirect_dma source(%dma_start3A_353 : memref<10000x32xf32, #tpu.memory_space<hbm>>) target(%dma_start3A_347 : memref<128x32xf32, #tpu.memory_space<vmem>>) offsets(%dma_start3A_350 : memref<128xi32, #tpu.memory_space<vmem>>) semaphore(%arg8 : memref<!tpu.dma_semaphore, #tpu.memory_space<semaphore_mem>>)
      } else {
      }
      %add3A_135 = arith.constant 2 : i32
      %add3A_136 = arith.addi %add3A_11, %add3A_135 : i32
      %lt3A_137 = arith.constant 1250 : i32
      %lt3A_138 = arith.cmpi slt, %add3A_136, %lt3A_137 : i32
      %convert_element_type3A_139 = arith.extui %lt3A_138 : i1 to i32
      %cond3A_140 = arith.constant 0 : i32
      %cond3A_141 = arith.cmpi ne, %convert_element_type3A_139, %cond3A_140 : i32
      scf.if %cond3A_141 {
        %dma_start3A = arith.constant 2 : i32
        %dma_start3A_345 = arith.constant 256 : i32
        %dma_start3A_346 = arith.constant 0 : i32
        %dma_start3A_347 = tpu.memref_slice %arg6[%dma_start3A_345, %dma_start3A_346] : memref<1024x32xf32, #tpu.memory_space<vmem>> -> memref<128x32xf32, #tpu.memory_space<vmem>>
        %dma_start3A_348 = arith.constant 0 : i32
        %dma_start3A_349 = tpu.memref_slice %arg5[%dma_start3A, %dma_start3A_348] : memref<8x128xi32, #tpu.memory_space<vmem>> -> memref<1x128xi32, #tpu.memory_space<vmem>>
        %dma_start3A_350 = tpu.memref_squeeze %dma_start3A_349 : memref<1x128xi32, #tpu.memory_space<vmem>> -> memref<128xi32, #tpu.memory_space<vmem>>
        %dma_start3A_351 = arith.constant 0 : i32
        %dma_start3A_352 = arith.constant 0 : i32
        %dma_start3A_353 = tpu.memref_slice %arg2[%dma_start3A_351, %dma_start3A_352] : memref<10000x32xf32, #tpu.memory_space<hbm>> -> memref<10000x32xf32, #tpu.memory_space<hbm>>
        tpu.enqueue_indirect_dma source(%dma_start3A_353 : memref<10000x32xf32, #tpu.memory_space<hbm>>) target(%dma_start3A_347 : memref<128x32xf32, #tpu.memory_space<vmem>>) offsets(%dma_start3A_350 : memref<128xi32, #tpu.memory_space<vmem>>) semaphore(%arg8 : memref<!tpu.dma_semaphore, #tpu.memory_space<semaphore_mem>>)
      } else {
      }
      %add3A_142 = arith.constant 3 : i32
      %add3A_143 = arith.addi %add3A_11, %add3A_142 : i32
      %lt3A_144 = arith.constant 1250 : i32
      %lt3A_145 = arith.cmpi slt, %add3A_143, %lt3A_144 : i32
      %convert_element_type3A_146 = arith.extui %lt3A_145 : i1 to i32
      %cond3A_147 = arith.constant 0 : i32
      %cond3A_148 = arith.cmpi ne, %convert_element_type3A_146, %cond3A_147 : i32
      scf.if %cond3A_148 {
        %dma_start3A = arith.constant 3 : i32
        %dma_start3A_345 = arith.constant 384 : i32
        %dma_start3A_346 = arith.constant 0 : i32
        %dma_start3A_347 = tpu.memref_slice %arg6[%dma_start3A_345, %dma_start3A_346] : memref<1024x32xf32, #tpu.memory_space<vmem>> -> memref<128x32xf32, #tpu.memory_space<vmem>>
        %dma_start3A_348 = arith.constant 0 : i32
        %dma_start3A_349 = tpu.memref_slice %arg5[%dma_start3A, %dma_start3A_348] : memref<8x128xi32, #tpu.memory_space<vmem>> -> memref<1x128xi32, #tpu.memory_space<vmem>>
        %dma_start3A_350 = tpu.memref_squeeze %dma_start3A_349 : memref<1x128xi32, #tpu.memory_space<vmem>> -> memref<128xi32, #tpu.memory_space<vmem>>
        %dma_start3A_351 = arith.constant 0 : i32
        %dma_start3A_352 = arith.constant 0 : i32
        %dma_start3A_353 = tpu.memref_slice %arg2[%dma_start3A_351, %dma_start3A_352] : memref<10000x32xf32, #tpu.memory_space<hbm>> -> memref<10000x32xf32, #tpu.memory_space<hbm>>
        tpu.enqueue_indirect_dma source(%dma_start3A_353 : memref<10000x32xf32, #tpu.memory_space<hbm>>) target(%dma_start3A_347 : memref<128x32xf32, #tpu.memory_space<vmem>>) offsets(%dma_start3A_350 : memref<128xi32, #tpu.memory_space<vmem>>) semaphore(%arg8 : memref<!tpu.dma_semaphore, #tpu.memory_space<semaphore_mem>>)
      } else {
      }
      %add3A_149 = arith.constant 4 : i32
      %add3A_150 = arith.addi %add3A_11, %add3A_149 : i32
      %lt3A_151 = arith.constant 1250 : i32
      %lt3A_152 = arith.cmpi slt, %add3A_150, %lt3A_151 : i32
      %convert_element_type3A_153 = arith.extui %lt3A_152 : i1 to i32
      %cond3A_154 = arith.constant 0 : i32
      %cond3A_155 = arith.cmpi ne, %convert_element_type3A_153, %cond3A_154 : i32
      scf.if %cond3A_155 {
        %dma_start3A = arith.constant 4 : i32
        %dma_start3A_345 = arith.constant 512 : i32
        %dma_start3A_346 = arith.constant 0 : i32
        %dma_start3A_347 = tpu.memref_slice %arg6[%dma_start3A_345, %dma_start3A_346] : memref<1024x32xf32, #tpu.memory_space<vmem>> -> memref<128x32xf32, #tpu.memory_space<vmem>>
        %dma_start3A_348 = arith.constant 0 : i32
        %dma_start3A_349 = tpu.memref_slice %arg5[%dma_start3A, %dma_start3A_348] : memref<8x128xi32, #tpu.memory_space<vmem>> -> memref<1x128xi32, #tpu.memory_space<vmem>>
        %dma_start3A_350 = tpu.memref_squeeze %dma_start3A_349 : memref<1x128xi32, #tpu.memory_space<vmem>> -> memref<128xi32, #tpu.memory_space<vmem>>
        %dma_start3A_351 = arith.constant 0 : i32
        %dma_start3A_352 = arith.constant 0 : i32
        %dma_start3A_353 = tpu.memref_slice %arg2[%dma_start3A_351, %dma_start3A_352] : memref<10000x32xf32, #tpu.memory_space<hbm>> -> memref<10000x32xf32, #tpu.memory_space<hbm>>
        tpu.enqueue_indirect_dma source(%dma_start3A_353 : memref<10000x32xf32, #tpu.memory_space<hbm>>) target(%dma_start3A_347 : memref<128x32xf32, #tpu.memory_space<vmem>>) offsets(%dma_start3A_350 : memref<128xi32, #tpu.memory_space<vmem>>) semaphore(%arg8 : memref<!tpu.dma_semaphore, #tpu.memory_space<semaphore_mem>>)
      } else {
      }
      %add3A_156 = arith.constant 5 : i32
      %add3A_157 = arith.addi %add3A_11, %add3A_156 : i32
      %lt3A_158 = arith.constant 1250 : i32
      %lt3A_159 = arith.cmpi slt, %add3A_157, %lt3A_158 : i32
      %convert_element_type3A_160 = arith.extui %lt3A_159 : i1 to i32
      %cond3A_161 = arith.constant 0 : i32
      %cond3A_162 = arith.cmpi ne, %convert_element_type3A_160, %cond3A_161 : i32
      scf.if %cond3A_162 {
        %dma_start3A = arith.constant 5 : i32
        %dma_start3A_345 = arith.constant 640 : i32
        %dma_start3A_346 = arith.constant 0 : i32
        %dma_start3A_347 = tpu.memref_slice %arg6[%dma_start3A_345, %dma_start3A_346] : memref<1024x32xf32, #tpu.memory_space<vmem>> -> memref<128x32xf32, #tpu.memory_space<vmem>>
        %dma_start3A_348 = arith.constant 0 : i32
        %dma_start3A_349 = tpu.memref_slice %arg5[%dma_start3A, %dma_start3A_348] : memref<8x128xi32, #tpu.memory_space<vmem>> -> memref<1x128xi32, #tpu.memory_space<vmem>>
        %dma_start3A_350 = tpu.memref_squeeze %dma_start3A_349 : memref<1x128xi32, #tpu.memory_space<vmem>> -> memref<128xi32, #tpu.memory_space<vmem>>
        %dma_start3A_351 = arith.constant 0 : i32
        %dma_start3A_352 = arith.constant 0 : i32
        %dma_start3A_353 = tpu.memref_slice %arg2[%dma_start3A_351, %dma_start3A_352] : memref<10000x32xf32, #tpu.memory_space<hbm>> -> memref<10000x32xf32, #tpu.memory_space<hbm>>
        tpu.enqueue_indirect_dma source(%dma_start3A_353 : memref<10000x32xf32, #tpu.memory_space<hbm>>) target(%dma_start3A_347 : memref<128x32xf32, #tpu.memory_space<vmem>>) offsets(%dma_start3A_350 : memref<128xi32, #tpu.memory_space<vmem>>) semaphore(%arg8 : memref<!tpu.dma_semaphore, #tpu.memory_space<semaphore_mem>>)
      } else {
      }
      %add3A_163 = arith.constant 6 : i32
      %add3A_164 = arith.addi %add3A_11, %add3A_163 : i32
      %lt3A_165 = arith.constant 1250 : i32
      %lt3A_166 = arith.cmpi slt, %add3A_164, %lt3A_165 : i32
      %convert_element_type3A_167 = arith.extui %lt3A_166 : i1 to i32
      %cond3A_168 = arith.constant 0 : i32
      %cond3A_169 = arith.cmpi ne, %convert_element_type3A_167, %cond3A_168 : i32
      scf.if %cond3A_169 {
        %dma_start3A = arith.constant 6 : i32
        %dma_start3A_345 = arith.constant 768 : i32
        %dma_start3A_346 = arith.constant 0 : i32
        %dma_start3A_347 = tpu.memref_slice %arg6[%dma_start3A_345, %dma_start3A_346] : memref<1024x32xf32, #tpu.memory_space<vmem>> -> memref<128x32xf32, #tpu.memory_space<vmem>>
        %dma_start3A_348 = arith.constant 0 : i32
        %dma_start3A_349 = tpu.memref_slice %arg5[%dma_start3A, %dma_start3A_348] : memref<8x128xi32, #tpu.memory_space<vmem>> -> memref<1x128xi32, #tpu.memory_space<vmem>>
        %dma_start3A_350 = tpu.memref_squeeze %dma_start3A_349 : memref<1x128xi32, #tpu.memory_space<vmem>> -> memref<128xi32, #tpu.memory_space<vmem>>
        %dma_start3A_351 = arith.constant 0 : i32
        %dma_start3A_352 = arith.constant 0 : i32
        %dma_start3A_353 = tpu.memref_slice %arg2[%dma_start3A_351, %dma_start3A_352] : memref<10000x32xf32, #tpu.memory_space<hbm>> -> memref<10000x32xf32, #tpu.memory_space<hbm>>
        tpu.enqueue_indirect_dma source(%dma_start3A_353 : memref<10000x32xf32, #tpu.memory_space<hbm>>) target(%dma_start3A_347 : memref<128x32xf32, #tpu.memory_space<vmem>>) offsets(%dma_start3A_350 : memref<128xi32, #tpu.memory_space<vmem>>) semaphore(%arg8 : memref<!tpu.dma_semaphore, #tpu.memory_space<semaphore_mem>>)
      } else {
      }
      %add3A_170 = arith.constant 7 : i32
      %add3A_171 = arith.addi %add3A_11, %add3A_170 : i32
      %lt3A_172 = arith.constant 1250 : i32
      %lt3A_173 = arith.cmpi slt, %add3A_171, %lt3A_172 : i32
      %convert_element_type3A_174 = arith.extui %lt3A_173 : i1 to i32
      %cond3A_175 = arith.constant 0 : i32
      %cond3A_176 = arith.cmpi ne, %convert_element_type3A_174, %cond3A_175 : i32
      scf.if %cond3A_176 {
        %dma_start3A = arith.constant 7 : i32
        %dma_start3A_345 = arith.constant 896 : i32
        %dma_start3A_346 = arith.constant 0 : i32
        %dma_start3A_347 = tpu.memref_slice %arg6[%dma_start3A_345, %dma_start3A_346] : memref<1024x32xf32, #tpu.memory_space<vmem>> -> memref<128x32xf32, #tpu.memory_space<vmem>>
        %dma_start3A_348 = arith.constant 0 : i32
        %dma_start3A_349 = tpu.memref_slice %arg5[%dma_start3A, %dma_start3A_348] : memref<8x128xi32, #tpu.memory_space<vmem>> -> memref<1x128xi32, #tpu.memory_space<vmem>>
        %dma_start3A_350 = tpu.memref_squeeze %dma_start3A_349 : memref<1x128xi32, #tpu.memory_space<vmem>> -> memref<128xi32, #tpu.memory_space<vmem>>
        %dma_start3A_351 = arith.constant 0 : i32
        %dma_start3A_352 = arith.constant 0 : i32
        %dma_start3A_353 = tpu.memref_slice %arg2[%dma_start3A_351, %dma_start3A_352] : memref<10000x32xf32, #tpu.memory_space<hbm>> -> memref<10000x32xf32, #tpu.memory_space<hbm>>
        tpu.enqueue_indirect_dma source(%dma_start3A_353 : memref<10000x32xf32, #tpu.memory_space<hbm>>) target(%dma_start3A_347 : memref<128x32xf32, #tpu.memory_space<vmem>>) offsets(%dma_start3A_350 : memref<128xi32, #tpu.memory_space<vmem>>) semaphore(%arg8 : memref<!tpu.dma_semaphore, #tpu.memory_space<semaphore_mem>>)
      } else {
      }
      %add3A_177 = arith.constant 0 : i32
      %add3A_178 = arith.addi %add3A_11, %add3A_177 : i32
      %lt3A_179 = arith.constant 1250 : i32
      %lt3A_180 = arith.cmpi slt, %add3A_178, %lt3A_179 : i32
      %convert_element_type3A_181 = arith.extui %lt3A_180 : i1 to i32
      %cond3A_182 = arith.constant 0 : i32
      %cond3A_183 = arith.cmpi ne, %convert_element_type3A_181, %cond3A_182 : i32
      scf.if %cond3A_183 {
        %dma_wait3A = arith.constant 0 : i32
        %dma_wait3A_345 = arith.constant 0 : i32
        %dma_wait3A_346 = arith.constant 0 : i32
        %dma_wait3A_347 = tpu.memref_slice %arg6[%dma_wait3A_345, %dma_wait3A_346] : memref<1024x32xf32, #tpu.memory_space<vmem>> -> memref<128x32xf32, #tpu.memory_space<vmem>>
        %dma_wait3A_348 = arith.constant 0 : i32
        %dma_wait3A_349 = tpu.memref_slice %arg5[%dma_wait3A, %dma_wait3A_348] : memref<8x128xi32, #tpu.memory_space<vmem>> -> memref<1x128xi32, #tpu.memory_space<vmem>>
        %dma_wait3A_350 = tpu.memref_squeeze %dma_wait3A_349 : memref<1x128xi32, #tpu.memory_space<vmem>> -> memref<128xi32, #tpu.memory_space<vmem>>
        %dma_wait3A_351 = arith.constant 0 : i32
        %dma_wait3A_352 = arith.constant 0 : i32
        %dma_wait3A_353 = tpu.memref_slice %arg2[%dma_wait3A_351, %dma_wait3A_352] : memref<10000x32xf32, #tpu.memory_space<hbm>> -> memref<10000x32xf32, #tpu.memory_space<hbm>>
        tpu.wait_indirect_dma semaphore(%arg8 : memref<!tpu.dma_semaphore, #tpu.memory_space<semaphore_mem>>) src(%dma_wait3A_353 : memref<10000x32xf32, #tpu.memory_space<hbm>>) dst(%dma_wait3A_347 : memref<128x32xf32, #tpu.memory_space<vmem>>)
      } else {
      }
      %add3A_184 = arith.constant 1 : i32
      %add3A_185 = arith.addi %add3A_11, %add3A_184 : i32
      %lt3A_186 = arith.constant 1250 : i32
      %lt3A_187 = arith.cmpi slt, %add3A_185, %lt3A_186 : i32
      %convert_element_type3A_188 = arith.extui %lt3A_187 : i1 to i32
      %cond3A_189 = arith.constant 0 : i32
      %cond3A_190 = arith.cmpi ne, %convert_element_type3A_188, %cond3A_189 : i32
      scf.if %cond3A_190 {
        %dma_wait3A = arith.constant 1 : i32
        %dma_wait3A_345 = arith.constant 128 : i32
        %dma_wait3A_346 = arith.constant 0 : i32
        %dma_wait3A_347 = tpu.memref_slice %arg6[%dma_wait3A_345, %dma_wait3A_346] : memref<1024x32xf32, #tpu.memory_space<vmem>> -> memref<128x32xf32, #tpu.memory_space<vmem>>
        %dma_wait3A_348 = arith.constant 0 : i32
        %dma_wait3A_349 = tpu.memref_slice %arg5[%dma_wait3A, %dma_wait3A_348] : memref<8x128xi32, #tpu.memory_space<vmem>> -> memref<1x128xi32, #tpu.memory_space<vmem>>
        %dma_wait3A_350 = tpu.memref_squeeze %dma_wait3A_349 : memref<1x128xi32, #tpu.memory_space<vmem>> -> memref<128xi32, #tpu.memory_space<vmem>>
        %dma_wait3A_351 = arith.constant 0 : i32
        %dma_wait3A_352 = arith.constant 0 : i32
        %dma_wait3A_353 = tpu.memref_slice %arg2[%dma_wait3A_351, %dma_wait3A_352] : memref<10000x32xf32, #tpu.memory_space<hbm>> -> memref<10000x32xf32, #tpu.memory_space<hbm>>
        tpu.wait_indirect_dma semaphore(%arg8 : memref<!tpu.dma_semaphore, #tpu.memory_space<semaphore_mem>>) src(%dma_wait3A_353 : memref<10000x32xf32, #tpu.memory_space<hbm>>) dst(%dma_wait3A_347 : memref<128x32xf32, #tpu.memory_space<vmem>>)
      } else {
      }
      %add3A_191 = arith.constant 2 : i32
      %add3A_192 = arith.addi %add3A_11, %add3A_191 : i32
      %lt3A_193 = arith.constant 1250 : i32
      %lt3A_194 = arith.cmpi slt, %add3A_192, %lt3A_193 : i32
      %convert_element_type3A_195 = arith.extui %lt3A_194 : i1 to i32
      %cond3A_196 = arith.constant 0 : i32
      %cond3A_197 = arith.cmpi ne, %convert_element_type3A_195, %cond3A_196 : i32
      scf.if %cond3A_197 {
        %dma_wait3A = arith.constant 2 : i32
        %dma_wait3A_345 = arith.constant 256 : i32
        %dma_wait3A_346 = arith.constant 0 : i32
        %dma_wait3A_347 = tpu.memref_slice %arg6[%dma_wait3A_345, %dma_wait3A_346] : memref<1024x32xf32, #tpu.memory_space<vmem>> -> memref<128x32xf32, #tpu.memory_space<vmem>>
        %dma_wait3A_348 = arith.constant 0 : i32
        %dma_wait3A_349 = tpu.memref_slice %arg5[%dma_wait3A, %dma_wait3A_348] : memref<8x128xi32, #tpu.memory_space<vmem>> -> memref<1x128xi32, #tpu.memory_space<vmem>>
        %dma_wait3A_350 = tpu.memref_squeeze %dma_wait3A_349 : memref<1x128xi32, #tpu.memory_space<vmem>> -> memref<128xi32, #tpu.memory_space<vmem>>
        %dma_wait3A_351 = arith.constant 0 : i32
        %dma_wait3A_352 = arith.constant 0 : i32
        %dma_wait3A_353 = tpu.memref_slice %arg2[%dma_wait3A_351, %dma_wait3A_352] : memref<10000x32xf32, #tpu.memory_space<hbm>> -> memref<10000x32xf32, #tpu.memory_space<hbm>>
        tpu.wait_indirect_dma semaphore(%arg8 : memref<!tpu.dma_semaphore, #tpu.memory_space<semaphore_mem>>) src(%dma_wait3A_353 : memref<10000x32xf32, #tpu.memory_space<hbm>>) dst(%dma_wait3A_347 : memref<128x32xf32, #tpu.memory_space<vmem>>)
      } else {
      }
      %add3A_198 = arith.constant 3 : i32
      %add3A_199 = arith.addi %add3A_11, %add3A_198 : i32
      %lt3A_200 = arith.constant 1250 : i32
      %lt3A_201 = arith.cmpi slt, %add3A_199, %lt3A_200 : i32
      %convert_element_type3A_202 = arith.extui %lt3A_201 : i1 to i32
      %cond3A_203 = arith.constant 0 : i32
      %cond3A_204 = arith.cmpi ne, %convert_element_type3A_202, %cond3A_203 : i32
      scf.if %cond3A_204 {
        %dma_wait3A = arith.constant 3 : i32
        %dma_wait3A_345 = arith.constant 384 : i32
        %dma_wait3A_346 = arith.constant 0 : i32
        %dma_wait3A_347 = tpu.memref_slice %arg6[%dma_wait3A_345, %dma_wait3A_346] : memref<1024x32xf32, #tpu.memory_space<vmem>> -> memref<128x32xf32, #tpu.memory_space<vmem>>
        %dma_wait3A_348 = arith.constant 0 : i32
        %dma_wait3A_349 = tpu.memref_slice %arg5[%dma_wait3A, %dma_wait3A_348] : memref<8x128xi32, #tpu.memory_space<vmem>> -> memref<1x128xi32, #tpu.memory_space<vmem>>
        %dma_wait3A_350 = tpu.memref_squeeze %dma_wait3A_349 : memref<1x128xi32, #tpu.memory_space<vmem>> -> memref<128xi32, #tpu.memory_space<vmem>>
        %dma_wait3A_351 = arith.constant 0 : i32
        %dma_wait3A_352 = arith.constant 0 : i32
        %dma_wait3A_353 = tpu.memref_slice %arg2[%dma_wait3A_351, %dma_wait3A_352] : memref<10000x32xf32, #tpu.memory_space<hbm>> -> memref<10000x32xf32, #tpu.memory_space<hbm>>
        tpu.wait_indirect_dma semaphore(%arg8 : memref<!tpu.dma_semaphore, #tpu.memory_space<semaphore_mem>>) src(%dma_wait3A_353 : memref<10000x32xf32, #tpu.memory_space<hbm>>) dst(%dma_wait3A_347 : memref<128x32xf32, #tpu.memory_space<vmem>>)
      } else {
      }
      %add3A_205 = arith.constant 4 : i32
      %add3A_206 = arith.addi %add3A_11, %add3A_205 : i32
      %lt3A_207 = arith.constant 1250 : i32
      %lt3A_208 = arith.cmpi slt, %add3A_206, %lt3A_207 : i32
      %convert_element_type3A_209 = arith.extui %lt3A_208 : i1 to i32
      %cond3A_210 = arith.constant 0 : i32
      %cond3A_211 = arith.cmpi ne, %convert_element_type3A_209, %cond3A_210 : i32
      scf.if %cond3A_211 {
        %dma_wait3A = arith.constant 4 : i32
        %dma_wait3A_345 = arith.constant 512 : i32
        %dma_wait3A_346 = arith.constant 0 : i32
        %dma_wait3A_347 = tpu.memref_slice %arg6[%dma_wait3A_345, %dma_wait3A_346] : memref<1024x32xf32, #tpu.memory_space<vmem>> -> memref<128x32xf32, #tpu.memory_space<vmem>>
        %dma_wait3A_348 = arith.constant 0 : i32
        %dma_wait3A_349 = tpu.memref_slice %arg5[%dma_wait3A, %dma_wait3A_348] : memref<8x128xi32, #tpu.memory_space<vmem>> -> memref<1x128xi32, #tpu.memory_space<vmem>>
        %dma_wait3A_350 = tpu.memref_squeeze %dma_wait3A_349 : memref<1x128xi32, #tpu.memory_space<vmem>> -> memref<128xi32, #tpu.memory_space<vmem>>
        %dma_wait3A_351 = arith.constant 0 : i32
        %dma_wait3A_352 = arith.constant 0 : i32
        %dma_wait3A_353 = tpu.memref_slice %arg2[%dma_wait3A_351, %dma_wait3A_352] : memref<10000x32xf32, #tpu.memory_space<hbm>> -> memref<10000x32xf32, #tpu.memory_space<hbm>>
        tpu.wait_indirect_dma semaphore(%arg8 : memref<!tpu.dma_semaphore, #tpu.memory_space<semaphore_mem>>) src(%dma_wait3A_353 : memref<10000x32xf32, #tpu.memory_space<hbm>>) dst(%dma_wait3A_347 : memref<128x32xf32, #tpu.memory_space<vmem>>)
      } else {
      }
      %add3A_212 = arith.constant 5 : i32
      %add3A_213 = arith.addi %add3A_11, %add3A_212 : i32
      %lt3A_214 = arith.constant 1250 : i32
      %lt3A_215 = arith.cmpi slt, %add3A_213, %lt3A_214 : i32
      %convert_element_type3A_216 = arith.extui %lt3A_215 : i1 to i32
      %cond3A_217 = arith.constant 0 : i32
      %cond3A_218 = arith.cmpi ne, %convert_element_type3A_216, %cond3A_217 : i32
      scf.if %cond3A_218 {
        %dma_wait3A = arith.constant 5 : i32
        %dma_wait3A_345 = arith.constant 640 : i32
        %dma_wait3A_346 = arith.constant 0 : i32
        %dma_wait3A_347 = tpu.memref_slice %arg6[%dma_wait3A_345, %dma_wait3A_346] : memref<1024x32xf32, #tpu.memory_space<vmem>> -> memref<128x32xf32, #tpu.memory_space<vmem>>
        %dma_wait3A_348 = arith.constant 0 : i32
        %dma_wait3A_349 = tpu.memref_slice %arg5[%dma_wait3A, %dma_wait3A_348] : memref<8x128xi32, #tpu.memory_space<vmem>> -> memref<1x128xi32, #tpu.memory_space<vmem>>
        %dma_wait3A_350 = tpu.memref_squeeze %dma_wait3A_349 : memref<1x128xi32, #tpu.memory_space<vmem>> -> memref<128xi32, #tpu.memory_space<vmem>>
        %dma_wait3A_351 = arith.constant 0 : i32
        %dma_wait3A_352 = arith.constant 0 : i32
        %dma_wait3A_353 = tpu.memref_slice %arg2[%dma_wait3A_351, %dma_wait3A_352] : memref<10000x32xf32, #tpu.memory_space<hbm>> -> memref<10000x32xf32, #tpu.memory_space<hbm>>
        tpu.wait_indirect_dma semaphore(%arg8 : memref<!tpu.dma_semaphore, #tpu.memory_space<semaphore_mem>>) src(%dma_wait3A_353 : memref<10000x32xf32, #tpu.memory_space<hbm>>) dst(%dma_wait3A_347 : memref<128x32xf32, #tpu.memory_space<vmem>>)
      } else {
      }
      %add3A_219 = arith.constant 6 : i32
      %add3A_220 = arith.addi %add3A_11, %add3A_219 : i32
      %lt3A_221 = arith.constant 1250 : i32
      %lt3A_222 = arith.cmpi slt, %add3A_220, %lt3A_221 : i32
      %convert_element_type3A_223 = arith.extui %lt3A_222 : i1 to i32
      %cond3A_224 = arith.constant 0 : i32
      %cond3A_225 = arith.cmpi ne, %convert_element_type3A_223, %cond3A_224 : i32
      scf.if %cond3A_225 {
        %dma_wait3A = arith.constant 6 : i32
        %dma_wait3A_345 = arith.constant 768 : i32
        %dma_wait3A_346 = arith.constant 0 : i32
        %dma_wait3A_347 = tpu.memref_slice %arg6[%dma_wait3A_345, %dma_wait3A_346] : memref<1024x32xf32, #tpu.memory_space<vmem>> -> memref<128x32xf32, #tpu.memory_space<vmem>>
        %dma_wait3A_348 = arith.constant 0 : i32
        %dma_wait3A_349 = tpu.memref_slice %arg5[%dma_wait3A, %dma_wait3A_348] : memref<8x128xi32, #tpu.memory_space<vmem>> -> memref<1x128xi32, #tpu.memory_space<vmem>>
        %dma_wait3A_350 = tpu.memref_squeeze %dma_wait3A_349 : memref<1x128xi32, #tpu.memory_space<vmem>> -> memref<128xi32, #tpu.memory_space<vmem>>
        %dma_wait3A_351 = arith.constant 0 : i32
        %dma_wait3A_352 = arith.constant 0 : i32
        %dma_wait3A_353 = tpu.memref_slice %arg2[%dma_wait3A_351, %dma_wait3A_352] : memref<10000x32xf32, #tpu.memory_space<hbm>> -> memref<10000x32xf32, #tpu.memory_space<hbm>>
        tpu.wait_indirect_dma semaphore(%arg8 : memref<!tpu.dma_semaphore, #tpu.memory_space<semaphore_mem>>) src(%dma_wait3A_353 : memref<10000x32xf32, #tpu.memory_space<hbm>>) dst(%dma_wait3A_347 : memref<128x32xf32, #tpu.memory_space<vmem>>)
      } else {
      }
      %add3A_226 = arith.constant 7 : i32
      %add3A_227 = arith.addi %add3A_11, %add3A_226 : i32
      %lt3A_228 = arith.constant 1250 : i32
      %lt3A_229 = arith.cmpi slt, %add3A_227, %lt3A_228 : i32
      %convert_element_type3A_230 = arith.extui %lt3A_229 : i1 to i32
      %cond3A_231 = arith.constant 0 : i32
      %cond3A_232 = arith.cmpi ne, %convert_element_type3A_230, %cond3A_231 : i32
      scf.if %cond3A_232 {
        %dma_wait3A = arith.constant 7 : i32
        %dma_wait3A_345 = arith.constant 896 : i32
        %dma_wait3A_346 = arith.constant 0 : i32
        %dma_wait3A_347 = tpu.memref_slice %arg6[%dma_wait3A_345, %dma_wait3A_346] : memref<1024x32xf32, #tpu.memory_space<vmem>> -> memref<128x32xf32, #tpu.memory_space<vmem>>
        %dma_wait3A_348 = arith.constant 0 : i32
        %dma_wait3A_349 = tpu.memref_slice %arg5[%dma_wait3A, %dma_wait3A_348] : memref<8x128xi32, #tpu.memory_space<vmem>> -> memref<1x128xi32, #tpu.memory_space<vmem>>
        %dma_wait3A_350 = tpu.memref_squeeze %dma_wait3A_349 : memref<1x128xi32, #tpu.memory_space<vmem>> -> memref<128xi32, #tpu.memory_space<vmem>>
        %dma_wait3A_351 = arith.constant 0 : i32
        %dma_wait3A_352 = arith.constant 0 : i32
        %dma_wait3A_353 = tpu.memref_slice %arg2[%dma_wait3A_351, %dma_wait3A_352] : memref<10000x32xf32, #tpu.memory_space<hbm>> -> memref<10000x32xf32, #tpu.memory_space<hbm>>
        tpu.wait_indirect_dma semaphore(%arg8 : memref<!tpu.dma_semaphore, #tpu.memory_space<semaphore_mem>>) src(%dma_wait3A_353 : memref<10000x32xf32, #tpu.memory_space<hbm>>) dst(%dma_wait3A_347 : memref<128x32xf32, #tpu.memory_space<vmem>>)
      } else {
      }
      %add3A_233 = arith.constant 0 : i32
      %add3A_234 = arith.addi %add3A_11, %add3A_233 : i32
      %lt3A_235 = arith.constant 1250 : i32
      %lt3A_236 = arith.cmpi slt, %add3A_234, %lt3A_235 : i32
      %convert_element_type3A_237 = arith.extui %lt3A_236 : i1 to i32
      %cond3A_238 = arith.constant 0 : i32
      %cond3A_239 = arith.cmpi ne, %convert_element_type3A_237, %cond3A_238 : i32
      scf.if %cond3A_239 {
        %add3A_345 = arith.constant 0 : i32
        %add3A_346 = arith.addi %add3A_11, %add3A_345 : i32
        %mul3A_347 = arith.constant 128 : i32
        %mul3A_348 = arith.muli %add3A_346, %mul3A_347 : i32
        %dma_start3A = arith.constant 0 : i32
        %dma_start3A_349 = arith.constant 0 : i32
        %dma_start3A_350 = tpu.memref_slice %arg6[%dma_start3A, %dma_start3A_349] : memref<1024x32xf32, #tpu.memory_space<vmem>> -> memref<128x32xf32, #tpu.memory_space<vmem>>
        %dma_start3A_351 = arith.constant 0 : i32
        %dma_start3A_352 = tpu.memref_slice %arg4[%mul3A_348, %dma_start3A_351] : memref<160000x32xf32, #tpu.memory_space<hbm>> -> memref<128x32xf32, #tpu.memory_space<hbm>>
        %dma_start3A_353 = arith.constant 0 : i32
        %dma_start3A_354 = tpu.memref_slice %arg4[%mul3A_348, %dma_start3A_353] : memref<160000x32xf32, #tpu.memory_space<hbm>> -> memref<128x32xf32, #tpu.memory_space<hbm>>
        %dma_start3A_355 = arith.constant 0 : i32
        %dma_start3A_356 = arith.constant 0 : i32
        %dma_start3A_357 = tpu.memref_slice %arg6[%dma_start3A_355, %dma_start3A_356] : memref<1024x32xf32, #tpu.memory_space<vmem>> -> memref<128x32xf32, #tpu.memory_space<vmem>>
        tpu.enqueue_dma source(%dma_start3A_357 : memref<128x32xf32, #tpu.memory_space<vmem>>) target(%dma_start3A_354 : memref<128x32xf32, #tpu.memory_space<hbm>>) target_semaphore(%arg9 : memref<!tpu.dma_semaphore, #tpu.memory_space<semaphore_mem>>)
      } else {
      }
      %add3A_240 = arith.constant 1 : i32
      %add3A_241 = arith.addi %add3A_11, %add3A_240 : i32
      %lt3A_242 = arith.constant 1250 : i32
      %lt3A_243 = arith.cmpi slt, %add3A_241, %lt3A_242 : i32
      %convert_element_type3A_244 = arith.extui %lt3A_243 : i1 to i32
      %cond3A_245 = arith.constant 0 : i32
      %cond3A_246 = arith.cmpi ne, %convert_element_type3A_244, %cond3A_245 : i32
      scf.if %cond3A_246 {
        %add3A_345 = arith.constant 1 : i32
        %add3A_346 = arith.addi %add3A_11, %add3A_345 : i32
        %mul3A_347 = arith.constant 128 : i32
        %mul3A_348 = arith.muli %add3A_346, %mul3A_347 : i32
        %dma_start3A = arith.constant 128 : i32
        %dma_start3A_349 = arith.constant 0 : i32
        %dma_start3A_350 = tpu.memref_slice %arg6[%dma_start3A, %dma_start3A_349] : memref<1024x32xf32, #tpu.memory_space<vmem>> -> memref<128x32xf32, #tpu.memory_space<vmem>>
        %dma_start3A_351 = arith.constant 0 : i32
        %dma_start3A_352 = tpu.memref_slice %arg4[%mul3A_348, %dma_start3A_351] : memref<160000x32xf32, #tpu.memory_space<hbm>> -> memref<128x32xf32, #tpu.memory_space<hbm>>
        %dma_start3A_353 = arith.constant 0 : i32
        %dma_start3A_354 = tpu.memref_slice %arg4[%mul3A_348, %dma_start3A_353] : memref<160000x32xf32, #tpu.memory_space<hbm>> -> memref<128x32xf32, #tpu.memory_space<hbm>>
        %dma_start3A_355 = arith.constant 128 : i32
        %dma_start3A_356 = arith.constant 0 : i32
        %dma_start3A_357 = tpu.memref_slice %arg6[%dma_start3A_355, %dma_start3A_356] : memref<1024x32xf32, #tpu.memory_space<vmem>> -> memref<128x32xf32, #tpu.memory_space<vmem>>
        tpu.enqueue_dma source(%dma_start3A_357 : memref<128x32xf32, #tpu.memory_space<vmem>>) target(%dma_start3A_354 : memref<128x32xf32, #tpu.memory_space<hbm>>) target_semaphore(%arg9 : memref<!tpu.dma_semaphore, #tpu.memory_space<semaphore_mem>>)
      } else {
      }
      %add3A_247 = arith.constant 2 : i32
      %add3A_248 = arith.addi %add3A_11, %add3A_247 : i32
      %lt3A_249 = arith.constant 1250 : i32
      %lt3A_250 = arith.cmpi slt, %add3A_248, %lt3A_249 : i32
      %convert_element_type3A_251 = arith.extui %lt3A_250 : i1 to i32
      %cond3A_252 = arith.constant 0 : i32
      %cond3A_253 = arith.cmpi ne, %convert_element_type3A_251, %cond3A_252 : i32
      scf.if %cond3A_253 {
        %add3A_345 = arith.constant 2 : i32
        %add3A_346 = arith.addi %add3A_11, %add3A_345 : i32
        %mul3A_347 = arith.constant 128 : i32
        %mul3A_348 = arith.muli %add3A_346, %mul3A_347 : i32
        %dma_start3A = arith.constant 256 : i32
        %dma_start3A_349 = arith.constant 0 : i32
        %dma_start3A_350 = tpu.memref_slice %arg6[%dma_start3A, %dma_start3A_349] : memref<1024x32xf32, #tpu.memory_space<vmem>> -> memref<128x32xf32, #tpu.memory_space<vmem>>
        %dma_start3A_351 = arith.constant 0 : i32
        %dma_start3A_352 = tpu.memref_slice %arg4[%mul3A_348, %dma_start3A_351] : memref<160000x32xf32, #tpu.memory_space<hbm>> -> memref<128x32xf32, #tpu.memory_space<hbm>>
        %dma_start3A_353 = arith.constant 0 : i32
        %dma_start3A_354 = tpu.memref_slice %arg4[%mul3A_348, %dma_start3A_353] : memref<160000x32xf32, #tpu.memory_space<hbm>> -> memref<128x32xf32, #tpu.memory_space<hbm>>
        %dma_start3A_355 = arith.constant 256 : i32
        %dma_start3A_356 = arith.constant 0 : i32
        %dma_start3A_357 = tpu.memref_slice %arg6[%dma_start3A_355, %dma_start3A_356] : memref<1024x32xf32, #tpu.memory_space<vmem>> -> memref<128x32xf32, #tpu.memory_space<vmem>>
        tpu.enqueue_dma source(%dma_start3A_357 : memref<128x32xf32, #tpu.memory_space<vmem>>) target(%dma_start3A_354 : memref<128x32xf32, #tpu.memory_space<hbm>>) target_semaphore(%arg9 : memref<!tpu.dma_semaphore, #tpu.memory_space<semaphore_mem>>)
      } else {
      }
      %add3A_254 = arith.constant 3 : i32
      %add3A_255 = arith.addi %add3A_11, %add3A_254 : i32
      %lt3A_256 = arith.constant 1250 : i32
      %lt3A_257 = arith.cmpi slt, %add3A_255, %lt3A_256 : i32
      %convert_element_type3A_258 = arith.extui %lt3A_257 : i1 to i32
      %cond3A_259 = arith.constant 0 : i32
      %cond3A_260 = arith.cmpi ne, %convert_element_type3A_258, %cond3A_259 : i32
      scf.if %cond3A_260 {
        %add3A_345 = arith.constant 3 : i32
        %add3A_346 = arith.addi %add3A_11, %add3A_345 : i32
        %mul3A_347 = arith.constant 128 : i32
        %mul3A_348 = arith.muli %add3A_346, %mul3A_347 : i32
        %dma_start3A = arith.constant 384 : i32
        %dma_start3A_349 = arith.constant 0 : i32
        %dma_start3A_350 = tpu.memref_slice %arg6[%dma_start3A, %dma_start3A_349] : memref<1024x32xf32, #tpu.memory_space<vmem>> -> memref<128x32xf32, #tpu.memory_space<vmem>>
        %dma_start3A_351 = arith.constant 0 : i32
        %dma_start3A_352 = tpu.memref_slice %arg4[%mul3A_348, %dma_start3A_351] : memref<160000x32xf32, #tpu.memory_space<hbm>> -> memref<128x32xf32, #tpu.memory_space<hbm>>
        %dma_start3A_353 = arith.constant 0 : i32
        %dma_start3A_354 = tpu.memref_slice %arg4[%mul3A_348, %dma_start3A_353] : memref<160000x32xf32, #tpu.memory_space<hbm>> -> memref<128x32xf32, #tpu.memory_space<hbm>>
        %dma_start3A_355 = arith.constant 384 : i32
        %dma_start3A_356 = arith.constant 0 : i32
        %dma_start3A_357 = tpu.memref_slice %arg6[%dma_start3A_355, %dma_start3A_356] : memref<1024x32xf32, #tpu.memory_space<vmem>> -> memref<128x32xf32, #tpu.memory_space<vmem>>
        tpu.enqueue_dma source(%dma_start3A_357 : memref<128x32xf32, #tpu.memory_space<vmem>>) target(%dma_start3A_354 : memref<128x32xf32, #tpu.memory_space<hbm>>) target_semaphore(%arg9 : memref<!tpu.dma_semaphore, #tpu.memory_space<semaphore_mem>>)
      } else {
      }
      %add3A_261 = arith.constant 4 : i32
      %add3A_262 = arith.addi %add3A_11, %add3A_261 : i32
      %lt3A_263 = arith.constant 1250 : i32
      %lt3A_264 = arith.cmpi slt, %add3A_262, %lt3A_263 : i32
      %convert_element_type3A_265 = arith.extui %lt3A_264 : i1 to i32
      %cond3A_266 = arith.constant 0 : i32
      %cond3A_267 = arith.cmpi ne, %convert_element_type3A_265, %cond3A_266 : i32
      scf.if %cond3A_267 {
        %add3A_345 = arith.constant 4 : i32
        %add3A_346 = arith.addi %add3A_11, %add3A_345 : i32
        %mul3A_347 = arith.constant 128 : i32
        %mul3A_348 = arith.muli %add3A_346, %mul3A_347 : i32
        %dma_start3A = arith.constant 512 : i32
        %dma_start3A_349 = arith.constant 0 : i32
        %dma_start3A_350 = tpu.memref_slice %arg6[%dma_start3A, %dma_start3A_349] : memref<1024x32xf32, #tpu.memory_space<vmem>> -> memref<128x32xf32, #tpu.memory_space<vmem>>
        %dma_start3A_351 = arith.constant 0 : i32
        %dma_start3A_352 = tpu.memref_slice %arg4[%mul3A_348, %dma_start3A_351] : memref<160000x32xf32, #tpu.memory_space<hbm>> -> memref<128x32xf32, #tpu.memory_space<hbm>>
        %dma_start3A_353 = arith.constant 0 : i32
        %dma_start3A_354 = tpu.memref_slice %arg4[%mul3A_348, %dma_start3A_353] : memref<160000x32xf32, #tpu.memory_space<hbm>> -> memref<128x32xf32, #tpu.memory_space<hbm>>
        %dma_start3A_355 = arith.constant 512 : i32
        %dma_start3A_356 = arith.constant 0 : i32
        %dma_start3A_357 = tpu.memref_slice %arg6[%dma_start3A_355, %dma_start3A_356] : memref<1024x32xf32, #tpu.memory_space<vmem>> -> memref<128x32xf32, #tpu.memory_space<vmem>>
        tpu.enqueue_dma source(%dma_start3A_357 : memref<128x32xf32, #tpu.memory_space<vmem>>) target(%dma_start3A_354 : memref<128x32xf32, #tpu.memory_space<hbm>>) target_semaphore(%arg9 : memref<!tpu.dma_semaphore, #tpu.memory_space<semaphore_mem>>)
      } else {
      }
      %add3A_268 = arith.constant 5 : i32
      %add3A_269 = arith.addi %add3A_11, %add3A_268 : i32
      %lt3A_270 = arith.constant 1250 : i32
      %lt3A_271 = arith.cmpi slt, %add3A_269, %lt3A_270 : i32
      %convert_element_type3A_272 = arith.extui %lt3A_271 : i1 to i32
      %cond3A_273 = arith.constant 0 : i32
      %cond3A_274 = arith.cmpi ne, %convert_element_type3A_272, %cond3A_273 : i32
      scf.if %cond3A_274 {
        %add3A_345 = arith.constant 5 : i32
        %add3A_346 = arith.addi %add3A_11, %add3A_345 : i32
        %mul3A_347 = arith.constant 128 : i32
        %mul3A_348 = arith.muli %add3A_346, %mul3A_347 : i32
        %dma_start3A = arith.constant 640 : i32
        %dma_start3A_349 = arith.constant 0 : i32
        %dma_start3A_350 = tpu.memref_slice %arg6[%dma_start3A, %dma_start3A_349] : memref<1024x32xf32, #tpu.memory_space<vmem>> -> memref<128x32xf32, #tpu.memory_space<vmem>>
        %dma_start3A_351 = arith.constant 0 : i32
        %dma_start3A_352 = tpu.memref_slice %arg4[%mul3A_348, %dma_start3A_351] : memref<160000x32xf32, #tpu.memory_space<hbm>> -> memref<128x32xf32, #tpu.memory_space<hbm>>
        %dma_start3A_353 = arith.constant 0 : i32
        %dma_start3A_354 = tpu.memref_slice %arg4[%mul3A_348, %dma_start3A_353] : memref<160000x32xf32, #tpu.memory_space<hbm>> -> memref<128x32xf32, #tpu.memory_space<hbm>>
        %dma_start3A_355 = arith.constant 640 : i32
        %dma_start3A_356 = arith.constant 0 : i32
        %dma_start3A_357 = tpu.memref_slice %arg6[%dma_start3A_355, %dma_start3A_356] : memref<1024x32xf32, #tpu.memory_space<vmem>> -> memref<128x32xf32, #tpu.memory_space<vmem>>
        tpu.enqueue_dma source(%dma_start3A_357 : memref<128x32xf32, #tpu.memory_space<vmem>>) target(%dma_start3A_354 : memref<128x32xf32, #tpu.memory_space<hbm>>) target_semaphore(%arg9 : memref<!tpu.dma_semaphore, #tpu.memory_space<semaphore_mem>>)
      } else {
      }
      %add3A_275 = arith.constant 6 : i32
      %add3A_276 = arith.addi %add3A_11, %add3A_275 : i32
      %lt3A_277 = arith.constant 1250 : i32
      %lt3A_278 = arith.cmpi slt, %add3A_276, %lt3A_277 : i32
      %convert_element_type3A_279 = arith.extui %lt3A_278 : i1 to i32
      %cond3A_280 = arith.constant 0 : i32
      %cond3A_281 = arith.cmpi ne, %convert_element_type3A_279, %cond3A_280 : i32
      scf.if %cond3A_281 {
        %add3A_345 = arith.constant 6 : i32
        %add3A_346 = arith.addi %add3A_11, %add3A_345 : i32
        %mul3A_347 = arith.constant 128 : i32
        %mul3A_348 = arith.muli %add3A_346, %mul3A_347 : i32
        %dma_start3A = arith.constant 768 : i32
        %dma_start3A_349 = arith.constant 0 : i32
        %dma_start3A_350 = tpu.memref_slice %arg6[%dma_start3A, %dma_start3A_349] : memref<1024x32xf32, #tpu.memory_space<vmem>> -> memref<128x32xf32, #tpu.memory_space<vmem>>
        %dma_start3A_351 = arith.constant 0 : i32
        %dma_start3A_352 = tpu.memref_slice %arg4[%mul3A_348, %dma_start3A_351] : memref<160000x32xf32, #tpu.memory_space<hbm>> -> memref<128x32xf32, #tpu.memory_space<hbm>>
        %dma_start3A_353 = arith.constant 0 : i32
        %dma_start3A_354 = tpu.memref_slice %arg4[%mul3A_348, %dma_start3A_353] : memref<160000x32xf32, #tpu.memory_space<hbm>> -> memref<128x32xf32, #tpu.memory_space<hbm>>
        %dma_start3A_355 = arith.constant 768 : i32
        %dma_start3A_356 = arith.constant 0 : i32
        %dma_start3A_357 = tpu.memref_slice %arg6[%dma_start3A_355, %dma_start3A_356] : memref<1024x32xf32, #tpu.memory_space<vmem>> -> memref<128x32xf32, #tpu.memory_space<vmem>>
        tpu.enqueue_dma source(%dma_start3A_357 : memref<128x32xf32, #tpu.memory_space<vmem>>) target(%dma_start3A_354 : memref<128x32xf32, #tpu.memory_space<hbm>>) target_semaphore(%arg9 : memref<!tpu.dma_semaphore, #tpu.memory_space<semaphore_mem>>)
      } else {
      }
      %add3A_282 = arith.constant 7 : i32
      %add3A_283 = arith.addi %add3A_11, %add3A_282 : i32
      %lt3A_284 = arith.constant 1250 : i32
      %lt3A_285 = arith.cmpi slt, %add3A_283, %lt3A_284 : i32
      %convert_element_type3A_286 = arith.extui %lt3A_285 : i1 to i32
      %cond3A_287 = arith.constant 0 : i32
      %cond3A_288 = arith.cmpi ne, %convert_element_type3A_286, %cond3A_287 : i32
      scf.if %cond3A_288 {
        %add3A_345 = arith.constant 7 : i32
        %add3A_346 = arith.addi %add3A_11, %add3A_345 : i32
        %mul3A_347 = arith.constant 128 : i32
        %mul3A_348 = arith.muli %add3A_346, %mul3A_347 : i32
        %dma_start3A = arith.constant 896 : i32
        %dma_start3A_349 = arith.constant 0 : i32
        %dma_start3A_350 = tpu.memref_slice %arg6[%dma_start3A, %dma_start3A_349] : memref<1024x32xf32, #tpu.memory_space<vmem>> -> memref<128x32xf32, #tpu.memory_space<vmem>>
        %dma_start3A_351 = arith.constant 0 : i32
        %dma_start3A_352 = tpu.memref_slice %arg4[%mul3A_348, %dma_start3A_351] : memref<160000x32xf32, #tpu.memory_space<hbm>> -> memref<128x32xf32, #tpu.memory_space<hbm>>
        %dma_start3A_353 = arith.constant 0 : i32
        %dma_start3A_354 = tpu.memref_slice %arg4[%mul3A_348, %dma_start3A_353] : memref<160000x32xf32, #tpu.memory_space<hbm>> -> memref<128x32xf32, #tpu.memory_space<hbm>>
        %dma_start3A_355 = arith.constant 896 : i32
        %dma_start3A_356 = arith.constant 0 : i32
        %dma_start3A_357 = tpu.memref_slice %arg6[%dma_start3A_355, %dma_start3A_356] : memref<1024x32xf32, #tpu.memory_space<vmem>> -> memref<128x32xf32, #tpu.memory_space<vmem>>
        tpu.enqueue_dma source(%dma_start3A_357 : memref<128x32xf32, #tpu.memory_space<vmem>>) target(%dma_start3A_354 : memref<128x32xf32, #tpu.memory_space<hbm>>) target_semaphore(%arg9 : memref<!tpu.dma_semaphore, #tpu.memory_space<semaphore_mem>>)
      } else {
      }
      %add3A_289 = arith.constant 0 : i32
      %add3A_290 = arith.addi %add3A_11, %add3A_289 : i32
      %lt3A_291 = arith.constant 1250 : i32
      %lt3A_292 = arith.cmpi slt, %add3A_290, %lt3A_291 : i32
      %convert_element_type3A_293 = arith.extui %lt3A_292 : i1 to i32
      %cond3A_294 = arith.constant 0 : i32
      %cond3A_295 = arith.cmpi ne, %convert_element_type3A_293, %cond3A_294 : i32
      scf.if %cond3A_295 {
        %add3A_345 = arith.constant 0 : i32
        %add3A_346 = arith.addi %add3A_11, %add3A_345 : i32
        %mul3A_347 = arith.constant 128 : i32
        %mul3A_348 = arith.muli %add3A_346, %mul3A_347 : i32
        %dma_wait3A = arith.constant 0 : i32
        %dma_wait3A_349 = arith.constant 0 : i32
        %dma_wait3A_350 = tpu.memref_slice %arg6[%dma_wait3A, %dma_wait3A_349] : memref<1024x32xf32, #tpu.memory_space<vmem>> -> memref<128x32xf32, #tpu.memory_space<vmem>>
        %dma_wait3A_351 = arith.constant 0 : i32
        %dma_wait3A_352 = tpu.memref_slice %arg4[%mul3A_348, %dma_wait3A_351] : memref<160000x32xf32, #tpu.memory_space<hbm>> -> memref<128x32xf32, #tpu.memory_space<hbm>>
        %dma_wait3A_353 = arith.constant 0 : i32
        %dma_wait3A_354 = tpu.memref_slice %arg4[%mul3A_348, %dma_wait3A_353] : memref<160000x32xf32, #tpu.memory_space<hbm>> -> memref<128x32xf32, #tpu.memory_space<hbm>>
        %dma_wait3A_355 = arith.constant 0 : i32
        %dma_wait3A_356 = arith.constant 0 : i32
        %dma_wait3A_357 = tpu.memref_slice %arg6[%dma_wait3A_355, %dma_wait3A_356] : memref<1024x32xf32, #tpu.memory_space<vmem>> -> memref<128x32xf32, #tpu.memory_space<vmem>>
        tpu.wait_dma2 semaphore(%arg9 : memref<!tpu.dma_semaphore, #tpu.memory_space<semaphore_mem>>) src(%dma_wait3A_357 : memref<128x32xf32, #tpu.memory_space<vmem>>) dst(%dma_wait3A_354 : memref<128x32xf32, #tpu.memory_space<hbm>>)
      } else {
      }
      %add3A_296 = arith.constant 1 : i32
      %add3A_297 = arith.addi %add3A_11, %add3A_296 : i32
      %lt3A_298 = arith.constant 1250 : i32
      %lt3A_299 = arith.cmpi slt, %add3A_297, %lt3A_298 : i32
      %convert_element_type3A_300 = arith.extui %lt3A_299 : i1 to i32
      %cond3A_301 = arith.constant 0 : i32
      %cond3A_302 = arith.cmpi ne, %convert_element_type3A_300, %cond3A_301 : i32
      scf.if %cond3A_302 {
        %add3A_345 = arith.constant 1 : i32
        %add3A_346 = arith.addi %add3A_11, %add3A_345 : i32
        %mul3A_347 = arith.constant 128 : i32
        %mul3A_348 = arith.muli %add3A_346, %mul3A_347 : i32
        %dma_wait3A = arith.constant 128 : i32
        %dma_wait3A_349 = arith.constant 0 : i32
        %dma_wait3A_350 = tpu.memref_slice %arg6[%dma_wait3A, %dma_wait3A_349] : memref<1024x32xf32, #tpu.memory_space<vmem>> -> memref<128x32xf32, #tpu.memory_space<vmem>>
        %dma_wait3A_351 = arith.constant 0 : i32
        %dma_wait3A_352 = tpu.memref_slice %arg4[%mul3A_348, %dma_wait3A_351] : memref<160000x32xf32, #tpu.memory_space<hbm>> -> memref<128x32xf32, #tpu.memory_space<hbm>>
        %dma_wait3A_353 = arith.constant 0 : i32
        %dma_wait3A_354 = tpu.memref_slice %arg4[%mul3A_348, %dma_wait3A_353] : memref<160000x32xf32, #tpu.memory_space<hbm>> -> memref<128x32xf32, #tpu.memory_space<hbm>>
        %dma_wait3A_355 = arith.constant 128 : i32
        %dma_wait3A_356 = arith.constant 0 : i32
        %dma_wait3A_357 = tpu.memref_slice %arg6[%dma_wait3A_355, %dma_wait3A_356] : memref<1024x32xf32, #tpu.memory_space<vmem>> -> memref<128x32xf32, #tpu.memory_space<vmem>>
        tpu.wait_dma2 semaphore(%arg9 : memref<!tpu.dma_semaphore, #tpu.memory_space<semaphore_mem>>) src(%dma_wait3A_357 : memref<128x32xf32, #tpu.memory_space<vmem>>) dst(%dma_wait3A_354 : memref<128x32xf32, #tpu.memory_space<hbm>>)
      } else {
      }
      %add3A_303 = arith.constant 2 : i32
      %add3A_304 = arith.addi %add3A_11, %add3A_303 : i32
      %lt3A_305 = arith.constant 1250 : i32
      %lt3A_306 = arith.cmpi slt, %add3A_304, %lt3A_305 : i32
      %convert_element_type3A_307 = arith.extui %lt3A_306 : i1 to i32
      %cond3A_308 = arith.constant 0 : i32
      %cond3A_309 = arith.cmpi ne, %convert_element_type3A_307, %cond3A_308 : i32
      scf.if %cond3A_309 {
        %add3A_345 = arith.constant 2 : i32
        %add3A_346 = arith.addi %add3A_11, %add3A_345 : i32
        %mul3A_347 = arith.constant 128 : i32
        %mul3A_348 = arith.muli %add3A_346, %mul3A_347 : i32
        %dma_wait3A = arith.constant 256 : i32
        %dma_wait3A_349 = arith.constant 0 : i32
        %dma_wait3A_350 = tpu.memref_slice %arg6[%dma_wait3A, %dma_wait3A_349] : memref<1024x32xf32, #tpu.memory_space<vmem>> -> memref<128x32xf32, #tpu.memory_space<vmem>>
        %dma_wait3A_351 = arith.constant 0 : i32
        %dma_wait3A_352 = tpu.memref_slice %arg4[%mul3A_348, %dma_wait3A_351] : memref<160000x32xf32, #tpu.memory_space<hbm>> -> memref<128x32xf32, #tpu.memory_space<hbm>>
        %dma_wait3A_353 = arith.constant 0 : i32
        %dma_wait3A_354 = tpu.memref_slice %arg4[%mul3A_348, %dma_wait3A_353] : memref<160000x32xf32, #tpu.memory_space<hbm>> -> memref<128x32xf32, #tpu.memory_space<hbm>>
        %dma_wait3A_355 = arith.constant 256 : i32
        %dma_wait3A_356 = arith.constant 0 : i32
        %dma_wait3A_357 = tpu.memref_slice %arg6[%dma_wait3A_355, %dma_wait3A_356] : memref<1024x32xf32, #tpu.memory_space<vmem>> -> memref<128x32xf32, #tpu.memory_space<vmem>>
        tpu.wait_dma2 semaphore(%arg9 : memref<!tpu.dma_semaphore, #tpu.memory_space<semaphore_mem>>) src(%dma_wait3A_357 : memref<128x32xf32, #tpu.memory_space<vmem>>) dst(%dma_wait3A_354 : memref<128x32xf32, #tpu.memory_space<hbm>>)
      } else {
      }
      %add3A_310 = arith.constant 3 : i32
      %add3A_311 = arith.addi %add3A_11, %add3A_310 : i32
      %lt3A_312 = arith.constant 1250 : i32
      %lt3A_313 = arith.cmpi slt, %add3A_311, %lt3A_312 : i32
      %convert_element_type3A_314 = arith.extui %lt3A_313 : i1 to i32
      %cond3A_315 = arith.constant 0 : i32
      %cond3A_316 = arith.cmpi ne, %convert_element_type3A_314, %cond3A_315 : i32
      scf.if %cond3A_316 {
        %add3A_345 = arith.constant 3 : i32
        %add3A_346 = arith.addi %add3A_11, %add3A_345 : i32
        %mul3A_347 = arith.constant 128 : i32
        %mul3A_348 = arith.muli %add3A_346, %mul3A_347 : i32
        %dma_wait3A = arith.constant 384 : i32
        %dma_wait3A_349 = arith.constant 0 : i32
        %dma_wait3A_350 = tpu.memref_slice %arg6[%dma_wait3A, %dma_wait3A_349] : memref<1024x32xf32, #tpu.memory_space<vmem>> -> memref<128x32xf32, #tpu.memory_space<vmem>>
        %dma_wait3A_351 = arith.constant 0 : i32
        %dma_wait3A_352 = tpu.memref_slice %arg4[%mul3A_348, %dma_wait3A_351] : memref<160000x32xf32, #tpu.memory_space<hbm>> -> memref<128x32xf32, #tpu.memory_space<hbm>>
        %dma_wait3A_353 = arith.constant 0 : i32
        %dma_wait3A_354 = tpu.memref_slice %arg4[%mul3A_348, %dma_wait3A_353] : memref<160000x32xf32, #tpu.memory_space<hbm>> -> memref<128x32xf32, #tpu.memory_space<hbm>>
        %dma_wait3A_355 = arith.constant 384 : i32
        %dma_wait3A_356 = arith.constant 0 : i32
        %dma_wait3A_357 = tpu.memref_slice %arg6[%dma_wait3A_355, %dma_wait3A_356] : memref<1024x32xf32, #tpu.memory_space<vmem>> -> memref<128x32xf32, #tpu.memory_space<vmem>>
        tpu.wait_dma2 semaphore(%arg9 : memref<!tpu.dma_semaphore, #tpu.memory_space<semaphore_mem>>) src(%dma_wait3A_357 : memref<128x32xf32, #tpu.memory_space<vmem>>) dst(%dma_wait3A_354 : memref<128x32xf32, #tpu.memory_space<hbm>>)
      } else {
      }
      %add3A_317 = arith.constant 4 : i32
      %add3A_318 = arith.addi %add3A_11, %add3A_317 : i32
      %lt3A_319 = arith.constant 1250 : i32
      %lt3A_320 = arith.cmpi slt, %add3A_318, %lt3A_319 : i32
      %convert_element_type3A_321 = arith.extui %lt3A_320 : i1 to i32
      %cond3A_322 = arith.constant 0 : i32
      %cond3A_323 = arith.cmpi ne, %convert_element_type3A_321, %cond3A_322 : i32
      scf.if %cond3A_323 {
        %add3A_345 = arith.constant 4 : i32
        %add3A_346 = arith.addi %add3A_11, %add3A_345 : i32
        %mul3A_347 = arith.constant 128 : i32
        %mul3A_348 = arith.muli %add3A_346, %mul3A_347 : i32
        %dma_wait3A = arith.constant 512 : i32
        %dma_wait3A_349 = arith.constant 0 : i32
        %dma_wait3A_350 = tpu.memref_slice %arg6[%dma_wait3A, %dma_wait3A_349] : memref<1024x32xf32, #tpu.memory_space<vmem>> -> memref<128x32xf32, #tpu.memory_space<vmem>>
        %dma_wait3A_351 = arith.constant 0 : i32
        %dma_wait3A_352 = tpu.memref_slice %arg4[%mul3A_348, %dma_wait3A_351] : memref<160000x32xf32, #tpu.memory_space<hbm>> -> memref<128x32xf32, #tpu.memory_space<hbm>>
        %dma_wait3A_353 = arith.constant 0 : i32
        %dma_wait3A_354 = tpu.memref_slice %arg4[%mul3A_348, %dma_wait3A_353] : memref<160000x32xf32, #tpu.memory_space<hbm>> -> memref<128x32xf32, #tpu.memory_space<hbm>>
        %dma_wait3A_355 = arith.constant 512 : i32
        %dma_wait3A_356 = arith.constant 0 : i32
        %dma_wait3A_357 = tpu.memref_slice %arg6[%dma_wait3A_355, %dma_wait3A_356] : memref<1024x32xf32, #tpu.memory_space<vmem>> -> memref<128x32xf32, #tpu.memory_space<vmem>>
        tpu.wait_dma2 semaphore(%arg9 : memref<!tpu.dma_semaphore, #tpu.memory_space<semaphore_mem>>) src(%dma_wait3A_357 : memref<128x32xf32, #tpu.memory_space<vmem>>) dst(%dma_wait3A_354 : memref<128x32xf32, #tpu.memory_space<hbm>>)
      } else {
      }
      %add3A_324 = arith.constant 5 : i32
      %add3A_325 = arith.addi %add3A_11, %add3A_324 : i32
      %lt3A_326 = arith.constant 1250 : i32
      %lt3A_327 = arith.cmpi slt, %add3A_325, %lt3A_326 : i32
      %convert_element_type3A_328 = arith.extui %lt3A_327 : i1 to i32
      %cond3A_329 = arith.constant 0 : i32
      %cond3A_330 = arith.cmpi ne, %convert_element_type3A_328, %cond3A_329 : i32
      scf.if %cond3A_330 {
        %add3A_345 = arith.constant 5 : i32
        %add3A_346 = arith.addi %add3A_11, %add3A_345 : i32
        %mul3A_347 = arith.constant 128 : i32
        %mul3A_348 = arith.muli %add3A_346, %mul3A_347 : i32
        %dma_wait3A = arith.constant 640 : i32
        %dma_wait3A_349 = arith.constant 0 : i32
        %dma_wait3A_350 = tpu.memref_slice %arg6[%dma_wait3A, %dma_wait3A_349] : memref<1024x32xf32, #tpu.memory_space<vmem>> -> memref<128x32xf32, #tpu.memory_space<vmem>>
        %dma_wait3A_351 = arith.constant 0 : i32
        %dma_wait3A_352 = tpu.memref_slice %arg4[%mul3A_348, %dma_wait3A_351] : memref<160000x32xf32, #tpu.memory_space<hbm>> -> memref<128x32xf32, #tpu.memory_space<hbm>>
        %dma_wait3A_353 = arith.constant 0 : i32
        %dma_wait3A_354 = tpu.memref_slice %arg4[%mul3A_348, %dma_wait3A_353] : memref<160000x32xf32, #tpu.memory_space<hbm>> -> memref<128x32xf32, #tpu.memory_space<hbm>>
        %dma_wait3A_355 = arith.constant 640 : i32
        %dma_wait3A_356 = arith.constant 0 : i32
        %dma_wait3A_357 = tpu.memref_slice %arg6[%dma_wait3A_355, %dma_wait3A_356] : memref<1024x32xf32, #tpu.memory_space<vmem>> -> memref<128x32xf32, #tpu.memory_space<vmem>>
        tpu.wait_dma2 semaphore(%arg9 : memref<!tpu.dma_semaphore, #tpu.memory_space<semaphore_mem>>) src(%dma_wait3A_357 : memref<128x32xf32, #tpu.memory_space<vmem>>) dst(%dma_wait3A_354 : memref<128x32xf32, #tpu.memory_space<hbm>>)
      } else {
      }
      %add3A_331 = arith.constant 6 : i32
      %add3A_332 = arith.addi %add3A_11, %add3A_331 : i32
      %lt3A_333 = arith.constant 1250 : i32
      %lt3A_334 = arith.cmpi slt, %add3A_332, %lt3A_333 : i32
      %convert_element_type3A_335 = arith.extui %lt3A_334 : i1 to i32
      %cond3A_336 = arith.constant 0 : i32
      %cond3A_337 = arith.cmpi ne, %convert_element_type3A_335, %cond3A_336 : i32
      scf.if %cond3A_337 {
        %add3A_345 = arith.constant 6 : i32
        %add3A_346 = arith.addi %add3A_11, %add3A_345 : i32
        %mul3A_347 = arith.constant 128 : i32
        %mul3A_348 = arith.muli %add3A_346, %mul3A_347 : i32
        %dma_wait3A = arith.constant 768 : i32
        %dma_wait3A_349 = arith.constant 0 : i32
        %dma_wait3A_350 = tpu.memref_slice %arg6[%dma_wait3A, %dma_wait3A_349] : memref<1024x32xf32, #tpu.memory_space<vmem>> -> memref<128x32xf32, #tpu.memory_space<vmem>>
        %dma_wait3A_351 = arith.constant 0 : i32
        %dma_wait3A_352 = tpu.memref_slice %arg4[%mul3A_348, %dma_wait3A_351] : memref<160000x32xf32, #tpu.memory_space<hbm>> -> memref<128x32xf32, #tpu.memory_space<hbm>>
        %dma_wait3A_353 = arith.constant 0 : i32
        %dma_wait3A_354 = tpu.memref_slice %arg4[%mul3A_348, %dma_wait3A_353] : memref<160000x32xf32, #tpu.memory_space<hbm>> -> memref<128x32xf32, #tpu.memory_space<hbm>>
        %dma_wait3A_355 = arith.constant 768 : i32
        %dma_wait3A_356 = arith.constant 0 : i32
        %dma_wait3A_357 = tpu.memref_slice %arg6[%dma_wait3A_355, %dma_wait3A_356] : memref<1024x32xf32, #tpu.memory_space<vmem>> -> memref<128x32xf32, #tpu.memory_space<vmem>>
        tpu.wait_dma2 semaphore(%arg9 : memref<!tpu.dma_semaphore, #tpu.memory_space<semaphore_mem>>) src(%dma_wait3A_357 : memref<128x32xf32, #tpu.memory_space<vmem>>) dst(%dma_wait3A_354 : memref<128x32xf32, #tpu.memory_space<hbm>>)
      } else {
      }
      %add3A_338 = arith.constant 7 : i32
      %add3A_339 = arith.addi %add3A_11, %add3A_338 : i32
      %lt3A_340 = arith.constant 1250 : i32
      %lt3A_341 = arith.cmpi slt, %add3A_339, %lt3A_340 : i32
      %convert_element_type3A_342 = arith.extui %lt3A_341 : i1 to i32
      %cond3A_343 = arith.constant 0 : i32
      %cond3A_344 = arith.cmpi ne, %convert_element_type3A_342, %cond3A_343 : i32
      scf.if %cond3A_344 {
        %add3A_345 = arith.constant 7 : i32
        %add3A_346 = arith.addi %add3A_11, %add3A_345 : i32
        %mul3A_347 = arith.constant 128 : i32
        %mul3A_348 = arith.muli %add3A_346, %mul3A_347 : i32
        %dma_wait3A = arith.constant 896 : i32
        %dma_wait3A_349 = arith.constant 0 : i32
        %dma_wait3A_350 = tpu.memref_slice %arg6[%dma_wait3A, %dma_wait3A_349] : memref<1024x32xf32, #tpu.memory_space<vmem>> -> memref<128x32xf32, #tpu.memory_space<vmem>>
        %dma_wait3A_351 = arith.constant 0 : i32
        %dma_wait3A_352 = tpu.memref_slice %arg4[%mul3A_348, %dma_wait3A_351] : memref<160000x32xf32, #tpu.memory_space<hbm>> -> memref<128x32xf32, #tpu.memory_space<hbm>>
        %dma_wait3A_353 = arith.constant 0 : i32
        %dma_wait3A_354 = tpu.memref_slice %arg4[%mul3A_348, %dma_wait3A_353] : memref<160000x32xf32, #tpu.memory_space<hbm>> -> memref<128x32xf32, #tpu.memory_space<hbm>>
        %dma_wait3A_355 = arith.constant 896 : i32
        %dma_wait3A_356 = arith.constant 0 : i32
        %dma_wait3A_357 = tpu.memref_slice %arg6[%dma_wait3A_355, %dma_wait3A_356] : memref<1024x32xf32, #tpu.memory_space<vmem>> -> memref<128x32xf32, #tpu.memory_space<vmem>>
        tpu.wait_dma2 semaphore(%arg9 : memref<!tpu.dma_semaphore, #tpu.memory_space<semaphore_mem>>) src(%dma_wait3A_357 : memref<128x32xf32, #tpu.memory_space<vmem>>) dst(%dma_wait3A_354 : memref<128x32xf32, #tpu.memory_space<hbm>>)
      } else {
      }
    }
    %scan3A_5 = arith.constant 5 : i32
    return
  }
}

#map = affine_map<(d0, d1) -> (0, 0)>
#map1 = affine_map<(d0, d1) -> (0, 0, 0)>
module attributes {stable_mosaic.version = 14 : i64} {
  func.func @k(%arg0: i32, %arg1: i32, %arg2: memref<160000x32xf32, #tpu.memory_space<hbm>>, %arg3: memref<2x160000xi32, #tpu.memory_space<hbm>>, %arg4: memref<10000x32xf32, #tpu.memory_space<hbm>>, %arg5: memref<10000x16xf32, #tpu.memory_space<hbm>>, %arg6: memref<128x16xf32, #tpu.memory_space<hbm>>, %arg7: memref<2x10000x32xf32, #tpu.memory_space<hbm>>, %arg8: memref<2x10000x16xf32, #tpu.memory_space<hbm>>, %arg9: memref<8x128xi32, #tpu.memory_space<vmem>>, %arg10: memref<1024x32xf32, #tpu.memory_space<vmem>>, %arg11: memref<128x16xf32, #tpu.memory_space<vmem>>, %arg12: memref<10000x32xf32, #tpu.memory_space<vmem_shared>>, %arg13: memref<10000x16xf32, #tpu.memory_space<vmem_shared>>, %arg14: memref<!tpu.dma_semaphore, #tpu.memory_space<semaphore_mem>>, %arg15: memref<!tpu.dma_semaphore, #tpu.memory_space<semaphore_mem>>) attributes {dimension_semantics = [#tpu.dimension_semantics<core_parallel>, #tpu.dimension_semantics<subcore_parallel>], iteration_bounds = array<i64: 2, 16>, scalar_prefetch = 0 : i64, scratch_operands = 7 : i64, tpu.core_type = #tpu.core_type<sc_vector_subcore>, window_params = [{transform_indices = #map}, {transform_indices = #map}, {transform_indices = #map}, {transform_indices = #map}, {transform_indices = #map}, {transform_indices = #map1}, {transform_indices = #map1}]} {
    %mul3A = arith.constant 2 : i32
    %mul3A_0 = arith.muli %arg1, %mul3A : i32
    %add3A = arith.addi %mul3A_0, %arg0 : i32
    "tpu.region"() ({
      %run_scoped3A = tpu.sem_alloc : memref<!tpu.dma_semaphore, #tpu.memory_space<semaphore_mem>>
      tpu.enqueue_dma source(%arg6 : memref<128x16xf32, #tpu.memory_space<hbm>>) target(%arg11 : memref<128x16xf32, #tpu.memory_space<vmem>>) target_semaphore(%run_scoped3A : memref<!tpu.dma_semaphore, #tpu.memory_space<semaphore_mem>>)
      tpu.wait_dma2 semaphore(%run_scoped3A : memref<!tpu.dma_semaphore, #tpu.memory_space<semaphore_mem>>) src(%arg6 : memref<128x16xf32, #tpu.memory_space<hbm>>) dst(%arg11 : memref<128x16xf32, #tpu.memory_space<vmem>>)
      tpu.yield
    }) : () -> ()
    %mul3A_1 = arith.constant 625 : i32
    %mul3A_2 = arith.muli %arg1, %mul3A_1 : i32
    %mul3A_3 = arith.constant 625 : i32
    %mul3A_4 = arith.muli %arg1, %mul3A_3 : i32
    "tpu.region"() ({
      %run_scoped3A = tpu.sem_alloc : memref<!tpu.dma_semaphore, #tpu.memory_space<semaphore_mem>>
      %dma_start3A = arith.constant 0 : i32
      %dma_start3A_23 = tpu.memref_slice %arg12[%mul3A_4, %dma_start3A] : memref<10000x32xf32, #tpu.memory_space<vmem_shared>> -> memref<625x32xf32, #tpu.memory_space<vmem_shared>>
      %dma_start3A_24 = arith.constant 0 : i32
      %dma_start3A_25 = tpu.memref_slice %arg4[%mul3A_2, %dma_start3A_24] : memref<10000x32xf32, #tpu.memory_space<hbm>> -> memref<625x32xf32, #tpu.memory_space<hbm>>
      tpu.enqueue_dma source(%dma_start3A_25 : memref<625x32xf32, #tpu.memory_space<hbm>>) target(%dma_start3A_23 : memref<625x32xf32, #tpu.memory_space<vmem_shared>>) target_semaphore(%run_scoped3A : memref<!tpu.dma_semaphore, #tpu.memory_space<semaphore_mem>>)
      %dma_wait3A = arith.constant 0 : i32
      %dma_wait3A_26 = tpu.memref_slice %arg12[%mul3A_4, %dma_wait3A] : memref<10000x32xf32, #tpu.memory_space<vmem_shared>> -> memref<625x32xf32, #tpu.memory_space<vmem_shared>>
      %dma_wait3A_27 = arith.constant 0 : i32
      %dma_wait3A_28 = tpu.memref_slice %arg4[%mul3A_2, %dma_wait3A_27] : memref<10000x32xf32, #tpu.memory_space<hbm>> -> memref<625x32xf32, #tpu.memory_space<hbm>>
      tpu.wait_dma2 semaphore(%run_scoped3A : memref<!tpu.dma_semaphore, #tpu.memory_space<semaphore_mem>>) src(%dma_wait3A_28 : memref<625x32xf32, #tpu.memory_space<hbm>>) dst(%dma_wait3A_26 : memref<625x32xf32, #tpu.memory_space<vmem_shared>>)
      tpu.yield
    }) : () -> ()
    %mul3A_5 = arith.constant 625 : i32
    %mul3A_6 = arith.muli %arg1, %mul3A_5 : i32
    %mul3A_7 = arith.constant 625 : i32
    %mul3A_8 = arith.muli %arg1, %mul3A_7 : i32
    "tpu.region"() ({
      %run_scoped3A = tpu.sem_alloc : memref<!tpu.dma_semaphore, #tpu.memory_space<semaphore_mem>>
      %dma_start3A = arith.constant 0 : i32
      %dma_start3A_23 = tpu.memref_slice %arg13[%mul3A_8, %dma_start3A] : memref<10000x16xf32, #tpu.memory_space<vmem_shared>> -> memref<625x16xf32, #tpu.memory_space<vmem_shared>>
      %dma_start3A_24 = arith.constant 0 : i32
      %dma_start3A_25 = tpu.memref_slice %arg5[%mul3A_6, %dma_start3A_24] : memref<10000x16xf32, #tpu.memory_space<hbm>> -> memref<625x16xf32, #tpu.memory_space<hbm>>
      tpu.enqueue_dma source(%dma_start3A_25 : memref<625x16xf32, #tpu.memory_space<hbm>>) target(%dma_start3A_23 : memref<625x16xf32, #tpu.memory_space<vmem_shared>>) target_semaphore(%run_scoped3A : memref<!tpu.dma_semaphore, #tpu.memory_space<semaphore_mem>>)
      %dma_wait3A = arith.constant 0 : i32
      %dma_wait3A_26 = tpu.memref_slice %arg13[%mul3A_8, %dma_wait3A] : memref<10000x16xf32, #tpu.memory_space<vmem_shared>> -> memref<625x16xf32, #tpu.memory_space<vmem_shared>>
      %dma_wait3A_27 = arith.constant 0 : i32
      %dma_wait3A_28 = tpu.memref_slice %arg5[%mul3A_6, %dma_wait3A_27] : memref<10000x16xf32, #tpu.memory_space<hbm>> -> memref<625x16xf32, #tpu.memory_space<hbm>>
      tpu.wait_dma2 semaphore(%run_scoped3A : memref<!tpu.dma_semaphore, #tpu.memory_space<semaphore_mem>>) src(%dma_wait3A_28 : memref<625x16xf32, #tpu.memory_space<hbm>>) dst(%dma_wait3A_26 : memref<625x16xf32, #tpu.memory_space<vmem_shared>>)
      tpu.yield
    }) : () -> ()
    %barrier3A = arith.constant 0 : index
    tpu.barrier barrier_id(%barrier3A)
    %scan3A = arith.constant 0 : i32
    %scan3A_9 = arith.constant 0 : i32
    %scan3A_10 = arith.constant 5 : i32
    %scan3A_11 = arith.addi %scan3A_9, %scan3A_10 : i32
    %scan3A_12 = arith.constant 1 : i32
    scf.for %scan3A_23 = %scan3A_9 to %scan3A_11 step %scan3A_12  : i32 {
      %mul3A_24 = arith.constant 40 : i32
      %mul3A_25 = arith.muli %add3A, %mul3A_24 : i32
      %mul3A_26 = arith.constant 8 : i32
      %mul3A_27 = arith.muli %scan3A_23, %mul3A_26 : i32
      %add3A_28 = arith.addi %mul3A_25, %mul3A_27 : i32
      %add3A_29 = arith.constant 0 : i32
      %add3A_30 = arith.addi %add3A_28, %add3A_29 : i32
      %lt3A = arith.constant 1250 : i32
      %lt3A_31 = arith.cmpi slt, %add3A_30, %lt3A : i32
      %convert_element_type3A = arith.extui %lt3A_31 : i1 to i32
      %cond3A = arith.constant 0 : i32
      %cond3A_32 = arith.cmpi ne, %convert_element_type3A, %cond3A : i32
      scf.if %cond3A_32 {
        %add3A_138 = arith.constant 0 : i32
        %add3A_139 = arith.addi %add3A_28, %add3A_138 : i32
        %mul3A_140 = arith.constant 128 : i32
        %mul3A_141 = arith.muli %add3A_139, %mul3A_140 : i32
        %dma_start3A = arith.constant 0 : i32
        %dma_start3A_142 = arith.constant 0 : i32
        %dma_start3A_143 = arith.constant 0 : i32
        %dma_start3A_144 = tpu.memref_slice %arg9[%dma_start3A_142, %dma_start3A_143] : memref<8x128xi32, #tpu.memory_space<vmem>> -> memref<1x128xi32, #tpu.memory_space<vmem>>
        %dma_start3A_145 = tpu.memref_squeeze %dma_start3A_144 : memref<1x128xi32, #tpu.memory_space<vmem>> -> memref<128xi32, #tpu.memory_space<vmem>>
        %dma_start3A_146 = tpu.memref_slice %arg3[%dma_start3A, %mul3A_141] : memref<2x160000xi32, #tpu.memory_space<hbm>> -> memref<1x128xi32, #tpu.memory_space<hbm>>
        %dma_start3A_147 = tpu.memref_squeeze %dma_start3A_146 : memref<1x128xi32, #tpu.memory_space<hbm>> -> memref<128xi32, #tpu.memory_space<hbm>>
        %dma_start3A_148 = arith.constant 0 : i32
        %dma_start3A_149 = tpu.memref_slice %arg9[%dma_start3A_142, %dma_start3A_148] : memref<8x128xi32, #tpu.memory_space<vmem>> -> memref<1x128xi32, #tpu.memory_space<vmem>>
        %dma_start3A_150 = tpu.memref_squeeze %dma_start3A_149 : memref<1x128xi32, #tpu.memory_space<vmem>> -> memref<128xi32, #tpu.memory_space<vmem>>
        %dma_start3A_151 = tpu.memref_slice %arg3[%dma_start3A, %mul3A_141] : memref<2x160000xi32, #tpu.memory_space<hbm>> -> memref<1x128xi32, #tpu.memory_space<hbm>>
        %dma_start3A_152 = tpu.memref_squeeze %dma_start3A_151 : memref<1x128xi32, #tpu.memory_space<hbm>> -> memref<128xi32, #tpu.memory_space<hbm>>
        tpu.enqueue_dma source(%dma_start3A_152 : memref<128xi32, #tpu.memory_space<hbm>>) target(%dma_start3A_150 : memref<128xi32, #tpu.memory_space<vmem>>) target_semaphore(%arg14 : memref<!tpu.dma_semaphore, #tpu.memory_space<semaphore_mem>>)
        %add3A_153 = arith.constant 0 : i32
        %add3A_154 = arith.addi %add3A_28, %add3A_153 : i32
        %mul3A_155 = arith.constant 128 : i32
        %mul3A_156 = arith.muli %add3A_154, %mul3A_155 : i32
        %dma_start3A_157 = arith.constant 0 : i32
        %dma_start3A_158 = arith.constant 0 : i32
        %dma_start3A_159 = tpu.memref_slice %arg10[%dma_start3A_157, %dma_start3A_158] : memref<1024x32xf32, #tpu.memory_space<vmem>> -> memref<128x32xf32, #tpu.memory_space<vmem>>
        %dma_start3A_160 = arith.constant 0 : i32
        %dma_start3A_161 = tpu.memref_slice %arg2[%mul3A_156, %dma_start3A_160] : memref<160000x32xf32, #tpu.memory_space<hbm>> -> memref<128x32xf32, #tpu.memory_space<hbm>>
        %dma_start3A_162 = arith.constant 0 : i32
        %dma_start3A_163 = arith.constant 0 : i32
        %dma_start3A_164 = tpu.memref_slice %arg10[%dma_start3A_162, %dma_start3A_163] : memref<1024x32xf32, #tpu.memory_space<vmem>> -> memref<128x32xf32, #tpu.memory_space<vmem>>
        %dma_start3A_165 = arith.constant 0 : i32
        %dma_start3A_166 = tpu.memref_slice %arg2[%mul3A_156, %dma_start3A_165] : memref<160000x32xf32, #tpu.memory_space<hbm>> -> memref<128x32xf32, #tpu.memory_space<hbm>>
        tpu.enqueue_dma source(%dma_start3A_166 : memref<128x32xf32, #tpu.memory_space<hbm>>) target(%dma_start3A_164 : memref<128x32xf32, #tpu.memory_space<vmem>>) target_semaphore(%arg15 : memref<!tpu.dma_semaphore, #tpu.memory_space<semaphore_mem>>)
      } else {
      }
      %add3A_33 = arith.constant 1 : i32
      %add3A_34 = arith.addi %add3A_28, %add3A_33 : i32
      %lt3A_35 = arith.constant 1250 : i32
      %lt3A_36 = arith.cmpi slt, %add3A_34, %lt3A_35 : i32
      %convert_element_type3A_37 = arith.extui %lt3A_36 : i1 to i32
      %cond3A_38 = arith.constant 0 : i32
      %cond3A_39 = arith.cmpi ne, %convert_element_type3A_37, %cond3A_38 : i32
      scf.if %cond3A_39 {
        %add3A_138 = arith.constant 1 : i32
        %add3A_139 = arith.addi %add3A_28, %add3A_138 : i32
        %mul3A_140 = arith.constant 128 : i32
        %mul3A_141 = arith.muli %add3A_139, %mul3A_140 : i32
        %dma_start3A = arith.constant 0 : i32
        %dma_start3A_142 = arith.constant 1 : i32
        %dma_start3A_143 = arith.constant 0 : i32
        %dma_start3A_144 = tpu.memref_slice %arg9[%dma_start3A_142, %dma_start3A_143] : memref<8x128xi32, #tpu.memory_space<vmem>> -> memref<1x128xi32, #tpu.memory_space<vmem>>
        %dma_start3A_145 = tpu.memref_squeeze %dma_start3A_144 : memref<1x128xi32, #tpu.memory_space<vmem>> -> memref<128xi32, #tpu.memory_space<vmem>>
        %dma_start3A_146 = tpu.memref_slice %arg3[%dma_start3A, %mul3A_141] : memref<2x160000xi32, #tpu.memory_space<hbm>> -> memref<1x128xi32, #tpu.memory_space<hbm>>
        %dma_start3A_147 = tpu.memref_squeeze %dma_start3A_146 : memref<1x128xi32, #tpu.memory_space<hbm>> -> memref<128xi32, #tpu.memory_space<hbm>>
        %dma_start3A_148 = arith.constant 0 : i32
        %dma_start3A_149 = tpu.memref_slice %arg9[%dma_start3A_142, %dma_start3A_148] : memref<8x128xi32, #tpu.memory_space<vmem>> -> memref<1x128xi32, #tpu.memory_space<vmem>>
        %dma_start3A_150 = tpu.memref_squeeze %dma_start3A_149 : memref<1x128xi32, #tpu.memory_space<vmem>> -> memref<128xi32, #tpu.memory_space<vmem>>
        %dma_start3A_151 = tpu.memref_slice %arg3[%dma_start3A, %mul3A_141] : memref<2x160000xi32, #tpu.memory_space<hbm>> -> memref<1x128xi32, #tpu.memory_space<hbm>>
        %dma_start3A_152 = tpu.memref_squeeze %dma_start3A_151 : memref<1x128xi32, #tpu.memory_space<hbm>> -> memref<128xi32, #tpu.memory_space<hbm>>
        tpu.enqueue_dma source(%dma_start3A_152 : memref<128xi32, #tpu.memory_space<hbm>>) target(%dma_start3A_150 : memref<128xi32, #tpu.memory_space<vmem>>) target_semaphore(%arg14 : memref<!tpu.dma_semaphore, #tpu.memory_space<semaphore_mem>>)
        %add3A_153 = arith.constant 1 : i32
        %add3A_154 = arith.addi %add3A_28, %add3A_153 : i32
        %mul3A_155 = arith.constant 128 : i32
        %mul3A_156 = arith.muli %add3A_154, %mul3A_155 : i32
        %dma_start3A_157 = arith.constant 128 : i32
        %dma_start3A_158 = arith.constant 0 : i32
        %dma_start3A_159 = tpu.memref_slice %arg10[%dma_start3A_157, %dma_start3A_158] : memref<1024x32xf32, #tpu.memory_space<vmem>> -> memref<128x32xf32, #tpu.memory_space<vmem>>
        %dma_start3A_160 = arith.constant 0 : i32
        %dma_start3A_161 = tpu.memref_slice %arg2[%mul3A_156, %dma_start3A_160] : memref<160000x32xf32, #tpu.memory_space<hbm>> -> memref<128x32xf32, #tpu.memory_space<hbm>>
        %dma_start3A_162 = arith.constant 128 : i32
        %dma_start3A_163 = arith.constant 0 : i32
        %dma_start3A_164 = tpu.memref_slice %arg10[%dma_start3A_162, %dma_start3A_163] : memref<1024x32xf32, #tpu.memory_space<vmem>> -> memref<128x32xf32, #tpu.memory_space<vmem>>
        %dma_start3A_165 = arith.constant 0 : i32
        %dma_start3A_166 = tpu.memref_slice %arg2[%mul3A_156, %dma_start3A_165] : memref<160000x32xf32, #tpu.memory_space<hbm>> -> memref<128x32xf32, #tpu.memory_space<hbm>>
        tpu.enqueue_dma source(%dma_start3A_166 : memref<128x32xf32, #tpu.memory_space<hbm>>) target(%dma_start3A_164 : memref<128x32xf32, #tpu.memory_space<vmem>>) target_semaphore(%arg15 : memref<!tpu.dma_semaphore, #tpu.memory_space<semaphore_mem>>)
      } else {
      }
      %add3A_40 = arith.constant 2 : i32
      %add3A_41 = arith.addi %add3A_28, %add3A_40 : i32
      %lt3A_42 = arith.constant 1250 : i32
      %lt3A_43 = arith.cmpi slt, %add3A_41, %lt3A_42 : i32
      %convert_element_type3A_44 = arith.extui %lt3A_43 : i1 to i32
      %cond3A_45 = arith.constant 0 : i32
      %cond3A_46 = arith.cmpi ne, %convert_element_type3A_44, %cond3A_45 : i32
      scf.if %cond3A_46 {
        %add3A_138 = arith.constant 2 : i32
        %add3A_139 = arith.addi %add3A_28, %add3A_138 : i32
        %mul3A_140 = arith.constant 128 : i32
        %mul3A_141 = arith.muli %add3A_139, %mul3A_140 : i32
        %dma_start3A = arith.constant 0 : i32
        %dma_start3A_142 = arith.constant 2 : i32
        %dma_start3A_143 = arith.constant 0 : i32
        %dma_start3A_144 = tpu.memref_slice %arg9[%dma_start3A_142, %dma_start3A_143] : memref<8x128xi32, #tpu.memory_space<vmem>> -> memref<1x128xi32, #tpu.memory_space<vmem>>
        %dma_start3A_145 = tpu.memref_squeeze %dma_start3A_144 : memref<1x128xi32, #tpu.memory_space<vmem>> -> memref<128xi32, #tpu.memory_space<vmem>>
        %dma_start3A_146 = tpu.memref_slice %arg3[%dma_start3A, %mul3A_141] : memref<2x160000xi32, #tpu.memory_space<hbm>> -> memref<1x128xi32, #tpu.memory_space<hbm>>
        %dma_start3A_147 = tpu.memref_squeeze %dma_start3A_146 : memref<1x128xi32, #tpu.memory_space<hbm>> -> memref<128xi32, #tpu.memory_space<hbm>>
        %dma_start3A_148 = arith.constant 0 : i32
        %dma_start3A_149 = tpu.memref_slice %arg9[%dma_start3A_142, %dma_start3A_148] : memref<8x128xi32, #tpu.memory_space<vmem>> -> memref<1x128xi32, #tpu.memory_space<vmem>>
        %dma_start3A_150 = tpu.memref_squeeze %dma_start3A_149 : memref<1x128xi32, #tpu.memory_space<vmem>> -> memref<128xi32, #tpu.memory_space<vmem>>
        %dma_start3A_151 = tpu.memref_slice %arg3[%dma_start3A, %mul3A_141] : memref<2x160000xi32, #tpu.memory_space<hbm>> -> memref<1x128xi32, #tpu.memory_space<hbm>>
        %dma_start3A_152 = tpu.memref_squeeze %dma_start3A_151 : memref<1x128xi32, #tpu.memory_space<hbm>> -> memref<128xi32, #tpu.memory_space<hbm>>
        tpu.enqueue_dma source(%dma_start3A_152 : memref<128xi32, #tpu.memory_space<hbm>>) target(%dma_start3A_150 : memref<128xi32, #tpu.memory_space<vmem>>) target_semaphore(%arg14 : memref<!tpu.dma_semaphore, #tpu.memory_space<semaphore_mem>>)
        %add3A_153 = arith.constant 2 : i32
        %add3A_154 = arith.addi %add3A_28, %add3A_153 : i32
        %mul3A_155 = arith.constant 128 : i32
        %mul3A_156 = arith.muli %add3A_154, %mul3A_155 : i32
        %dma_start3A_157 = arith.constant 256 : i32
        %dma_start3A_158 = arith.constant 0 : i32
        %dma_start3A_159 = tpu.memref_slice %arg10[%dma_start3A_157, %dma_start3A_158] : memref<1024x32xf32, #tpu.memory_space<vmem>> -> memref<128x32xf32, #tpu.memory_space<vmem>>
        %dma_start3A_160 = arith.constant 0 : i32
        %dma_start3A_161 = tpu.memref_slice %arg2[%mul3A_156, %dma_start3A_160] : memref<160000x32xf32, #tpu.memory_space<hbm>> -> memref<128x32xf32, #tpu.memory_space<hbm>>
        %dma_start3A_162 = arith.constant 256 : i32
        %dma_start3A_163 = arith.constant 0 : i32
        %dma_start3A_164 = tpu.memref_slice %arg10[%dma_start3A_162, %dma_start3A_163] : memref<1024x32xf32, #tpu.memory_space<vmem>> -> memref<128x32xf32, #tpu.memory_space<vmem>>
        %dma_start3A_165 = arith.constant 0 : i32
        %dma_start3A_166 = tpu.memref_slice %arg2[%mul3A_156, %dma_start3A_165] : memref<160000x32xf32, #tpu.memory_space<hbm>> -> memref<128x32xf32, #tpu.memory_space<hbm>>
        tpu.enqueue_dma source(%dma_start3A_166 : memref<128x32xf32, #tpu.memory_space<hbm>>) target(%dma_start3A_164 : memref<128x32xf32, #tpu.memory_space<vmem>>) target_semaphore(%arg15 : memref<!tpu.dma_semaphore, #tpu.memory_space<semaphore_mem>>)
      } else {
      }
      %add3A_47 = arith.constant 3 : i32
      %add3A_48 = arith.addi %add3A_28, %add3A_47 : i32
      %lt3A_49 = arith.constant 1250 : i32
      %lt3A_50 = arith.cmpi slt, %add3A_48, %lt3A_49 : i32
      %convert_element_type3A_51 = arith.extui %lt3A_50 : i1 to i32
      %cond3A_52 = arith.constant 0 : i32
      %cond3A_53 = arith.cmpi ne, %convert_element_type3A_51, %cond3A_52 : i32
      scf.if %cond3A_53 {
        %add3A_138 = arith.constant 3 : i32
        %add3A_139 = arith.addi %add3A_28, %add3A_138 : i32
        %mul3A_140 = arith.constant 128 : i32
        %mul3A_141 = arith.muli %add3A_139, %mul3A_140 : i32
        %dma_start3A = arith.constant 0 : i32
        %dma_start3A_142 = arith.constant 3 : i32
        %dma_start3A_143 = arith.constant 0 : i32
        %dma_start3A_144 = tpu.memref_slice %arg9[%dma_start3A_142, %dma_start3A_143] : memref<8x128xi32, #tpu.memory_space<vmem>> -> memref<1x128xi32, #tpu.memory_space<vmem>>
        %dma_start3A_145 = tpu.memref_squeeze %dma_start3A_144 : memref<1x128xi32, #tpu.memory_space<vmem>> -> memref<128xi32, #tpu.memory_space<vmem>>
        %dma_start3A_146 = tpu.memref_slice %arg3[%dma_start3A, %mul3A_141] : memref<2x160000xi32, #tpu.memory_space<hbm>> -> memref<1x128xi32, #tpu.memory_space<hbm>>
        %dma_start3A_147 = tpu.memref_squeeze %dma_start3A_146 : memref<1x128xi32, #tpu.memory_space<hbm>> -> memref<128xi32, #tpu.memory_space<hbm>>
        %dma_start3A_148 = arith.constant 0 : i32
        %dma_start3A_149 = tpu.memref_slice %arg9[%dma_start3A_142, %dma_start3A_148] : memref<8x128xi32, #tpu.memory_space<vmem>> -> memref<1x128xi32, #tpu.memory_space<vmem>>
        %dma_start3A_150 = tpu.memref_squeeze %dma_start3A_149 : memref<1x128xi32, #tpu.memory_space<vmem>> -> memref<128xi32, #tpu.memory_space<vmem>>
        %dma_start3A_151 = tpu.memref_slice %arg3[%dma_start3A, %mul3A_141] : memref<2x160000xi32, #tpu.memory_space<hbm>> -> memref<1x128xi32, #tpu.memory_space<hbm>>
        %dma_start3A_152 = tpu.memref_squeeze %dma_start3A_151 : memref<1x128xi32, #tpu.memory_space<hbm>> -> memref<128xi32, #tpu.memory_space<hbm>>
        tpu.enqueue_dma source(%dma_start3A_152 : memref<128xi32, #tpu.memory_space<hbm>>) target(%dma_start3A_150 : memref<128xi32, #tpu.memory_space<vmem>>) target_semaphore(%arg14 : memref<!tpu.dma_semaphore, #tpu.memory_space<semaphore_mem>>)
        %add3A_153 = arith.constant 3 : i32
        %add3A_154 = arith.addi %add3A_28, %add3A_153 : i32
        %mul3A_155 = arith.constant 128 : i32
        %mul3A_156 = arith.muli %add3A_154, %mul3A_155 : i32
        %dma_start3A_157 = arith.constant 384 : i32
        %dma_start3A_158 = arith.constant 0 : i32
        %dma_start3A_159 = tpu.memref_slice %arg10[%dma_start3A_157, %dma_start3A_158] : memref<1024x32xf32, #tpu.memory_space<vmem>> -> memref<128x32xf32, #tpu.memory_space<vmem>>
        %dma_start3A_160 = arith.constant 0 : i32
        %dma_start3A_161 = tpu.memref_slice %arg2[%mul3A_156, %dma_start3A_160] : memref<160000x32xf32, #tpu.memory_space<hbm>> -> memref<128x32xf32, #tpu.memory_space<hbm>>
        %dma_start3A_162 = arith.constant 384 : i32
        %dma_start3A_163 = arith.constant 0 : i32
        %dma_start3A_164 = tpu.memref_slice %arg10[%dma_start3A_162, %dma_start3A_163] : memref<1024x32xf32, #tpu.memory_space<vmem>> -> memref<128x32xf32, #tpu.memory_space<vmem>>
        %dma_start3A_165 = arith.constant 0 : i32
        %dma_start3A_166 = tpu.memref_slice %arg2[%mul3A_156, %dma_start3A_165] : memref<160000x32xf32, #tpu.memory_space<hbm>> -> memref<128x32xf32, #tpu.memory_space<hbm>>
        tpu.enqueue_dma source(%dma_start3A_166 : memref<128x32xf32, #tpu.memory_space<hbm>>) target(%dma_start3A_164 : memref<128x32xf32, #tpu.memory_space<vmem>>) target_semaphore(%arg15 : memref<!tpu.dma_semaphore, #tpu.memory_space<semaphore_mem>>)
      } else {
      }
      %add3A_54 = arith.constant 4 : i32
      %add3A_55 = arith.addi %add3A_28, %add3A_54 : i32
      %lt3A_56 = arith.constant 1250 : i32
      %lt3A_57 = arith.cmpi slt, %add3A_55, %lt3A_56 : i32
      %convert_element_type3A_58 = arith.extui %lt3A_57 : i1 to i32
      %cond3A_59 = arith.constant 0 : i32
      %cond3A_60 = arith.cmpi ne, %convert_element_type3A_58, %cond3A_59 : i32
      scf.if %cond3A_60 {
        %add3A_138 = arith.constant 4 : i32
        %add3A_139 = arith.addi %add3A_28, %add3A_138 : i32
        %mul3A_140 = arith.constant 128 : i32
        %mul3A_141 = arith.muli %add3A_139, %mul3A_140 : i32
        %dma_start3A = arith.constant 0 : i32
        %dma_start3A_142 = arith.constant 4 : i32
        %dma_start3A_143 = arith.constant 0 : i32
        %dma_start3A_144 = tpu.memref_slice %arg9[%dma_start3A_142, %dma_start3A_143] : memref<8x128xi32, #tpu.memory_space<vmem>> -> memref<1x128xi32, #tpu.memory_space<vmem>>
        %dma_start3A_145 = tpu.memref_squeeze %dma_start3A_144 : memref<1x128xi32, #tpu.memory_space<vmem>> -> memref<128xi32, #tpu.memory_space<vmem>>
        %dma_start3A_146 = tpu.memref_slice %arg3[%dma_start3A, %mul3A_141] : memref<2x160000xi32, #tpu.memory_space<hbm>> -> memref<1x128xi32, #tpu.memory_space<hbm>>
        %dma_start3A_147 = tpu.memref_squeeze %dma_start3A_146 : memref<1x128xi32, #tpu.memory_space<hbm>> -> memref<128xi32, #tpu.memory_space<hbm>>
        %dma_start3A_148 = arith.constant 0 : i32
        %dma_start3A_149 = tpu.memref_slice %arg9[%dma_start3A_142, %dma_start3A_148] : memref<8x128xi32, #tpu.memory_space<vmem>> -> memref<1x128xi32, #tpu.memory_space<vmem>>
        %dma_start3A_150 = tpu.memref_squeeze %dma_start3A_149 : memref<1x128xi32, #tpu.memory_space<vmem>> -> memref<128xi32, #tpu.memory_space<vmem>>
        %dma_start3A_151 = tpu.memref_slice %arg3[%dma_start3A, %mul3A_141] : memref<2x160000xi32, #tpu.memory_space<hbm>> -> memref<1x128xi32, #tpu.memory_space<hbm>>
        %dma_start3A_152 = tpu.memref_squeeze %dma_start3A_151 : memref<1x128xi32, #tpu.memory_space<hbm>> -> memref<128xi32, #tpu.memory_space<hbm>>
        tpu.enqueue_dma source(%dma_start3A_152 : memref<128xi32, #tpu.memory_space<hbm>>) target(%dma_start3A_150 : memref<128xi32, #tpu.memory_space<vmem>>) target_semaphore(%arg14 : memref<!tpu.dma_semaphore, #tpu.memory_space<semaphore_mem>>)
        %add3A_153 = arith.constant 4 : i32
        %add3A_154 = arith.addi %add3A_28, %add3A_153 : i32
        %mul3A_155 = arith.constant 128 : i32
        %mul3A_156 = arith.muli %add3A_154, %mul3A_155 : i32
        %dma_start3A_157 = arith.constant 512 : i32
        %dma_start3A_158 = arith.constant 0 : i32
        %dma_start3A_159 = tpu.memref_slice %arg10[%dma_start3A_157, %dma_start3A_158] : memref<1024x32xf32, #tpu.memory_space<vmem>> -> memref<128x32xf32, #tpu.memory_space<vmem>>
        %dma_start3A_160 = arith.constant 0 : i32
        %dma_start3A_161 = tpu.memref_slice %arg2[%mul3A_156, %dma_start3A_160] : memref<160000x32xf32, #tpu.memory_space<hbm>> -> memref<128x32xf32, #tpu.memory_space<hbm>>
        %dma_start3A_162 = arith.constant 512 : i32
        %dma_start3A_163 = arith.constant 0 : i32
        %dma_start3A_164 = tpu.memref_slice %arg10[%dma_start3A_162, %dma_start3A_163] : memref<1024x32xf32, #tpu.memory_space<vmem>> -> memref<128x32xf32, #tpu.memory_space<vmem>>
        %dma_start3A_165 = arith.constant 0 : i32
        %dma_start3A_166 = tpu.memref_slice %arg2[%mul3A_156, %dma_start3A_165] : memref<160000x32xf32, #tpu.memory_space<hbm>> -> memref<128x32xf32, #tpu.memory_space<hbm>>
        tpu.enqueue_dma source(%dma_start3A_166 : memref<128x32xf32, #tpu.memory_space<hbm>>) target(%dma_start3A_164 : memref<128x32xf32, #tpu.memory_space<vmem>>) target_semaphore(%arg15 : memref<!tpu.dma_semaphore, #tpu.memory_space<semaphore_mem>>)
      } else {
      }
      %add3A_61 = arith.constant 5 : i32
      %add3A_62 = arith.addi %add3A_28, %add3A_61 : i32
      %lt3A_63 = arith.constant 1250 : i32
      %lt3A_64 = arith.cmpi slt, %add3A_62, %lt3A_63 : i32
      %convert_element_type3A_65 = arith.extui %lt3A_64 : i1 to i32
      %cond3A_66 = arith.constant 0 : i32
      %cond3A_67 = arith.cmpi ne, %convert_element_type3A_65, %cond3A_66 : i32
      scf.if %cond3A_67 {
        %add3A_138 = arith.constant 5 : i32
        %add3A_139 = arith.addi %add3A_28, %add3A_138 : i32
        %mul3A_140 = arith.constant 128 : i32
        %mul3A_141 = arith.muli %add3A_139, %mul3A_140 : i32
        %dma_start3A = arith.constant 0 : i32
        %dma_start3A_142 = arith.constant 5 : i32
        %dma_start3A_143 = arith.constant 0 : i32
        %dma_start3A_144 = tpu.memref_slice %arg9[%dma_start3A_142, %dma_start3A_143] : memref<8x128xi32, #tpu.memory_space<vmem>> -> memref<1x128xi32, #tpu.memory_space<vmem>>
        %dma_start3A_145 = tpu.memref_squeeze %dma_start3A_144 : memref<1x128xi32, #tpu.memory_space<vmem>> -> memref<128xi32, #tpu.memory_space<vmem>>
        %dma_start3A_146 = tpu.memref_slice %arg3[%dma_start3A, %mul3A_141] : memref<2x160000xi32, #tpu.memory_space<hbm>> -> memref<1x128xi32, #tpu.memory_space<hbm>>
        %dma_start3A_147 = tpu.memref_squeeze %dma_start3A_146 : memref<1x128xi32, #tpu.memory_space<hbm>> -> memref<128xi32, #tpu.memory_space<hbm>>
        %dma_start3A_148 = arith.constant 0 : i32
        %dma_start3A_149 = tpu.memref_slice %arg9[%dma_start3A_142, %dma_start3A_148] : memref<8x128xi32, #tpu.memory_space<vmem>> -> memref<1x128xi32, #tpu.memory_space<vmem>>
        %dma_start3A_150 = tpu.memref_squeeze %dma_start3A_149 : memref<1x128xi32, #tpu.memory_space<vmem>> -> memref<128xi32, #tpu.memory_space<vmem>>
        %dma_start3A_151 = tpu.memref_slice %arg3[%dma_start3A, %mul3A_141] : memref<2x160000xi32, #tpu.memory_space<hbm>> -> memref<1x128xi32, #tpu.memory_space<hbm>>
        %dma_start3A_152 = tpu.memref_squeeze %dma_start3A_151 : memref<1x128xi32, #tpu.memory_space<hbm>> -> memref<128xi32, #tpu.memory_space<hbm>>
        tpu.enqueue_dma source(%dma_start3A_152 : memref<128xi32, #tpu.memory_space<hbm>>) target(%dma_start3A_150 : memref<128xi32, #tpu.memory_space<vmem>>) target_semaphore(%arg14 : memref<!tpu.dma_semaphore, #tpu.memory_space<semaphore_mem>>)
        %add3A_153 = arith.constant 5 : i32
        %add3A_154 = arith.addi %add3A_28, %add3A_153 : i32
        %mul3A_155 = arith.constant 128 : i32
        %mul3A_156 = arith.muli %add3A_154, %mul3A_155 : i32
        %dma_start3A_157 = arith.constant 640 : i32
        %dma_start3A_158 = arith.constant 0 : i32
        %dma_start3A_159 = tpu.memref_slice %arg10[%dma_start3A_157, %dma_start3A_158] : memref<1024x32xf32, #tpu.memory_space<vmem>> -> memref<128x32xf32, #tpu.memory_space<vmem>>
        %dma_start3A_160 = arith.constant 0 : i32
        %dma_start3A_161 = tpu.memref_slice %arg2[%mul3A_156, %dma_start3A_160] : memref<160000x32xf32, #tpu.memory_space<hbm>> -> memref<128x32xf32, #tpu.memory_space<hbm>>
        %dma_start3A_162 = arith.constant 640 : i32
        %dma_start3A_163 = arith.constant 0 : i32
        %dma_start3A_164 = tpu.memref_slice %arg10[%dma_start3A_162, %dma_start3A_163] : memref<1024x32xf32, #tpu.memory_space<vmem>> -> memref<128x32xf32, #tpu.memory_space<vmem>>
        %dma_start3A_165 = arith.constant 0 : i32
        %dma_start3A_166 = tpu.memref_slice %arg2[%mul3A_156, %dma_start3A_165] : memref<160000x32xf32, #tpu.memory_space<hbm>> -> memref<128x32xf32, #tpu.memory_space<hbm>>
        tpu.enqueue_dma source(%dma_start3A_166 : memref<128x32xf32, #tpu.memory_space<hbm>>) target(%dma_start3A_164 : memref<128x32xf32, #tpu.memory_space<vmem>>) target_semaphore(%arg15 : memref<!tpu.dma_semaphore, #tpu.memory_space<semaphore_mem>>)
      } else {
      }
      %add3A_68 = arith.constant 6 : i32
      %add3A_69 = arith.addi %add3A_28, %add3A_68 : i32
      %lt3A_70 = arith.constant 1250 : i32
      %lt3A_71 = arith.cmpi slt, %add3A_69, %lt3A_70 : i32
      %convert_element_type3A_72 = arith.extui %lt3A_71 : i1 to i32
      %cond3A_73 = arith.constant 0 : i32
      %cond3A_74 = arith.cmpi ne, %convert_element_type3A_72, %cond3A_73 : i32
      scf.if %cond3A_74 {
        %add3A_138 = arith.constant 6 : i32
        %add3A_139 = arith.addi %add3A_28, %add3A_138 : i32
        %mul3A_140 = arith.constant 128 : i32
        %mul3A_141 = arith.muli %add3A_139, %mul3A_140 : i32
        %dma_start3A = arith.constant 0 : i32
        %dma_start3A_142 = arith.constant 6 : i32
        %dma_start3A_143 = arith.constant 0 : i32
        %dma_start3A_144 = tpu.memref_slice %arg9[%dma_start3A_142, %dma_start3A_143] : memref<8x128xi32, #tpu.memory_space<vmem>> -> memref<1x128xi32, #tpu.memory_space<vmem>>
        %dma_start3A_145 = tpu.memref_squeeze %dma_start3A_144 : memref<1x128xi32, #tpu.memory_space<vmem>> -> memref<128xi32, #tpu.memory_space<vmem>>
        %dma_start3A_146 = tpu.memref_slice %arg3[%dma_start3A, %mul3A_141] : memref<2x160000xi32, #tpu.memory_space<hbm>> -> memref<1x128xi32, #tpu.memory_space<hbm>>
        %dma_start3A_147 = tpu.memref_squeeze %dma_start3A_146 : memref<1x128xi32, #tpu.memory_space<hbm>> -> memref<128xi32, #tpu.memory_space<hbm>>
        %dma_start3A_148 = arith.constant 0 : i32
        %dma_start3A_149 = tpu.memref_slice %arg9[%dma_start3A_142, %dma_start3A_148] : memref<8x128xi32, #tpu.memory_space<vmem>> -> memref<1x128xi32, #tpu.memory_space<vmem>>
        %dma_start3A_150 = tpu.memref_squeeze %dma_start3A_149 : memref<1x128xi32, #tpu.memory_space<vmem>> -> memref<128xi32, #tpu.memory_space<vmem>>
        %dma_start3A_151 = tpu.memref_slice %arg3[%dma_start3A, %mul3A_141] : memref<2x160000xi32, #tpu.memory_space<hbm>> -> memref<1x128xi32, #tpu.memory_space<hbm>>
        %dma_start3A_152 = tpu.memref_squeeze %dma_start3A_151 : memref<1x128xi32, #tpu.memory_space<hbm>> -> memref<128xi32, #tpu.memory_space<hbm>>
        tpu.enqueue_dma source(%dma_start3A_152 : memref<128xi32, #tpu.memory_space<hbm>>) target(%dma_start3A_150 : memref<128xi32, #tpu.memory_space<vmem>>) target_semaphore(%arg14 : memref<!tpu.dma_semaphore, #tpu.memory_space<semaphore_mem>>)
        %add3A_153 = arith.constant 6 : i32
        %add3A_154 = arith.addi %add3A_28, %add3A_153 : i32
        %mul3A_155 = arith.constant 128 : i32
        %mul3A_156 = arith.muli %add3A_154, %mul3A_155 : i32
        %dma_start3A_157 = arith.constant 768 : i32
        %dma_start3A_158 = arith.constant 0 : i32
        %dma_start3A_159 = tpu.memref_slice %arg10[%dma_start3A_157, %dma_start3A_158] : memref<1024x32xf32, #tpu.memory_space<vmem>> -> memref<128x32xf32, #tpu.memory_space<vmem>>
        %dma_start3A_160 = arith.constant 0 : i32
        %dma_start3A_161 = tpu.memref_slice %arg2[%mul3A_156, %dma_start3A_160] : memref<160000x32xf32, #tpu.memory_space<hbm>> -> memref<128x32xf32, #tpu.memory_space<hbm>>
        %dma_start3A_162 = arith.constant 768 : i32
        %dma_start3A_163 = arith.constant 0 : i32
        %dma_start3A_164 = tpu.memref_slice %arg10[%dma_start3A_162, %dma_start3A_163] : memref<1024x32xf32, #tpu.memory_space<vmem>> -> memref<128x32xf32, #tpu.memory_space<vmem>>
        %dma_start3A_165 = arith.constant 0 : i32
        %dma_start3A_166 = tpu.memref_slice %arg2[%mul3A_156, %dma_start3A_165] : memref<160000x32xf32, #tpu.memory_space<hbm>> -> memref<128x32xf32, #tpu.memory_space<hbm>>
        tpu.enqueue_dma source(%dma_start3A_166 : memref<128x32xf32, #tpu.memory_space<hbm>>) target(%dma_start3A_164 : memref<128x32xf32, #tpu.memory_space<vmem>>) target_semaphore(%arg15 : memref<!tpu.dma_semaphore, #tpu.memory_space<semaphore_mem>>)
      } else {
      }
      %add3A_75 = arith.constant 7 : i32
      %add3A_76 = arith.addi %add3A_28, %add3A_75 : i32
      %lt3A_77 = arith.constant 1250 : i32
      %lt3A_78 = arith.cmpi slt, %add3A_76, %lt3A_77 : i32
      %convert_element_type3A_79 = arith.extui %lt3A_78 : i1 to i32
      %cond3A_80 = arith.constant 0 : i32
      %cond3A_81 = arith.cmpi ne, %convert_element_type3A_79, %cond3A_80 : i32
      scf.if %cond3A_81 {
        %add3A_138 = arith.constant 7 : i32
        %add3A_139 = arith.addi %add3A_28, %add3A_138 : i32
        %mul3A_140 = arith.constant 128 : i32
        %mul3A_141 = arith.muli %add3A_139, %mul3A_140 : i32
        %dma_start3A = arith.constant 0 : i32
        %dma_start3A_142 = arith.constant 7 : i32
        %dma_start3A_143 = arith.constant 0 : i32
        %dma_start3A_144 = tpu.memref_slice %arg9[%dma_start3A_142, %dma_start3A_143] : memref<8x128xi32, #tpu.memory_space<vmem>> -> memref<1x128xi32, #tpu.memory_space<vmem>>
        %dma_start3A_145 = tpu.memref_squeeze %dma_start3A_144 : memref<1x128xi32, #tpu.memory_space<vmem>> -> memref<128xi32, #tpu.memory_space<vmem>>
        %dma_start3A_146 = tpu.memref_slice %arg3[%dma_start3A, %mul3A_141] : memref<2x160000xi32, #tpu.memory_space<hbm>> -> memref<1x128xi32, #tpu.memory_space<hbm>>
        %dma_start3A_147 = tpu.memref_squeeze %dma_start3A_146 : memref<1x128xi32, #tpu.memory_space<hbm>> -> memref<128xi32, #tpu.memory_space<hbm>>
        %dma_start3A_148 = arith.constant 0 : i32
        %dma_start3A_149 = tpu.memref_slice %arg9[%dma_start3A_142, %dma_start3A_148] : memref<8x128xi32, #tpu.memory_space<vmem>> -> memref<1x128xi32, #tpu.memory_space<vmem>>
        %dma_start3A_150 = tpu.memref_squeeze %dma_start3A_149 : memref<1x128xi32, #tpu.memory_space<vmem>> -> memref<128xi32, #tpu.memory_space<vmem>>
        %dma_start3A_151 = tpu.memref_slice %arg3[%dma_start3A, %mul3A_141] : memref<2x160000xi32, #tpu.memory_space<hbm>> -> memref<1x128xi32, #tpu.memory_space<hbm>>
        %dma_start3A_152 = tpu.memref_squeeze %dma_start3A_151 : memref<1x128xi32, #tpu.memory_space<hbm>> -> memref<128xi32, #tpu.memory_space<hbm>>
        tpu.enqueue_dma source(%dma_start3A_152 : memref<128xi32, #tpu.memory_space<hbm>>) target(%dma_start3A_150 : memref<128xi32, #tpu.memory_space<vmem>>) target_semaphore(%arg14 : memref<!tpu.dma_semaphore, #tpu.memory_space<semaphore_mem>>)
        %add3A_153 = arith.constant 7 : i32
        %add3A_154 = arith.addi %add3A_28, %add3A_153 : i32
        %mul3A_155 = arith.constant 128 : i32
        %mul3A_156 = arith.muli %add3A_154, %mul3A_155 : i32
        %dma_start3A_157 = arith.constant 896 : i32
        %dma_start3A_158 = arith.constant 0 : i32
        %dma_start3A_159 = tpu.memref_slice %arg10[%dma_start3A_157, %dma_start3A_158] : memref<1024x32xf32, #tpu.memory_space<vmem>> -> memref<128x32xf32, #tpu.memory_space<vmem>>
        %dma_start3A_160 = arith.constant 0 : i32
        %dma_start3A_161 = tpu.memref_slice %arg2[%mul3A_156, %dma_start3A_160] : memref<160000x32xf32, #tpu.memory_space<hbm>> -> memref<128x32xf32, #tpu.memory_space<hbm>>
        %dma_start3A_162 = arith.constant 896 : i32
        %dma_start3A_163 = arith.constant 0 : i32
        %dma_start3A_164 = tpu.memref_slice %arg10[%dma_start3A_162, %dma_start3A_163] : memref<1024x32xf32, #tpu.memory_space<vmem>> -> memref<128x32xf32, #tpu.memory_space<vmem>>
        %dma_start3A_165 = arith.constant 0 : i32
        %dma_start3A_166 = tpu.memref_slice %arg2[%mul3A_156, %dma_start3A_165] : memref<160000x32xf32, #tpu.memory_space<hbm>> -> memref<128x32xf32, #tpu.memory_space<hbm>>
        tpu.enqueue_dma source(%dma_start3A_166 : memref<128x32xf32, #tpu.memory_space<hbm>>) target(%dma_start3A_164 : memref<128x32xf32, #tpu.memory_space<vmem>>) target_semaphore(%arg15 : memref<!tpu.dma_semaphore, #tpu.memory_space<semaphore_mem>>)
      } else {
      }
      %add3A_82 = arith.constant 0 : i32
      %add3A_83 = arith.addi %add3A_28, %add3A_82 : i32
      %lt3A_84 = arith.constant 1250 : i32
      %lt3A_85 = arith.cmpi slt, %add3A_83, %lt3A_84 : i32
      %convert_element_type3A_86 = arith.extui %lt3A_85 : i1 to i32
      %cond3A_87 = arith.constant 0 : i32
      %cond3A_88 = arith.cmpi ne, %convert_element_type3A_86, %cond3A_87 : i32
      scf.if %cond3A_88 {
        %add3A_138 = arith.constant 0 : i32
        %add3A_139 = arith.addi %add3A_28, %add3A_138 : i32
        %mul3A_140 = arith.constant 128 : i32
        %mul3A_141 = arith.muli %add3A_139, %mul3A_140 : i32
        %dma_wait3A = arith.constant 0 : i32
        %dma_wait3A_142 = arith.constant 0 : i32
        %dma_wait3A_143 = arith.constant 0 : i32
        %dma_wait3A_144 = tpu.memref_slice %arg9[%dma_wait3A_142, %dma_wait3A_143] : memref<8x128xi32, #tpu.memory_space<vmem>> -> memref<1x128xi32, #tpu.memory_space<vmem>>
        %dma_wait3A_145 = tpu.memref_squeeze %dma_wait3A_144 : memref<1x128xi32, #tpu.memory_space<vmem>> -> memref<128xi32, #tpu.memory_space<vmem>>
        %dma_wait3A_146 = tpu.memref_slice %arg3[%dma_wait3A, %mul3A_141] : memref<2x160000xi32, #tpu.memory_space<hbm>> -> memref<1x128xi32, #tpu.memory_space<hbm>>
        %dma_wait3A_147 = tpu.memref_squeeze %dma_wait3A_146 : memref<1x128xi32, #tpu.memory_space<hbm>> -> memref<128xi32, #tpu.memory_space<hbm>>
        %dma_wait3A_148 = arith.constant 0 : i32
        %dma_wait3A_149 = tpu.memref_slice %arg9[%dma_wait3A_142, %dma_wait3A_148] : memref<8x128xi32, #tpu.memory_space<vmem>> -> memref<1x128xi32, #tpu.memory_space<vmem>>
        %dma_wait3A_150 = tpu.memref_squeeze %dma_wait3A_149 : memref<1x128xi32, #tpu.memory_space<vmem>> -> memref<128xi32, #tpu.memory_space<vmem>>
        %dma_wait3A_151 = tpu.memref_slice %arg3[%dma_wait3A, %mul3A_141] : memref<2x160000xi32, #tpu.memory_space<hbm>> -> memref<1x128xi32, #tpu.memory_space<hbm>>
        %dma_wait3A_152 = tpu.memref_squeeze %dma_wait3A_151 : memref<1x128xi32, #tpu.memory_space<hbm>> -> memref<128xi32, #tpu.memory_space<hbm>>
        tpu.wait_dma2 semaphore(%arg14 : memref<!tpu.dma_semaphore, #tpu.memory_space<semaphore_mem>>) src(%dma_wait3A_152 : memref<128xi32, #tpu.memory_space<hbm>>) dst(%dma_wait3A_150 : memref<128xi32, #tpu.memory_space<vmem>>)
        %add3A_153 = arith.constant 0 : i32
        %add3A_154 = arith.addi %add3A_28, %add3A_153 : i32
        %mul3A_155 = arith.constant 128 : i32
        %mul3A_156 = arith.muli %add3A_154, %mul3A_155 : i32
        %dma_wait3A_157 = arith.constant 0 : i32
        %dma_wait3A_158 = arith.constant 0 : i32
        %dma_wait3A_159 = tpu.memref_slice %arg10[%dma_wait3A_157, %dma_wait3A_158] : memref<1024x32xf32, #tpu.memory_space<vmem>> -> memref<128x32xf32, #tpu.memory_space<vmem>>
        %dma_wait3A_160 = arith.constant 0 : i32
        %dma_wait3A_161 = tpu.memref_slice %arg2[%mul3A_156, %dma_wait3A_160] : memref<160000x32xf32, #tpu.memory_space<hbm>> -> memref<128x32xf32, #tpu.memory_space<hbm>>
        %dma_wait3A_162 = arith.constant 0 : i32
        %dma_wait3A_163 = arith.constant 0 : i32
        %dma_wait3A_164 = tpu.memref_slice %arg10[%dma_wait3A_162, %dma_wait3A_163] : memref<1024x32xf32, #tpu.memory_space<vmem>> -> memref<128x32xf32, #tpu.memory_space<vmem>>
        %dma_wait3A_165 = arith.constant 0 : i32
        %dma_wait3A_166 = tpu.memref_slice %arg2[%mul3A_156, %dma_wait3A_165] : memref<160000x32xf32, #tpu.memory_space<hbm>> -> memref<128x32xf32, #tpu.memory_space<hbm>>
        tpu.wait_dma2 semaphore(%arg15 : memref<!tpu.dma_semaphore, #tpu.memory_space<semaphore_mem>>) src(%dma_wait3A_166 : memref<128x32xf32, #tpu.memory_space<hbm>>) dst(%dma_wait3A_164 : memref<128x32xf32, #tpu.memory_space<vmem>>)
        %run_scoped3A = arith.constant 0 : i32
        "tpu.region"() ({
          %run_scoped3A_168 = tpu.sem_alloc : memref<!tpu.dma_semaphore, #tpu.memory_space<semaphore_mem>>
          %dma_start3A = arith.constant 0 : i32
          %dma_start3A_169 = arith.constant 0 : i32
          %dma_start3A_170 = tpu.memref_slice %arg10[%dma_start3A, %dma_start3A_169] : memref<1024x32xf32, #tpu.memory_space<vmem>> -> memref<128x32xf32, #tpu.memory_space<vmem>>
          %dma_start3A_171 = arith.constant 0 : i32
          %dma_start3A_172 = tpu.memref_slice %arg9[%run_scoped3A, %dma_start3A_171] : memref<8x128xi32, #tpu.memory_space<vmem>> -> memref<1x128xi32, #tpu.memory_space<vmem>>
          %dma_start3A_173 = tpu.memref_squeeze %dma_start3A_172 : memref<1x128xi32, #tpu.memory_space<vmem>> -> memref<128xi32, #tpu.memory_space<vmem>>
          %dma_start3A_174 = arith.constant 0 : i32
          %dma_start3A_175 = arith.constant 0 : i32
          %dma_start3A_176 = tpu.memref_slice %arg12[%dma_start3A_174, %dma_start3A_175] : memref<10000x32xf32, #tpu.memory_space<vmem_shared>> -> memref<10000x32xf32, #tpu.memory_space<vmem_shared>>
          tpu.enqueue_indirect_dma source(%dma_start3A_170 : memref<128x32xf32, #tpu.memory_space<vmem>>) target(%dma_start3A_176 : memref<10000x32xf32, #tpu.memory_space<vmem_shared>>) offsets(%dma_start3A_173 : memref<128xi32, #tpu.memory_space<vmem>>) semaphore(%run_scoped3A_168 : memref<!tpu.dma_semaphore, #tpu.memory_space<semaphore_mem>>) {add = true}
          %dma_wait3A_177 = arith.constant 0 : i32
          %dma_wait3A_178 = arith.constant 0 : i32
          %dma_wait3A_179 = tpu.memref_slice %arg10[%dma_wait3A_177, %dma_wait3A_178] : memref<1024x32xf32, #tpu.memory_space<vmem>> -> memref<128x32xf32, #tpu.memory_space<vmem>>
          %dma_wait3A_180 = arith.constant 0 : i32
          %dma_wait3A_181 = tpu.memref_slice %arg9[%run_scoped3A, %dma_wait3A_180] : memref<8x128xi32, #tpu.memory_space<vmem>> -> memref<1x128xi32, #tpu.memory_space<vmem>>
          %dma_wait3A_182 = tpu.memref_squeeze %dma_wait3A_181 : memref<1x128xi32, #tpu.memory_space<vmem>> -> memref<128xi32, #tpu.memory_space<vmem>>
          %dma_wait3A_183 = arith.constant 0 : i32
          %dma_wait3A_184 = arith.constant 0 : i32
          %dma_wait3A_185 = tpu.memref_slice %arg12[%dma_wait3A_183, %dma_wait3A_184] : memref<10000x32xf32, #tpu.memory_space<vmem_shared>> -> memref<10000x32xf32, #tpu.memory_space<vmem_shared>>
          tpu.wait_indirect_dma semaphore(%run_scoped3A_168 : memref<!tpu.dma_semaphore, #tpu.memory_space<semaphore_mem>>) src(%dma_wait3A_179 : memref<128x32xf32, #tpu.memory_space<vmem>>) dst(%dma_wait3A_185 : memref<10000x32xf32, #tpu.memory_space<vmem_shared>>)
          tpu.yield
        }) : () -> ()
        %run_scoped3A_167 = arith.constant 0 : i32
        "tpu.region"() ({
          %run_scoped3A_168 = tpu.sem_alloc : memref<!tpu.dma_semaphore, #tpu.memory_space<semaphore_mem>>
          %dma_start3A = arith.constant 0 : i32
          %dma_start3A_169 = tpu.memref_slice %arg9[%run_scoped3A_167, %dma_start3A] : memref<8x128xi32, #tpu.memory_space<vmem>> -> memref<1x128xi32, #tpu.memory_space<vmem>>
          %dma_start3A_170 = tpu.memref_squeeze %dma_start3A_169 : memref<1x128xi32, #tpu.memory_space<vmem>> -> memref<128xi32, #tpu.memory_space<vmem>>
          %dma_start3A_171 = arith.constant 0 : i32
          %dma_start3A_172 = arith.constant 0 : i32
          %dma_start3A_173 = tpu.memref_slice %arg13[%dma_start3A_171, %dma_start3A_172] : memref<10000x16xf32, #tpu.memory_space<vmem_shared>> -> memref<10000x16xf32, #tpu.memory_space<vmem_shared>>
          tpu.enqueue_indirect_dma source(%arg11 : memref<128x16xf32, #tpu.memory_space<vmem>>) target(%dma_start3A_173 : memref<10000x16xf32, #tpu.memory_space<vmem_shared>>) offsets(%dma_start3A_170 : memref<128xi32, #tpu.memory_space<vmem>>) semaphore(%run_scoped3A_168 : memref<!tpu.dma_semaphore, #tpu.memory_space<semaphore_mem>>) {add = true}
          %dma_wait3A_174 = arith.constant 0 : i32
          %dma_wait3A_175 = tpu.memref_slice %arg9[%run_scoped3A_167, %dma_wait3A_174] : memref<8x128xi32, #tpu.memory_space<vmem>> -> memref<1x128xi32, #tpu.memory_space<vmem>>
          %dma_wait3A_176 = tpu.memref_squeeze %dma_wait3A_175 : memref<1x128xi32, #tpu.memory_space<vmem>> -> memref<128xi32, #tpu.memory_space<vmem>>
          %dma_wait3A_177 = arith.constant 0 : i32
          %dma_wait3A_178 = arith.constant 0 : i32
          %dma_wait3A_179 = tpu.memref_slice %arg13[%dma_wait3A_177, %dma_wait3A_178] : memref<10000x16xf32, #tpu.memory_space<vmem_shared>> -> memref<10000x16xf32, #tpu.memory_space<vmem_shared>>
          tpu.wait_indirect_dma semaphore(%run_scoped3A_168 : memref<!tpu.dma_semaphore, #tpu.memory_space<semaphore_mem>>) src(%arg11 : memref<128x16xf32, #tpu.memory_space<vmem>>) dst(%dma_wait3A_179 : memref<10000x16xf32, #tpu.memory_space<vmem_shared>>)
          tpu.yield
        }) : () -> ()
      } else {
      }
      %add3A_89 = arith.constant 1 : i32
      %add3A_90 = arith.addi %add3A_28, %add3A_89 : i32
      %lt3A_91 = arith.constant 1250 : i32
      %lt3A_92 = arith.cmpi slt, %add3A_90, %lt3A_91 : i32
      %convert_element_type3A_93 = arith.extui %lt3A_92 : i1 to i32
      %cond3A_94 = arith.constant 0 : i32
      %cond3A_95 = arith.cmpi ne, %convert_element_type3A_93, %cond3A_94 : i32
      scf.if %cond3A_95 {
        %add3A_138 = arith.constant 1 : i32
        %add3A_139 = arith.addi %add3A_28, %add3A_138 : i32
        %mul3A_140 = arith.constant 128 : i32
        %mul3A_141 = arith.muli %add3A_139, %mul3A_140 : i32
        %dma_wait3A = arith.constant 0 : i32
        %dma_wait3A_142 = arith.constant 1 : i32
        %dma_wait3A_143 = arith.constant 0 : i32
        %dma_wait3A_144 = tpu.memref_slice %arg9[%dma_wait3A_142, %dma_wait3A_143] : memref<8x128xi32, #tpu.memory_space<vmem>> -> memref<1x128xi32, #tpu.memory_space<vmem>>
        %dma_wait3A_145 = tpu.memref_squeeze %dma_wait3A_144 : memref<1x128xi32, #tpu.memory_space<vmem>> -> memref<128xi32, #tpu.memory_space<vmem>>
        %dma_wait3A_146 = tpu.memref_slice %arg3[%dma_wait3A, %mul3A_141] : memref<2x160000xi32, #tpu.memory_space<hbm>> -> memref<1x128xi32, #tpu.memory_space<hbm>>
        %dma_wait3A_147 = tpu.memref_squeeze %dma_wait3A_146 : memref<1x128xi32, #tpu.memory_space<hbm>> -> memref<128xi32, #tpu.memory_space<hbm>>
        %dma_wait3A_148 = arith.constant 0 : i32
        %dma_wait3A_149 = tpu.memref_slice %arg9[%dma_wait3A_142, %dma_wait3A_148] : memref<8x128xi32, #tpu.memory_space<vmem>> -> memref<1x128xi32, #tpu.memory_space<vmem>>
        %dma_wait3A_150 = tpu.memref_squeeze %dma_wait3A_149 : memref<1x128xi32, #tpu.memory_space<vmem>> -> memref<128xi32, #tpu.memory_space<vmem>>
        %dma_wait3A_151 = tpu.memref_slice %arg3[%dma_wait3A, %mul3A_141] : memref<2x160000xi32, #tpu.memory_space<hbm>> -> memref<1x128xi32, #tpu.memory_space<hbm>>
        %dma_wait3A_152 = tpu.memref_squeeze %dma_wait3A_151 : memref<1x128xi32, #tpu.memory_space<hbm>> -> memref<128xi32, #tpu.memory_space<hbm>>
        tpu.wait_dma2 semaphore(%arg14 : memref<!tpu.dma_semaphore, #tpu.memory_space<semaphore_mem>>) src(%dma_wait3A_152 : memref<128xi32, #tpu.memory_space<hbm>>) dst(%dma_wait3A_150 : memref<128xi32, #tpu.memory_space<vmem>>)
        %add3A_153 = arith.constant 1 : i32
        %add3A_154 = arith.addi %add3A_28, %add3A_153 : i32
        %mul3A_155 = arith.constant 128 : i32
        %mul3A_156 = arith.muli %add3A_154, %mul3A_155 : i32
        %dma_wait3A_157 = arith.constant 128 : i32
        %dma_wait3A_158 = arith.constant 0 : i32
        %dma_wait3A_159 = tpu.memref_slice %arg10[%dma_wait3A_157, %dma_wait3A_158] : memref<1024x32xf32, #tpu.memory_space<vmem>> -> memref<128x32xf32, #tpu.memory_space<vmem>>
        %dma_wait3A_160 = arith.constant 0 : i32
        %dma_wait3A_161 = tpu.memref_slice %arg2[%mul3A_156, %dma_wait3A_160] : memref<160000x32xf32, #tpu.memory_space<hbm>> -> memref<128x32xf32, #tpu.memory_space<hbm>>
        %dma_wait3A_162 = arith.constant 128 : i32
        %dma_wait3A_163 = arith.constant 0 : i32
        %dma_wait3A_164 = tpu.memref_slice %arg10[%dma_wait3A_162, %dma_wait3A_163] : memref<1024x32xf32, #tpu.memory_space<vmem>> -> memref<128x32xf32, #tpu.memory_space<vmem>>
        %dma_wait3A_165 = arith.constant 0 : i32
        %dma_wait3A_166 = tpu.memref_slice %arg2[%mul3A_156, %dma_wait3A_165] : memref<160000x32xf32, #tpu.memory_space<hbm>> -> memref<128x32xf32, #tpu.memory_space<hbm>>
        tpu.wait_dma2 semaphore(%arg15 : memref<!tpu.dma_semaphore, #tpu.memory_space<semaphore_mem>>) src(%dma_wait3A_166 : memref<128x32xf32, #tpu.memory_space<hbm>>) dst(%dma_wait3A_164 : memref<128x32xf32, #tpu.memory_space<vmem>>)
        %run_scoped3A = arith.constant 1 : i32
        "tpu.region"() ({
          %run_scoped3A_168 = tpu.sem_alloc : memref<!tpu.dma_semaphore, #tpu.memory_space<semaphore_mem>>
          %dma_start3A = arith.constant 128 : i32
          %dma_start3A_169 = arith.constant 0 : i32
          %dma_start3A_170 = tpu.memref_slice %arg10[%dma_start3A, %dma_start3A_169] : memref<1024x32xf32, #tpu.memory_space<vmem>> -> memref<128x32xf32, #tpu.memory_space<vmem>>
          %dma_start3A_171 = arith.constant 0 : i32
          %dma_start3A_172 = tpu.memref_slice %arg9[%run_scoped3A, %dma_start3A_171] : memref<8x128xi32, #tpu.memory_space<vmem>> -> memref<1x128xi32, #tpu.memory_space<vmem>>
          %dma_start3A_173 = tpu.memref_squeeze %dma_start3A_172 : memref<1x128xi32, #tpu.memory_space<vmem>> -> memref<128xi32, #tpu.memory_space<vmem>>
          %dma_start3A_174 = arith.constant 0 : i32
          %dma_start3A_175 = arith.constant 0 : i32
          %dma_start3A_176 = tpu.memref_slice %arg12[%dma_start3A_174, %dma_start3A_175] : memref<10000x32xf32, #tpu.memory_space<vmem_shared>> -> memref<10000x32xf32, #tpu.memory_space<vmem_shared>>
          tpu.enqueue_indirect_dma source(%dma_start3A_170 : memref<128x32xf32, #tpu.memory_space<vmem>>) target(%dma_start3A_176 : memref<10000x32xf32, #tpu.memory_space<vmem_shared>>) offsets(%dma_start3A_173 : memref<128xi32, #tpu.memory_space<vmem>>) semaphore(%run_scoped3A_168 : memref<!tpu.dma_semaphore, #tpu.memory_space<semaphore_mem>>) {add = true}
          %dma_wait3A_177 = arith.constant 128 : i32
          %dma_wait3A_178 = arith.constant 0 : i32
          %dma_wait3A_179 = tpu.memref_slice %arg10[%dma_wait3A_177, %dma_wait3A_178] : memref<1024x32xf32, #tpu.memory_space<vmem>> -> memref<128x32xf32, #tpu.memory_space<vmem>>
          %dma_wait3A_180 = arith.constant 0 : i32
          %dma_wait3A_181 = tpu.memref_slice %arg9[%run_scoped3A, %dma_wait3A_180] : memref<8x128xi32, #tpu.memory_space<vmem>> -> memref<1x128xi32, #tpu.memory_space<vmem>>
          %dma_wait3A_182 = tpu.memref_squeeze %dma_wait3A_181 : memref<1x128xi32, #tpu.memory_space<vmem>> -> memref<128xi32, #tpu.memory_space<vmem>>
          %dma_wait3A_183 = arith.constant 0 : i32
          %dma_wait3A_184 = arith.constant 0 : i32
          %dma_wait3A_185 = tpu.memref_slice %arg12[%dma_wait3A_183, %dma_wait3A_184] : memref<10000x32xf32, #tpu.memory_space<vmem_shared>> -> memref<10000x32xf32, #tpu.memory_space<vmem_shared>>
          tpu.wait_indirect_dma semaphore(%run_scoped3A_168 : memref<!tpu.dma_semaphore, #tpu.memory_space<semaphore_mem>>) src(%dma_wait3A_179 : memref<128x32xf32, #tpu.memory_space<vmem>>) dst(%dma_wait3A_185 : memref<10000x32xf32, #tpu.memory_space<vmem_shared>>)
          tpu.yield
        }) : () -> ()
        %run_scoped3A_167 = arith.constant 1 : i32
        "tpu.region"() ({
          %run_scoped3A_168 = tpu.sem_alloc : memref<!tpu.dma_semaphore, #tpu.memory_space<semaphore_mem>>
          %dma_start3A = arith.constant 0 : i32
          %dma_start3A_169 = tpu.memref_slice %arg9[%run_scoped3A_167, %dma_start3A] : memref<8x128xi32, #tpu.memory_space<vmem>> -> memref<1x128xi32, #tpu.memory_space<vmem>>
          %dma_start3A_170 = tpu.memref_squeeze %dma_start3A_169 : memref<1x128xi32, #tpu.memory_space<vmem>> -> memref<128xi32, #tpu.memory_space<vmem>>
          %dma_start3A_171 = arith.constant 0 : i32
          %dma_start3A_172 = arith.constant 0 : i32
          %dma_start3A_173 = tpu.memref_slice %arg13[%dma_start3A_171, %dma_start3A_172] : memref<10000x16xf32, #tpu.memory_space<vmem_shared>> -> memref<10000x16xf32, #tpu.memory_space<vmem_shared>>
          tpu.enqueue_indirect_dma source(%arg11 : memref<128x16xf32, #tpu.memory_space<vmem>>) target(%dma_start3A_173 : memref<10000x16xf32, #tpu.memory_space<vmem_shared>>) offsets(%dma_start3A_170 : memref<128xi32, #tpu.memory_space<vmem>>) semaphore(%run_scoped3A_168 : memref<!tpu.dma_semaphore, #tpu.memory_space<semaphore_mem>>) {add = true}
          %dma_wait3A_174 = arith.constant 0 : i32
          %dma_wait3A_175 = tpu.memref_slice %arg9[%run_scoped3A_167, %dma_wait3A_174] : memref<8x128xi32, #tpu.memory_space<vmem>> -> memref<1x128xi32, #tpu.memory_space<vmem>>
          %dma_wait3A_176 = tpu.memref_squeeze %dma_wait3A_175 : memref<1x128xi32, #tpu.memory_space<vmem>> -> memref<128xi32, #tpu.memory_space<vmem>>
          %dma_wait3A_177 = arith.constant 0 : i32
          %dma_wait3A_178 = arith.constant 0 : i32
          %dma_wait3A_179 = tpu.memref_slice %arg13[%dma_wait3A_177, %dma_wait3A_178] : memref<10000x16xf32, #tpu.memory_space<vmem_shared>> -> memref<10000x16xf32, #tpu.memory_space<vmem_shared>>
          tpu.wait_indirect_dma semaphore(%run_scoped3A_168 : memref<!tpu.dma_semaphore, #tpu.memory_space<semaphore_mem>>) src(%arg11 : memref<128x16xf32, #tpu.memory_space<vmem>>) dst(%dma_wait3A_179 : memref<10000x16xf32, #tpu.memory_space<vmem_shared>>)
          tpu.yield
        }) : () -> ()
      } else {
      }
      %add3A_96 = arith.constant 2 : i32
      %add3A_97 = arith.addi %add3A_28, %add3A_96 : i32
      %lt3A_98 = arith.constant 1250 : i32
      %lt3A_99 = arith.cmpi slt, %add3A_97, %lt3A_98 : i32
      %convert_element_type3A_100 = arith.extui %lt3A_99 : i1 to i32
      %cond3A_101 = arith.constant 0 : i32
      %cond3A_102 = arith.cmpi ne, %convert_element_type3A_100, %cond3A_101 : i32
      scf.if %cond3A_102 {
        %add3A_138 = arith.constant 2 : i32
        %add3A_139 = arith.addi %add3A_28, %add3A_138 : i32
        %mul3A_140 = arith.constant 128 : i32
        %mul3A_141 = arith.muli %add3A_139, %mul3A_140 : i32
        %dma_wait3A = arith.constant 0 : i32
        %dma_wait3A_142 = arith.constant 2 : i32
        %dma_wait3A_143 = arith.constant 0 : i32
        %dma_wait3A_144 = tpu.memref_slice %arg9[%dma_wait3A_142, %dma_wait3A_143] : memref<8x128xi32, #tpu.memory_space<vmem>> -> memref<1x128xi32, #tpu.memory_space<vmem>>
        %dma_wait3A_145 = tpu.memref_squeeze %dma_wait3A_144 : memref<1x128xi32, #tpu.memory_space<vmem>> -> memref<128xi32, #tpu.memory_space<vmem>>
        %dma_wait3A_146 = tpu.memref_slice %arg3[%dma_wait3A, %mul3A_141] : memref<2x160000xi32, #tpu.memory_space<hbm>> -> memref<1x128xi32, #tpu.memory_space<hbm>>
        %dma_wait3A_147 = tpu.memref_squeeze %dma_wait3A_146 : memref<1x128xi32, #tpu.memory_space<hbm>> -> memref<128xi32, #tpu.memory_space<hbm>>
        %dma_wait3A_148 = arith.constant 0 : i32
        %dma_wait3A_149 = tpu.memref_slice %arg9[%dma_wait3A_142, %dma_wait3A_148] : memref<8x128xi32, #tpu.memory_space<vmem>> -> memref<1x128xi32, #tpu.memory_space<vmem>>
        %dma_wait3A_150 = tpu.memref_squeeze %dma_wait3A_149 : memref<1x128xi32, #tpu.memory_space<vmem>> -> memref<128xi32, #tpu.memory_space<vmem>>
        %dma_wait3A_151 = tpu.memref_slice %arg3[%dma_wait3A, %mul3A_141] : memref<2x160000xi32, #tpu.memory_space<hbm>> -> memref<1x128xi32, #tpu.memory_space<hbm>>
        %dma_wait3A_152 = tpu.memref_squeeze %dma_wait3A_151 : memref<1x128xi32, #tpu.memory_space<hbm>> -> memref<128xi32, #tpu.memory_space<hbm>>
        tpu.wait_dma2 semaphore(%arg14 : memref<!tpu.dma_semaphore, #tpu.memory_space<semaphore_mem>>) src(%dma_wait3A_152 : memref<128xi32, #tpu.memory_space<hbm>>) dst(%dma_wait3A_150 : memref<128xi32, #tpu.memory_space<vmem>>)
        %add3A_153 = arith.constant 2 : i32
        %add3A_154 = arith.addi %add3A_28, %add3A_153 : i32
        %mul3A_155 = arith.constant 128 : i32
        %mul3A_156 = arith.muli %add3A_154, %mul3A_155 : i32
        %dma_wait3A_157 = arith.constant 256 : i32
        %dma_wait3A_158 = arith.constant 0 : i32
        %dma_wait3A_159 = tpu.memref_slice %arg10[%dma_wait3A_157, %dma_wait3A_158] : memref<1024x32xf32, #tpu.memory_space<vmem>> -> memref<128x32xf32, #tpu.memory_space<vmem>>
        %dma_wait3A_160 = arith.constant 0 : i32
        %dma_wait3A_161 = tpu.memref_slice %arg2[%mul3A_156, %dma_wait3A_160] : memref<160000x32xf32, #tpu.memory_space<hbm>> -> memref<128x32xf32, #tpu.memory_space<hbm>>
        %dma_wait3A_162 = arith.constant 256 : i32
        %dma_wait3A_163 = arith.constant 0 : i32
        %dma_wait3A_164 = tpu.memref_slice %arg10[%dma_wait3A_162, %dma_wait3A_163] : memref<1024x32xf32, #tpu.memory_space<vmem>> -> memref<128x32xf32, #tpu.memory_space<vmem>>
        %dma_wait3A_165 = arith.constant 0 : i32
        %dma_wait3A_166 = tpu.memref_slice %arg2[%mul3A_156, %dma_wait3A_165] : memref<160000x32xf32, #tpu.memory_space<hbm>> -> memref<128x32xf32, #tpu.memory_space<hbm>>
        tpu.wait_dma2 semaphore(%arg15 : memref<!tpu.dma_semaphore, #tpu.memory_space<semaphore_mem>>) src(%dma_wait3A_166 : memref<128x32xf32, #tpu.memory_space<hbm>>) dst(%dma_wait3A_164 : memref<128x32xf32, #tpu.memory_space<vmem>>)
        %run_scoped3A = arith.constant 2 : i32
        "tpu.region"() ({
          %run_scoped3A_168 = tpu.sem_alloc : memref<!tpu.dma_semaphore, #tpu.memory_space<semaphore_mem>>
          %dma_start3A = arith.constant 256 : i32
          %dma_start3A_169 = arith.constant 0 : i32
          %dma_start3A_170 = tpu.memref_slice %arg10[%dma_start3A, %dma_start3A_169] : memref<1024x32xf32, #tpu.memory_space<vmem>> -> memref<128x32xf32, #tpu.memory_space<vmem>>
          %dma_start3A_171 = arith.constant 0 : i32
          %dma_start3A_172 = tpu.memref_slice %arg9[%run_scoped3A, %dma_start3A_171] : memref<8x128xi32, #tpu.memory_space<vmem>> -> memref<1x128xi32, #tpu.memory_space<vmem>>
          %dma_start3A_173 = tpu.memref_squeeze %dma_start3A_172 : memref<1x128xi32, #tpu.memory_space<vmem>> -> memref<128xi32, #tpu.memory_space<vmem>>
          %dma_start3A_174 = arith.constant 0 : i32
          %dma_start3A_175 = arith.constant 0 : i32
          %dma_start3A_176 = tpu.memref_slice %arg12[%dma_start3A_174, %dma_start3A_175] : memref<10000x32xf32, #tpu.memory_space<vmem_shared>> -> memref<10000x32xf32, #tpu.memory_space<vmem_shared>>
          tpu.enqueue_indirect_dma source(%dma_start3A_170 : memref<128x32xf32, #tpu.memory_space<vmem>>) target(%dma_start3A_176 : memref<10000x32xf32, #tpu.memory_space<vmem_shared>>) offsets(%dma_start3A_173 : memref<128xi32, #tpu.memory_space<vmem>>) semaphore(%run_scoped3A_168 : memref<!tpu.dma_semaphore, #tpu.memory_space<semaphore_mem>>) {add = true}
          %dma_wait3A_177 = arith.constant 256 : i32
          %dma_wait3A_178 = arith.constant 0 : i32
          %dma_wait3A_179 = tpu.memref_slice %arg10[%dma_wait3A_177, %dma_wait3A_178] : memref<1024x32xf32, #tpu.memory_space<vmem>> -> memref<128x32xf32, #tpu.memory_space<vmem>>
          %dma_wait3A_180 = arith.constant 0 : i32
          %dma_wait3A_181 = tpu.memref_slice %arg9[%run_scoped3A, %dma_wait3A_180] : memref<8x128xi32, #tpu.memory_space<vmem>> -> memref<1x128xi32, #tpu.memory_space<vmem>>
          %dma_wait3A_182 = tpu.memref_squeeze %dma_wait3A_181 : memref<1x128xi32, #tpu.memory_space<vmem>> -> memref<128xi32, #tpu.memory_space<vmem>>
          %dma_wait3A_183 = arith.constant 0 : i32
          %dma_wait3A_184 = arith.constant 0 : i32
          %dma_wait3A_185 = tpu.memref_slice %arg12[%dma_wait3A_183, %dma_wait3A_184] : memref<10000x32xf32, #tpu.memory_space<vmem_shared>> -> memref<10000x32xf32, #tpu.memory_space<vmem_shared>>
          tpu.wait_indirect_dma semaphore(%run_scoped3A_168 : memref<!tpu.dma_semaphore, #tpu.memory_space<semaphore_mem>>) src(%dma_wait3A_179 : memref<128x32xf32, #tpu.memory_space<vmem>>) dst(%dma_wait3A_185 : memref<10000x32xf32, #tpu.memory_space<vmem_shared>>)
          tpu.yield
        }) : () -> ()
        %run_scoped3A_167 = arith.constant 2 : i32
        "tpu.region"() ({
          %run_scoped3A_168 = tpu.sem_alloc : memref<!tpu.dma_semaphore, #tpu.memory_space<semaphore_mem>>
          %dma_start3A = arith.constant 0 : i32
          %dma_start3A_169 = tpu.memref_slice %arg9[%run_scoped3A_167, %dma_start3A] : memref<8x128xi32, #tpu.memory_space<vmem>> -> memref<1x128xi32, #tpu.memory_space<vmem>>
          %dma_start3A_170 = tpu.memref_squeeze %dma_start3A_169 : memref<1x128xi32, #tpu.memory_space<vmem>> -> memref<128xi32, #tpu.memory_space<vmem>>
          %dma_start3A_171 = arith.constant 0 : i32
          %dma_start3A_172 = arith.constant 0 : i32
          %dma_start3A_173 = tpu.memref_slice %arg13[%dma_start3A_171, %dma_start3A_172] : memref<10000x16xf32, #tpu.memory_space<vmem_shared>> -> memref<10000x16xf32, #tpu.memory_space<vmem_shared>>
          tpu.enqueue_indirect_dma source(%arg11 : memref<128x16xf32, #tpu.memory_space<vmem>>) target(%dma_start3A_173 : memref<10000x16xf32, #tpu.memory_space<vmem_shared>>) offsets(%dma_start3A_170 : memref<128xi32, #tpu.memory_space<vmem>>) semaphore(%run_scoped3A_168 : memref<!tpu.dma_semaphore, #tpu.memory_space<semaphore_mem>>) {add = true}
          %dma_wait3A_174 = arith.constant 0 : i32
          %dma_wait3A_175 = tpu.memref_slice %arg9[%run_scoped3A_167, %dma_wait3A_174] : memref<8x128xi32, #tpu.memory_space<vmem>> -> memref<1x128xi32, #tpu.memory_space<vmem>>
          %dma_wait3A_176 = tpu.memref_squeeze %dma_wait3A_175 : memref<1x128xi32, #tpu.memory_space<vmem>> -> memref<128xi32, #tpu.memory_space<vmem>>
          %dma_wait3A_177 = arith.constant 0 : i32
          %dma_wait3A_178 = arith.constant 0 : i32
          %dma_wait3A_179 = tpu.memref_slice %arg13[%dma_wait3A_177, %dma_wait3A_178] : memref<10000x16xf32, #tpu.memory_space<vmem_shared>> -> memref<10000x16xf32, #tpu.memory_space<vmem_shared>>
          tpu.wait_indirect_dma semaphore(%run_scoped3A_168 : memref<!tpu.dma_semaphore, #tpu.memory_space<semaphore_mem>>) src(%arg11 : memref<128x16xf32, #tpu.memory_space<vmem>>) dst(%dma_wait3A_179 : memref<10000x16xf32, #tpu.memory_space<vmem_shared>>)
          tpu.yield
        }) : () -> ()
      } else {
      }
      %add3A_103 = arith.constant 3 : i32
      %add3A_104 = arith.addi %add3A_28, %add3A_103 : i32
      %lt3A_105 = arith.constant 1250 : i32
      %lt3A_106 = arith.cmpi slt, %add3A_104, %lt3A_105 : i32
      %convert_element_type3A_107 = arith.extui %lt3A_106 : i1 to i32
      %cond3A_108 = arith.constant 0 : i32
      %cond3A_109 = arith.cmpi ne, %convert_element_type3A_107, %cond3A_108 : i32
      scf.if %cond3A_109 {
        %add3A_138 = arith.constant 3 : i32
        %add3A_139 = arith.addi %add3A_28, %add3A_138 : i32
        %mul3A_140 = arith.constant 128 : i32
        %mul3A_141 = arith.muli %add3A_139, %mul3A_140 : i32
        %dma_wait3A = arith.constant 0 : i32
        %dma_wait3A_142 = arith.constant 3 : i32
        %dma_wait3A_143 = arith.constant 0 : i32
        %dma_wait3A_144 = tpu.memref_slice %arg9[%dma_wait3A_142, %dma_wait3A_143] : memref<8x128xi32, #tpu.memory_space<vmem>> -> memref<1x128xi32, #tpu.memory_space<vmem>>
        %dma_wait3A_145 = tpu.memref_squeeze %dma_wait3A_144 : memref<1x128xi32, #tpu.memory_space<vmem>> -> memref<128xi32, #tpu.memory_space<vmem>>
        %dma_wait3A_146 = tpu.memref_slice %arg3[%dma_wait3A, %mul3A_141] : memref<2x160000xi32, #tpu.memory_space<hbm>> -> memref<1x128xi32, #tpu.memory_space<hbm>>
        %dma_wait3A_147 = tpu.memref_squeeze %dma_wait3A_146 : memref<1x128xi32, #tpu.memory_space<hbm>> -> memref<128xi32, #tpu.memory_space<hbm>>
        %dma_wait3A_148 = arith.constant 0 : i32
        %dma_wait3A_149 = tpu.memref_slice %arg9[%dma_wait3A_142, %dma_wait3A_148] : memref<8x128xi32, #tpu.memory_space<vmem>> -> memref<1x128xi32, #tpu.memory_space<vmem>>
        %dma_wait3A_150 = tpu.memref_squeeze %dma_wait3A_149 : memref<1x128xi32, #tpu.memory_space<vmem>> -> memref<128xi32, #tpu.memory_space<vmem>>
        %dma_wait3A_151 = tpu.memref_slice %arg3[%dma_wait3A, %mul3A_141] : memref<2x160000xi32, #tpu.memory_space<hbm>> -> memref<1x128xi32, #tpu.memory_space<hbm>>
        %dma_wait3A_152 = tpu.memref_squeeze %dma_wait3A_151 : memref<1x128xi32, #tpu.memory_space<hbm>> -> memref<128xi32, #tpu.memory_space<hbm>>
        tpu.wait_dma2 semaphore(%arg14 : memref<!tpu.dma_semaphore, #tpu.memory_space<semaphore_mem>>) src(%dma_wait3A_152 : memref<128xi32, #tpu.memory_space<hbm>>) dst(%dma_wait3A_150 : memref<128xi32, #tpu.memory_space<vmem>>)
        %add3A_153 = arith.constant 3 : i32
        %add3A_154 = arith.addi %add3A_28, %add3A_153 : i32
        %mul3A_155 = arith.constant 128 : i32
        %mul3A_156 = arith.muli %add3A_154, %mul3A_155 : i32
        %dma_wait3A_157 = arith.constant 384 : i32
        %dma_wait3A_158 = arith.constant 0 : i32
        %dma_wait3A_159 = tpu.memref_slice %arg10[%dma_wait3A_157, %dma_wait3A_158] : memref<1024x32xf32, #tpu.memory_space<vmem>> -> memref<128x32xf32, #tpu.memory_space<vmem>>
        %dma_wait3A_160 = arith.constant 0 : i32
        %dma_wait3A_161 = tpu.memref_slice %arg2[%mul3A_156, %dma_wait3A_160] : memref<160000x32xf32, #tpu.memory_space<hbm>> -> memref<128x32xf32, #tpu.memory_space<hbm>>
        %dma_wait3A_162 = arith.constant 384 : i32
        %dma_wait3A_163 = arith.constant 0 : i32
        %dma_wait3A_164 = tpu.memref_slice %arg10[%dma_wait3A_162, %dma_wait3A_163] : memref<1024x32xf32, #tpu.memory_space<vmem>> -> memref<128x32xf32, #tpu.memory_space<vmem>>
        %dma_wait3A_165 = arith.constant 0 : i32
        %dma_wait3A_166 = tpu.memref_slice %arg2[%mul3A_156, %dma_wait3A_165] : memref<160000x32xf32, #tpu.memory_space<hbm>> -> memref<128x32xf32, #tpu.memory_space<hbm>>
        tpu.wait_dma2 semaphore(%arg15 : memref<!tpu.dma_semaphore, #tpu.memory_space<semaphore_mem>>) src(%dma_wait3A_166 : memref<128x32xf32, #tpu.memory_space<hbm>>) dst(%dma_wait3A_164 : memref<128x32xf32, #tpu.memory_space<vmem>>)
        %run_scoped3A = arith.constant 3 : i32
        "tpu.region"() ({
          %run_scoped3A_168 = tpu.sem_alloc : memref<!tpu.dma_semaphore, #tpu.memory_space<semaphore_mem>>
          %dma_start3A = arith.constant 384 : i32
          %dma_start3A_169 = arith.constant 0 : i32
          %dma_start3A_170 = tpu.memref_slice %arg10[%dma_start3A, %dma_start3A_169] : memref<1024x32xf32, #tpu.memory_space<vmem>> -> memref<128x32xf32, #tpu.memory_space<vmem>>
          %dma_start3A_171 = arith.constant 0 : i32
          %dma_start3A_172 = tpu.memref_slice %arg9[%run_scoped3A, %dma_start3A_171] : memref<8x128xi32, #tpu.memory_space<vmem>> -> memref<1x128xi32, #tpu.memory_space<vmem>>
          %dma_start3A_173 = tpu.memref_squeeze %dma_start3A_172 : memref<1x128xi32, #tpu.memory_space<vmem>> -> memref<128xi32, #tpu.memory_space<vmem>>
          %dma_start3A_174 = arith.constant 0 : i32
          %dma_start3A_175 = arith.constant 0 : i32
          %dma_start3A_176 = tpu.memref_slice %arg12[%dma_start3A_174, %dma_start3A_175] : memref<10000x32xf32, #tpu.memory_space<vmem_shared>> -> memref<10000x32xf32, #tpu.memory_space<vmem_shared>>
          tpu.enqueue_indirect_dma source(%dma_start3A_170 : memref<128x32xf32, #tpu.memory_space<vmem>>) target(%dma_start3A_176 : memref<10000x32xf32, #tpu.memory_space<vmem_shared>>) offsets(%dma_start3A_173 : memref<128xi32, #tpu.memory_space<vmem>>) semaphore(%run_scoped3A_168 : memref<!tpu.dma_semaphore, #tpu.memory_space<semaphore_mem>>) {add = true}
          %dma_wait3A_177 = arith.constant 384 : i32
          %dma_wait3A_178 = arith.constant 0 : i32
          %dma_wait3A_179 = tpu.memref_slice %arg10[%dma_wait3A_177, %dma_wait3A_178] : memref<1024x32xf32, #tpu.memory_space<vmem>> -> memref<128x32xf32, #tpu.memory_space<vmem>>
          %dma_wait3A_180 = arith.constant 0 : i32
          %dma_wait3A_181 = tpu.memref_slice %arg9[%run_scoped3A, %dma_wait3A_180] : memref<8x128xi32, #tpu.memory_space<vmem>> -> memref<1x128xi32, #tpu.memory_space<vmem>>
          %dma_wait3A_182 = tpu.memref_squeeze %dma_wait3A_181 : memref<1x128xi32, #tpu.memory_space<vmem>> -> memref<128xi32, #tpu.memory_space<vmem>>
          %dma_wait3A_183 = arith.constant 0 : i32
          %dma_wait3A_184 = arith.constant 0 : i32
          %dma_wait3A_185 = tpu.memref_slice %arg12[%dma_wait3A_183, %dma_wait3A_184] : memref<10000x32xf32, #tpu.memory_space<vmem_shared>> -> memref<10000x32xf32, #tpu.memory_space<vmem_shared>>
          tpu.wait_indirect_dma semaphore(%run_scoped3A_168 : memref<!tpu.dma_semaphore, #tpu.memory_space<semaphore_mem>>) src(%dma_wait3A_179 : memref<128x32xf32, #tpu.memory_space<vmem>>) dst(%dma_wait3A_185 : memref<10000x32xf32, #tpu.memory_space<vmem_shared>>)
          tpu.yield
        }) : () -> ()
        %run_scoped3A_167 = arith.constant 3 : i32
        "tpu.region"() ({
          %run_scoped3A_168 = tpu.sem_alloc : memref<!tpu.dma_semaphore, #tpu.memory_space<semaphore_mem>>
          %dma_start3A = arith.constant 0 : i32
          %dma_start3A_169 = tpu.memref_slice %arg9[%run_scoped3A_167, %dma_start3A] : memref<8x128xi32, #tpu.memory_space<vmem>> -> memref<1x128xi32, #tpu.memory_space<vmem>>
          %dma_start3A_170 = tpu.memref_squeeze %dma_start3A_169 : memref<1x128xi32, #tpu.memory_space<vmem>> -> memref<128xi32, #tpu.memory_space<vmem>>
          %dma_start3A_171 = arith.constant 0 : i32
          %dma_start3A_172 = arith.constant 0 : i32
          %dma_start3A_173 = tpu.memref_slice %arg13[%dma_start3A_171, %dma_start3A_172] : memref<10000x16xf32, #tpu.memory_space<vmem_shared>> -> memref<10000x16xf32, #tpu.memory_space<vmem_shared>>
          tpu.enqueue_indirect_dma source(%arg11 : memref<128x16xf32, #tpu.memory_space<vmem>>) target(%dma_start3A_173 : memref<10000x16xf32, #tpu.memory_space<vmem_shared>>) offsets(%dma_start3A_170 : memref<128xi32, #tpu.memory_space<vmem>>) semaphore(%run_scoped3A_168 : memref<!tpu.dma_semaphore, #tpu.memory_space<semaphore_mem>>) {add = true}
          %dma_wait3A_174 = arith.constant 0 : i32
          %dma_wait3A_175 = tpu.memref_slice %arg9[%run_scoped3A_167, %dma_wait3A_174] : memref<8x128xi32, #tpu.memory_space<vmem>> -> memref<1x128xi32, #tpu.memory_space<vmem>>
          %dma_wait3A_176 = tpu.memref_squeeze %dma_wait3A_175 : memref<1x128xi32, #tpu.memory_space<vmem>> -> memref<128xi32, #tpu.memory_space<vmem>>
          %dma_wait3A_177 = arith.constant 0 : i32
          %dma_wait3A_178 = arith.constant 0 : i32
          %dma_wait3A_179 = tpu.memref_slice %arg13[%dma_wait3A_177, %dma_wait3A_178] : memref<10000x16xf32, #tpu.memory_space<vmem_shared>> -> memref<10000x16xf32, #tpu.memory_space<vmem_shared>>
          tpu.wait_indirect_dma semaphore(%run_scoped3A_168 : memref<!tpu.dma_semaphore, #tpu.memory_space<semaphore_mem>>) src(%arg11 : memref<128x16xf32, #tpu.memory_space<vmem>>) dst(%dma_wait3A_179 : memref<10000x16xf32, #tpu.memory_space<vmem_shared>>)
          tpu.yield
        }) : () -> ()
      } else {
      }
      %add3A_110 = arith.constant 4 : i32
      %add3A_111 = arith.addi %add3A_28, %add3A_110 : i32
      %lt3A_112 = arith.constant 1250 : i32
      %lt3A_113 = arith.cmpi slt, %add3A_111, %lt3A_112 : i32
      %convert_element_type3A_114 = arith.extui %lt3A_113 : i1 to i32
      %cond3A_115 = arith.constant 0 : i32
      %cond3A_116 = arith.cmpi ne, %convert_element_type3A_114, %cond3A_115 : i32
      scf.if %cond3A_116 {
        %add3A_138 = arith.constant 4 : i32
        %add3A_139 = arith.addi %add3A_28, %add3A_138 : i32
        %mul3A_140 = arith.constant 128 : i32
        %mul3A_141 = arith.muli %add3A_139, %mul3A_140 : i32
        %dma_wait3A = arith.constant 0 : i32
        %dma_wait3A_142 = arith.constant 4 : i32
        %dma_wait3A_143 = arith.constant 0 : i32
        %dma_wait3A_144 = tpu.memref_slice %arg9[%dma_wait3A_142, %dma_wait3A_143] : memref<8x128xi32, #tpu.memory_space<vmem>> -> memref<1x128xi32, #tpu.memory_space<vmem>>
        %dma_wait3A_145 = tpu.memref_squeeze %dma_wait3A_144 : memref<1x128xi32, #tpu.memory_space<vmem>> -> memref<128xi32, #tpu.memory_space<vmem>>
        %dma_wait3A_146 = tpu.memref_slice %arg3[%dma_wait3A, %mul3A_141] : memref<2x160000xi32, #tpu.memory_space<hbm>> -> memref<1x128xi32, #tpu.memory_space<hbm>>
        %dma_wait3A_147 = tpu.memref_squeeze %dma_wait3A_146 : memref<1x128xi32, #tpu.memory_space<hbm>> -> memref<128xi32, #tpu.memory_space<hbm>>
        %dma_wait3A_148 = arith.constant 0 : i32
        %dma_wait3A_149 = tpu.memref_slice %arg9[%dma_wait3A_142, %dma_wait3A_148] : memref<8x128xi32, #tpu.memory_space<vmem>> -> memref<1x128xi32, #tpu.memory_space<vmem>>
        %dma_wait3A_150 = tpu.memref_squeeze %dma_wait3A_149 : memref<1x128xi32, #tpu.memory_space<vmem>> -> memref<128xi32, #tpu.memory_space<vmem>>
        %dma_wait3A_151 = tpu.memref_slice %arg3[%dma_wait3A, %mul3A_141] : memref<2x160000xi32, #tpu.memory_space<hbm>> -> memref<1x128xi32, #tpu.memory_space<hbm>>
        %dma_wait3A_152 = tpu.memref_squeeze %dma_wait3A_151 : memref<1x128xi32, #tpu.memory_space<hbm>> -> memref<128xi32, #tpu.memory_space<hbm>>
        tpu.wait_dma2 semaphore(%arg14 : memref<!tpu.dma_semaphore, #tpu.memory_space<semaphore_mem>>) src(%dma_wait3A_152 : memref<128xi32, #tpu.memory_space<hbm>>) dst(%dma_wait3A_150 : memref<128xi32, #tpu.memory_space<vmem>>)
        %add3A_153 = arith.constant 4 : i32
        %add3A_154 = arith.addi %add3A_28, %add3A_153 : i32
        %mul3A_155 = arith.constant 128 : i32
        %mul3A_156 = arith.muli %add3A_154, %mul3A_155 : i32
        %dma_wait3A_157 = arith.constant 512 : i32
        %dma_wait3A_158 = arith.constant 0 : i32
        %dma_wait3A_159 = tpu.memref_slice %arg10[%dma_wait3A_157, %dma_wait3A_158] : memref<1024x32xf32, #tpu.memory_space<vmem>> -> memref<128x32xf32, #tpu.memory_space<vmem>>
        %dma_wait3A_160 = arith.constant 0 : i32
        %dma_wait3A_161 = tpu.memref_slice %arg2[%mul3A_156, %dma_wait3A_160] : memref<160000x32xf32, #tpu.memory_space<hbm>> -> memref<128x32xf32, #tpu.memory_space<hbm>>
        %dma_wait3A_162 = arith.constant 512 : i32
        %dma_wait3A_163 = arith.constant 0 : i32
        %dma_wait3A_164 = tpu.memref_slice %arg10[%dma_wait3A_162, %dma_wait3A_163] : memref<1024x32xf32, #tpu.memory_space<vmem>> -> memref<128x32xf32, #tpu.memory_space<vmem>>
        %dma_wait3A_165 = arith.constant 0 : i32
        %dma_wait3A_166 = tpu.memref_slice %arg2[%mul3A_156, %dma_wait3A_165] : memref<160000x32xf32, #tpu.memory_space<hbm>> -> memref<128x32xf32, #tpu.memory_space<hbm>>
        tpu.wait_dma2 semaphore(%arg15 : memref<!tpu.dma_semaphore, #tpu.memory_space<semaphore_mem>>) src(%dma_wait3A_166 : memref<128x32xf32, #tpu.memory_space<hbm>>) dst(%dma_wait3A_164 : memref<128x32xf32, #tpu.memory_space<vmem>>)
        %run_scoped3A = arith.constant 4 : i32
        "tpu.region"() ({
          %run_scoped3A_168 = tpu.sem_alloc : memref<!tpu.dma_semaphore, #tpu.memory_space<semaphore_mem>>
          %dma_start3A = arith.constant 512 : i32
          %dma_start3A_169 = arith.constant 0 : i32
          %dma_start3A_170 = tpu.memref_slice %arg10[%dma_start3A, %dma_start3A_169] : memref<1024x32xf32, #tpu.memory_space<vmem>> -> memref<128x32xf32, #tpu.memory_space<vmem>>
          %dma_start3A_171 = arith.constant 0 : i32
          %dma_start3A_172 = tpu.memref_slice %arg9[%run_scoped3A, %dma_start3A_171] : memref<8x128xi32, #tpu.memory_space<vmem>> -> memref<1x128xi32, #tpu.memory_space<vmem>>
          %dma_start3A_173 = tpu.memref_squeeze %dma_start3A_172 : memref<1x128xi32, #tpu.memory_space<vmem>> -> memref<128xi32, #tpu.memory_space<vmem>>
          %dma_start3A_174 = arith.constant 0 : i32
          %dma_start3A_175 = arith.constant 0 : i32
          %dma_start3A_176 = tpu.memref_slice %arg12[%dma_start3A_174, %dma_start3A_175] : memref<10000x32xf32, #tpu.memory_space<vmem_shared>> -> memref<10000x32xf32, #tpu.memory_space<vmem_shared>>
          tpu.enqueue_indirect_dma source(%dma_start3A_170 : memref<128x32xf32, #tpu.memory_space<vmem>>) target(%dma_start3A_176 : memref<10000x32xf32, #tpu.memory_space<vmem_shared>>) offsets(%dma_start3A_173 : memref<128xi32, #tpu.memory_space<vmem>>) semaphore(%run_scoped3A_168 : memref<!tpu.dma_semaphore, #tpu.memory_space<semaphore_mem>>) {add = true}
          %dma_wait3A_177 = arith.constant 512 : i32
          %dma_wait3A_178 = arith.constant 0 : i32
          %dma_wait3A_179 = tpu.memref_slice %arg10[%dma_wait3A_177, %dma_wait3A_178] : memref<1024x32xf32, #tpu.memory_space<vmem>> -> memref<128x32xf32, #tpu.memory_space<vmem>>
          %dma_wait3A_180 = arith.constant 0 : i32
          %dma_wait3A_181 = tpu.memref_slice %arg9[%run_scoped3A, %dma_wait3A_180] : memref<8x128xi32, #tpu.memory_space<vmem>> -> memref<1x128xi32, #tpu.memory_space<vmem>>
          %dma_wait3A_182 = tpu.memref_squeeze %dma_wait3A_181 : memref<1x128xi32, #tpu.memory_space<vmem>> -> memref<128xi32, #tpu.memory_space<vmem>>
          %dma_wait3A_183 = arith.constant 0 : i32
          %dma_wait3A_184 = arith.constant 0 : i32
          %dma_wait3A_185 = tpu.memref_slice %arg12[%dma_wait3A_183, %dma_wait3A_184] : memref<10000x32xf32, #tpu.memory_space<vmem_shared>> -> memref<10000x32xf32, #tpu.memory_space<vmem_shared>>
          tpu.wait_indirect_dma semaphore(%run_scoped3A_168 : memref<!tpu.dma_semaphore, #tpu.memory_space<semaphore_mem>>) src(%dma_wait3A_179 : memref<128x32xf32, #tpu.memory_space<vmem>>) dst(%dma_wait3A_185 : memref<10000x32xf32, #tpu.memory_space<vmem_shared>>)
          tpu.yield
        }) : () -> ()
        %run_scoped3A_167 = arith.constant 4 : i32
        "tpu.region"() ({
          %run_scoped3A_168 = tpu.sem_alloc : memref<!tpu.dma_semaphore, #tpu.memory_space<semaphore_mem>>
          %dma_start3A = arith.constant 0 : i32
          %dma_start3A_169 = tpu.memref_slice %arg9[%run_scoped3A_167, %dma_start3A] : memref<8x128xi32, #tpu.memory_space<vmem>> -> memref<1x128xi32, #tpu.memory_space<vmem>>
          %dma_start3A_170 = tpu.memref_squeeze %dma_start3A_169 : memref<1x128xi32, #tpu.memory_space<vmem>> -> memref<128xi32, #tpu.memory_space<vmem>>
          %dma_start3A_171 = arith.constant 0 : i32
          %dma_start3A_172 = arith.constant 0 : i32
          %dma_start3A_173 = tpu.memref_slice %arg13[%dma_start3A_171, %dma_start3A_172] : memref<10000x16xf32, #tpu.memory_space<vmem_shared>> -> memref<10000x16xf32, #tpu.memory_space<vmem_shared>>
          tpu.enqueue_indirect_dma source(%arg11 : memref<128x16xf32, #tpu.memory_space<vmem>>) target(%dma_start3A_173 : memref<10000x16xf32, #tpu.memory_space<vmem_shared>>) offsets(%dma_start3A_170 : memref<128xi32, #tpu.memory_space<vmem>>) semaphore(%run_scoped3A_168 : memref<!tpu.dma_semaphore, #tpu.memory_space<semaphore_mem>>) {add = true}
          %dma_wait3A_174 = arith.constant 0 : i32
          %dma_wait3A_175 = tpu.memref_slice %arg9[%run_scoped3A_167, %dma_wait3A_174] : memref<8x128xi32, #tpu.memory_space<vmem>> -> memref<1x128xi32, #tpu.memory_space<vmem>>
          %dma_wait3A_176 = tpu.memref_squeeze %dma_wait3A_175 : memref<1x128xi32, #tpu.memory_space<vmem>> -> memref<128xi32, #tpu.memory_space<vmem>>
          %dma_wait3A_177 = arith.constant 0 : i32
          %dma_wait3A_178 = arith.constant 0 : i32
          %dma_wait3A_179 = tpu.memref_slice %arg13[%dma_wait3A_177, %dma_wait3A_178] : memref<10000x16xf32, #tpu.memory_space<vmem_shared>> -> memref<10000x16xf32, #tpu.memory_space<vmem_shared>>
          tpu.wait_indirect_dma semaphore(%run_scoped3A_168 : memref<!tpu.dma_semaphore, #tpu.memory_space<semaphore_mem>>) src(%arg11 : memref<128x16xf32, #tpu.memory_space<vmem>>) dst(%dma_wait3A_179 : memref<10000x16xf32, #tpu.memory_space<vmem_shared>>)
          tpu.yield
        }) : () -> ()
      } else {
      }
      %add3A_117 = arith.constant 5 : i32
      %add3A_118 = arith.addi %add3A_28, %add3A_117 : i32
      %lt3A_119 = arith.constant 1250 : i32
      %lt3A_120 = arith.cmpi slt, %add3A_118, %lt3A_119 : i32
      %convert_element_type3A_121 = arith.extui %lt3A_120 : i1 to i32
      %cond3A_122 = arith.constant 0 : i32
      %cond3A_123 = arith.cmpi ne, %convert_element_type3A_121, %cond3A_122 : i32
      scf.if %cond3A_123 {
        %add3A_138 = arith.constant 5 : i32
        %add3A_139 = arith.addi %add3A_28, %add3A_138 : i32
        %mul3A_140 = arith.constant 128 : i32
        %mul3A_141 = arith.muli %add3A_139, %mul3A_140 : i32
        %dma_wait3A = arith.constant 0 : i32
        %dma_wait3A_142 = arith.constant 5 : i32
        %dma_wait3A_143 = arith.constant 0 : i32
        %dma_wait3A_144 = tpu.memref_slice %arg9[%dma_wait3A_142, %dma_wait3A_143] : memref<8x128xi32, #tpu.memory_space<vmem>> -> memref<1x128xi32, #tpu.memory_space<vmem>>
        %dma_wait3A_145 = tpu.memref_squeeze %dma_wait3A_144 : memref<1x128xi32, #tpu.memory_space<vmem>> -> memref<128xi32, #tpu.memory_space<vmem>>
        %dma_wait3A_146 = tpu.memref_slice %arg3[%dma_wait3A, %mul3A_141] : memref<2x160000xi32, #tpu.memory_space<hbm>> -> memref<1x128xi32, #tpu.memory_space<hbm>>
        %dma_wait3A_147 = tpu.memref_squeeze %dma_wait3A_146 : memref<1x128xi32, #tpu.memory_space<hbm>> -> memref<128xi32, #tpu.memory_space<hbm>>
        %dma_wait3A_148 = arith.constant 0 : i32
        %dma_wait3A_149 = tpu.memref_slice %arg9[%dma_wait3A_142, %dma_wait3A_148] : memref<8x128xi32, #tpu.memory_space<vmem>> -> memref<1x128xi32, #tpu.memory_space<vmem>>
        %dma_wait3A_150 = tpu.memref_squeeze %dma_wait3A_149 : memref<1x128xi32, #tpu.memory_space<vmem>> -> memref<128xi32, #tpu.memory_space<vmem>>
        %dma_wait3A_151 = tpu.memref_slice %arg3[%dma_wait3A, %mul3A_141] : memref<2x160000xi32, #tpu.memory_space<hbm>> -> memref<1x128xi32, #tpu.memory_space<hbm>>
        %dma_wait3A_152 = tpu.memref_squeeze %dma_wait3A_151 : memref<1x128xi32, #tpu.memory_space<hbm>> -> memref<128xi32, #tpu.memory_space<hbm>>
        tpu.wait_dma2 semaphore(%arg14 : memref<!tpu.dma_semaphore, #tpu.memory_space<semaphore_mem>>) src(%dma_wait3A_152 : memref<128xi32, #tpu.memory_space<hbm>>) dst(%dma_wait3A_150 : memref<128xi32, #tpu.memory_space<vmem>>)
        %add3A_153 = arith.constant 5 : i32
        %add3A_154 = arith.addi %add3A_28, %add3A_153 : i32
        %mul3A_155 = arith.constant 128 : i32
        %mul3A_156 = arith.muli %add3A_154, %mul3A_155 : i32
        %dma_wait3A_157 = arith.constant 640 : i32
        %dma_wait3A_158 = arith.constant 0 : i32
        %dma_wait3A_159 = tpu.memref_slice %arg10[%dma_wait3A_157, %dma_wait3A_158] : memref<1024x32xf32, #tpu.memory_space<vmem>> -> memref<128x32xf32, #tpu.memory_space<vmem>>
        %dma_wait3A_160 = arith.constant 0 : i32
        %dma_wait3A_161 = tpu.memref_slice %arg2[%mul3A_156, %dma_wait3A_160] : memref<160000x32xf32, #tpu.memory_space<hbm>> -> memref<128x32xf32, #tpu.memory_space<hbm>>
        %dma_wait3A_162 = arith.constant 640 : i32
        %dma_wait3A_163 = arith.constant 0 : i32
        %dma_wait3A_164 = tpu.memref_slice %arg10[%dma_wait3A_162, %dma_wait3A_163] : memref<1024x32xf32, #tpu.memory_space<vmem>> -> memref<128x32xf32, #tpu.memory_space<vmem>>
        %dma_wait3A_165 = arith.constant 0 : i32
        %dma_wait3A_166 = tpu.memref_slice %arg2[%mul3A_156, %dma_wait3A_165] : memref<160000x32xf32, #tpu.memory_space<hbm>> -> memref<128x32xf32, #tpu.memory_space<hbm>>
        tpu.wait_dma2 semaphore(%arg15 : memref<!tpu.dma_semaphore, #tpu.memory_space<semaphore_mem>>) src(%dma_wait3A_166 : memref<128x32xf32, #tpu.memory_space<hbm>>) dst(%dma_wait3A_164 : memref<128x32xf32, #tpu.memory_space<vmem>>)
        %run_scoped3A = arith.constant 5 : i32
        "tpu.region"() ({
          %run_scoped3A_168 = tpu.sem_alloc : memref<!tpu.dma_semaphore, #tpu.memory_space<semaphore_mem>>
          %dma_start3A = arith.constant 640 : i32
          %dma_start3A_169 = arith.constant 0 : i32
          %dma_start3A_170 = tpu.memref_slice %arg10[%dma_start3A, %dma_start3A_169] : memref<1024x32xf32, #tpu.memory_space<vmem>> -> memref<128x32xf32, #tpu.memory_space<vmem>>
          %dma_start3A_171 = arith.constant 0 : i32
          %dma_start3A_172 = tpu.memref_slice %arg9[%run_scoped3A, %dma_start3A_171] : memref<8x128xi32, #tpu.memory_space<vmem>> -> memref<1x128xi32, #tpu.memory_space<vmem>>
          %dma_start3A_173 = tpu.memref_squeeze %dma_start3A_172 : memref<1x128xi32, #tpu.memory_space<vmem>> -> memref<128xi32, #tpu.memory_space<vmem>>
          %dma_start3A_174 = arith.constant 0 : i32
          %dma_start3A_175 = arith.constant 0 : i32
          %dma_start3A_176 = tpu.memref_slice %arg12[%dma_start3A_174, %dma_start3A_175] : memref<10000x32xf32, #tpu.memory_space<vmem_shared>> -> memref<10000x32xf32, #tpu.memory_space<vmem_shared>>
          tpu.enqueue_indirect_dma source(%dma_start3A_170 : memref<128x32xf32, #tpu.memory_space<vmem>>) target(%dma_start3A_176 : memref<10000x32xf32, #tpu.memory_space<vmem_shared>>) offsets(%dma_start3A_173 : memref<128xi32, #tpu.memory_space<vmem>>) semaphore(%run_scoped3A_168 : memref<!tpu.dma_semaphore, #tpu.memory_space<semaphore_mem>>) {add = true}
          %dma_wait3A_177 = arith.constant 640 : i32
          %dma_wait3A_178 = arith.constant 0 : i32
          %dma_wait3A_179 = tpu.memref_slice %arg10[%dma_wait3A_177, %dma_wait3A_178] : memref<1024x32xf32, #tpu.memory_space<vmem>> -> memref<128x32xf32, #tpu.memory_space<vmem>>
          %dma_wait3A_180 = arith.constant 0 : i32
          %dma_wait3A_181 = tpu.memref_slice %arg9[%run_scoped3A, %dma_wait3A_180] : memref<8x128xi32, #tpu.memory_space<vmem>> -> memref<1x128xi32, #tpu.memory_space<vmem>>
          %dma_wait3A_182 = tpu.memref_squeeze %dma_wait3A_181 : memref<1x128xi32, #tpu.memory_space<vmem>> -> memref<128xi32, #tpu.memory_space<vmem>>
          %dma_wait3A_183 = arith.constant 0 : i32
          %dma_wait3A_184 = arith.constant 0 : i32
          %dma_wait3A_185 = tpu.memref_slice %arg12[%dma_wait3A_183, %dma_wait3A_184] : memref<10000x32xf32, #tpu.memory_space<vmem_shared>> -> memref<10000x32xf32, #tpu.memory_space<vmem_shared>>
          tpu.wait_indirect_dma semaphore(%run_scoped3A_168 : memref<!tpu.dma_semaphore, #tpu.memory_space<semaphore_mem>>) src(%dma_wait3A_179 : memref<128x32xf32, #tpu.memory_space<vmem>>) dst(%dma_wait3A_185 : memref<10000x32xf32, #tpu.memory_space<vmem_shared>>)
          tpu.yield
        }) : () -> ()
        %run_scoped3A_167 = arith.constant 5 : i32
        "tpu.region"() ({
          %run_scoped3A_168 = tpu.sem_alloc : memref<!tpu.dma_semaphore, #tpu.memory_space<semaphore_mem>>
          %dma_start3A = arith.constant 0 : i32
          %dma_start3A_169 = tpu.memref_slice %arg9[%run_scoped3A_167, %dma_start3A] : memref<8x128xi32, #tpu.memory_space<vmem>> -> memref<1x128xi32, #tpu.memory_space<vmem>>
          %dma_start3A_170 = tpu.memref_squeeze %dma_start3A_169 : memref<1x128xi32, #tpu.memory_space<vmem>> -> memref<128xi32, #tpu.memory_space<vmem>>
          %dma_start3A_171 = arith.constant 0 : i32
          %dma_start3A_172 = arith.constant 0 : i32
          %dma_start3A_173 = tpu.memref_slice %arg13[%dma_start3A_171, %dma_start3A_172] : memref<10000x16xf32, #tpu.memory_space<vmem_shared>> -> memref<10000x16xf32, #tpu.memory_space<vmem_shared>>
          tpu.enqueue_indirect_dma source(%arg11 : memref<128x16xf32, #tpu.memory_space<vmem>>) target(%dma_start3A_173 : memref<10000x16xf32, #tpu.memory_space<vmem_shared>>) offsets(%dma_start3A_170 : memref<128xi32, #tpu.memory_space<vmem>>) semaphore(%run_scoped3A_168 : memref<!tpu.dma_semaphore, #tpu.memory_space<semaphore_mem>>) {add = true}
          %dma_wait3A_174 = arith.constant 0 : i32
          %dma_wait3A_175 = tpu.memref_slice %arg9[%run_scoped3A_167, %dma_wait3A_174] : memref<8x128xi32, #tpu.memory_space<vmem>> -> memref<1x128xi32, #tpu.memory_space<vmem>>
          %dma_wait3A_176 = tpu.memref_squeeze %dma_wait3A_175 : memref<1x128xi32, #tpu.memory_space<vmem>> -> memref<128xi32, #tpu.memory_space<vmem>>
          %dma_wait3A_177 = arith.constant 0 : i32
          %dma_wait3A_178 = arith.constant 0 : i32
          %dma_wait3A_179 = tpu.memref_slice %arg13[%dma_wait3A_177, %dma_wait3A_178] : memref<10000x16xf32, #tpu.memory_space<vmem_shared>> -> memref<10000x16xf32, #tpu.memory_space<vmem_shared>>
          tpu.wait_indirect_dma semaphore(%run_scoped3A_168 : memref<!tpu.dma_semaphore, #tpu.memory_space<semaphore_mem>>) src(%arg11 : memref<128x16xf32, #tpu.memory_space<vmem>>) dst(%dma_wait3A_179 : memref<10000x16xf32, #tpu.memory_space<vmem_shared>>)
          tpu.yield
        }) : () -> ()
      } else {
      }
      %add3A_124 = arith.constant 6 : i32
      %add3A_125 = arith.addi %add3A_28, %add3A_124 : i32
      %lt3A_126 = arith.constant 1250 : i32
      %lt3A_127 = arith.cmpi slt, %add3A_125, %lt3A_126 : i32
      %convert_element_type3A_128 = arith.extui %lt3A_127 : i1 to i32
      %cond3A_129 = arith.constant 0 : i32
      %cond3A_130 = arith.cmpi ne, %convert_element_type3A_128, %cond3A_129 : i32
      scf.if %cond3A_130 {
        %add3A_138 = arith.constant 6 : i32
        %add3A_139 = arith.addi %add3A_28, %add3A_138 : i32
        %mul3A_140 = arith.constant 128 : i32
        %mul3A_141 = arith.muli %add3A_139, %mul3A_140 : i32
        %dma_wait3A = arith.constant 0 : i32
        %dma_wait3A_142 = arith.constant 6 : i32
        %dma_wait3A_143 = arith.constant 0 : i32
        %dma_wait3A_144 = tpu.memref_slice %arg9[%dma_wait3A_142, %dma_wait3A_143] : memref<8x128xi32, #tpu.memory_space<vmem>> -> memref<1x128xi32, #tpu.memory_space<vmem>>
        %dma_wait3A_145 = tpu.memref_squeeze %dma_wait3A_144 : memref<1x128xi32, #tpu.memory_space<vmem>> -> memref<128xi32, #tpu.memory_space<vmem>>
        %dma_wait3A_146 = tpu.memref_slice %arg3[%dma_wait3A, %mul3A_141] : memref<2x160000xi32, #tpu.memory_space<hbm>> -> memref<1x128xi32, #tpu.memory_space<hbm>>
        %dma_wait3A_147 = tpu.memref_squeeze %dma_wait3A_146 : memref<1x128xi32, #tpu.memory_space<hbm>> -> memref<128xi32, #tpu.memory_space<hbm>>
        %dma_wait3A_148 = arith.constant 0 : i32
        %dma_wait3A_149 = tpu.memref_slice %arg9[%dma_wait3A_142, %dma_wait3A_148] : memref<8x128xi32, #tpu.memory_space<vmem>> -> memref<1x128xi32, #tpu.memory_space<vmem>>
        %dma_wait3A_150 = tpu.memref_squeeze %dma_wait3A_149 : memref<1x128xi32, #tpu.memory_space<vmem>> -> memref<128xi32, #tpu.memory_space<vmem>>
        %dma_wait3A_151 = tpu.memref_slice %arg3[%dma_wait3A, %mul3A_141] : memref<2x160000xi32, #tpu.memory_space<hbm>> -> memref<1x128xi32, #tpu.memory_space<hbm>>
        %dma_wait3A_152 = tpu.memref_squeeze %dma_wait3A_151 : memref<1x128xi32, #tpu.memory_space<hbm>> -> memref<128xi32, #tpu.memory_space<hbm>>
        tpu.wait_dma2 semaphore(%arg14 : memref<!tpu.dma_semaphore, #tpu.memory_space<semaphore_mem>>) src(%dma_wait3A_152 : memref<128xi32, #tpu.memory_space<hbm>>) dst(%dma_wait3A_150 : memref<128xi32, #tpu.memory_space<vmem>>)
        %add3A_153 = arith.constant 6 : i32
        %add3A_154 = arith.addi %add3A_28, %add3A_153 : i32
        %mul3A_155 = arith.constant 128 : i32
        %mul3A_156 = arith.muli %add3A_154, %mul3A_155 : i32
        %dma_wait3A_157 = arith.constant 768 : i32
        %dma_wait3A_158 = arith.constant 0 : i32
        %dma_wait3A_159 = tpu.memref_slice %arg10[%dma_wait3A_157, %dma_wait3A_158] : memref<1024x32xf32, #tpu.memory_space<vmem>> -> memref<128x32xf32, #tpu.memory_space<vmem>>
        %dma_wait3A_160 = arith.constant 0 : i32
        %dma_wait3A_161 = tpu.memref_slice %arg2[%mul3A_156, %dma_wait3A_160] : memref<160000x32xf32, #tpu.memory_space<hbm>> -> memref<128x32xf32, #tpu.memory_space<hbm>>
        %dma_wait3A_162 = arith.constant 768 : i32
        %dma_wait3A_163 = arith.constant 0 : i32
        %dma_wait3A_164 = tpu.memref_slice %arg10[%dma_wait3A_162, %dma_wait3A_163] : memref<1024x32xf32, #tpu.memory_space<vmem>> -> memref<128x32xf32, #tpu.memory_space<vmem>>
        %dma_wait3A_165 = arith.constant 0 : i32
        %dma_wait3A_166 = tpu.memref_slice %arg2[%mul3A_156, %dma_wait3A_165] : memref<160000x32xf32, #tpu.memory_space<hbm>> -> memref<128x32xf32, #tpu.memory_space<hbm>>
        tpu.wait_dma2 semaphore(%arg15 : memref<!tpu.dma_semaphore, #tpu.memory_space<semaphore_mem>>) src(%dma_wait3A_166 : memref<128x32xf32, #tpu.memory_space<hbm>>) dst(%dma_wait3A_164 : memref<128x32xf32, #tpu.memory_space<vmem>>)
        %run_scoped3A = arith.constant 6 : i32
        "tpu.region"() ({
          %run_scoped3A_168 = tpu.sem_alloc : memref<!tpu.dma_semaphore, #tpu.memory_space<semaphore_mem>>
          %dma_start3A = arith.constant 768 : i32
          %dma_start3A_169 = arith.constant 0 : i32
          %dma_start3A_170 = tpu.memref_slice %arg10[%dma_start3A, %dma_start3A_169] : memref<1024x32xf32, #tpu.memory_space<vmem>> -> memref<128x32xf32, #tpu.memory_space<vmem>>
          %dma_start3A_171 = arith.constant 0 : i32
          %dma_start3A_172 = tpu.memref_slice %arg9[%run_scoped3A, %dma_start3A_171] : memref<8x128xi32, #tpu.memory_space<vmem>> -> memref<1x128xi32, #tpu.memory_space<vmem>>
          %dma_start3A_173 = tpu.memref_squeeze %dma_start3A_172 : memref<1x128xi32, #tpu.memory_space<vmem>> -> memref<128xi32, #tpu.memory_space<vmem>>
          %dma_start3A_174 = arith.constant 0 : i32
          %dma_start3A_175 = arith.constant 0 : i32
          %dma_start3A_176 = tpu.memref_slice %arg12[%dma_start3A_174, %dma_start3A_175] : memref<10000x32xf32, #tpu.memory_space<vmem_shared>> -> memref<10000x32xf32, #tpu.memory_space<vmem_shared>>
          tpu.enqueue_indirect_dma source(%dma_start3A_170 : memref<128x32xf32, #tpu.memory_space<vmem>>) target(%dma_start3A_176 : memref<10000x32xf32, #tpu.memory_space<vmem_shared>>) offsets(%dma_start3A_173 : memref<128xi32, #tpu.memory_space<vmem>>) semaphore(%run_scoped3A_168 : memref<!tpu.dma_semaphore, #tpu.memory_space<semaphore_mem>>) {add = true}
          %dma_wait3A_177 = arith.constant 768 : i32
          %dma_wait3A_178 = arith.constant 0 : i32
          %dma_wait3A_179 = tpu.memref_slice %arg10[%dma_wait3A_177, %dma_wait3A_178] : memref<1024x32xf32, #tpu.memory_space<vmem>> -> memref<128x32xf32, #tpu.memory_space<vmem>>
          %dma_wait3A_180 = arith.constant 0 : i32
          %dma_wait3A_181 = tpu.memref_slice %arg9[%run_scoped3A, %dma_wait3A_180] : memref<8x128xi32, #tpu.memory_space<vmem>> -> memref<1x128xi32, #tpu.memory_space<vmem>>
          %dma_wait3A_182 = tpu.memref_squeeze %dma_wait3A_181 : memref<1x128xi32, #tpu.memory_space<vmem>> -> memref<128xi32, #tpu.memory_space<vmem>>
          %dma_wait3A_183 = arith.constant 0 : i32
          %dma_wait3A_184 = arith.constant 0 : i32
          %dma_wait3A_185 = tpu.memref_slice %arg12[%dma_wait3A_183, %dma_wait3A_184] : memref<10000x32xf32, #tpu.memory_space<vmem_shared>> -> memref<10000x32xf32, #tpu.memory_space<vmem_shared>>
          tpu.wait_indirect_dma semaphore(%run_scoped3A_168 : memref<!tpu.dma_semaphore, #tpu.memory_space<semaphore_mem>>) src(%dma_wait3A_179 : memref<128x32xf32, #tpu.memory_space<vmem>>) dst(%dma_wait3A_185 : memref<10000x32xf32, #tpu.memory_space<vmem_shared>>)
          tpu.yield
        }) : () -> ()
        %run_scoped3A_167 = arith.constant 6 : i32
        "tpu.region"() ({
          %run_scoped3A_168 = tpu.sem_alloc : memref<!tpu.dma_semaphore, #tpu.memory_space<semaphore_mem>>
          %dma_start3A = arith.constant 0 : i32
          %dma_start3A_169 = tpu.memref_slice %arg9[%run_scoped3A_167, %dma_start3A] : memref<8x128xi32, #tpu.memory_space<vmem>> -> memref<1x128xi32, #tpu.memory_space<vmem>>
          %dma_start3A_170 = tpu.memref_squeeze %dma_start3A_169 : memref<1x128xi32, #tpu.memory_space<vmem>> -> memref<128xi32, #tpu.memory_space<vmem>>
          %dma_start3A_171 = arith.constant 0 : i32
          %dma_start3A_172 = arith.constant 0 : i32
          %dma_start3A_173 = tpu.memref_slice %arg13[%dma_start3A_171, %dma_start3A_172] : memref<10000x16xf32, #tpu.memory_space<vmem_shared>> -> memref<10000x16xf32, #tpu.memory_space<vmem_shared>>
          tpu.enqueue_indirect_dma source(%arg11 : memref<128x16xf32, #tpu.memory_space<vmem>>) target(%dma_start3A_173 : memref<10000x16xf32, #tpu.memory_space<vmem_shared>>) offsets(%dma_start3A_170 : memref<128xi32, #tpu.memory_space<vmem>>) semaphore(%run_scoped3A_168 : memref<!tpu.dma_semaphore, #tpu.memory_space<semaphore_mem>>) {add = true}
          %dma_wait3A_174 = arith.constant 0 : i32
          %dma_wait3A_175 = tpu.memref_slice %arg9[%run_scoped3A_167, %dma_wait3A_174] : memref<8x128xi32, #tpu.memory_space<vmem>> -> memref<1x128xi32, #tpu.memory_space<vmem>>
          %dma_wait3A_176 = tpu.memref_squeeze %dma_wait3A_175 : memref<1x128xi32, #tpu.memory_space<vmem>> -> memref<128xi32, #tpu.memory_space<vmem>>
          %dma_wait3A_177 = arith.constant 0 : i32
          %dma_wait3A_178 = arith.constant 0 : i32
          %dma_wait3A_179 = tpu.memref_slice %arg13[%dma_wait3A_177, %dma_wait3A_178] : memref<10000x16xf32, #tpu.memory_space<vmem_shared>> -> memref<10000x16xf32, #tpu.memory_space<vmem_shared>>
          tpu.wait_indirect_dma semaphore(%run_scoped3A_168 : memref<!tpu.dma_semaphore, #tpu.memory_space<semaphore_mem>>) src(%arg11 : memref<128x16xf32, #tpu.memory_space<vmem>>) dst(%dma_wait3A_179 : memref<10000x16xf32, #tpu.memory_space<vmem_shared>>)
          tpu.yield
        }) : () -> ()
      } else {
      }
      %add3A_131 = arith.constant 7 : i32
      %add3A_132 = arith.addi %add3A_28, %add3A_131 : i32
      %lt3A_133 = arith.constant 1250 : i32
      %lt3A_134 = arith.cmpi slt, %add3A_132, %lt3A_133 : i32
      %convert_element_type3A_135 = arith.extui %lt3A_134 : i1 to i32
      %cond3A_136 = arith.constant 0 : i32
      %cond3A_137 = arith.cmpi ne, %convert_element_type3A_135, %cond3A_136 : i32
      scf.if %cond3A_137 {
        %add3A_138 = arith.constant 7 : i32
        %add3A_139 = arith.addi %add3A_28, %add3A_138 : i32
        %mul3A_140 = arith.constant 128 : i32
        %mul3A_141 = arith.muli %add3A_139, %mul3A_140 : i32
        %dma_wait3A = arith.constant 0 : i32
        %dma_wait3A_142 = arith.constant 7 : i32
        %dma_wait3A_143 = arith.constant 0 : i32
        %dma_wait3A_144 = tpu.memref_slice %arg9[%dma_wait3A_142, %dma_wait3A_143] : memref<8x128xi32, #tpu.memory_space<vmem>> -> memref<1x128xi32, #tpu.memory_space<vmem>>
        %dma_wait3A_145 = tpu.memref_squeeze %dma_wait3A_144 : memref<1x128xi32, #tpu.memory_space<vmem>> -> memref<128xi32, #tpu.memory_space<vmem>>
        %dma_wait3A_146 = tpu.memref_slice %arg3[%dma_wait3A, %mul3A_141] : memref<2x160000xi32, #tpu.memory_space<hbm>> -> memref<1x128xi32, #tpu.memory_space<hbm>>
        %dma_wait3A_147 = tpu.memref_squeeze %dma_wait3A_146 : memref<1x128xi32, #tpu.memory_space<hbm>> -> memref<128xi32, #tpu.memory_space<hbm>>
        %dma_wait3A_148 = arith.constant 0 : i32
        %dma_wait3A_149 = tpu.memref_slice %arg9[%dma_wait3A_142, %dma_wait3A_148] : memref<8x128xi32, #tpu.memory_space<vmem>> -> memref<1x128xi32, #tpu.memory_space<vmem>>
        %dma_wait3A_150 = tpu.memref_squeeze %dma_wait3A_149 : memref<1x128xi32, #tpu.memory_space<vmem>> -> memref<128xi32, #tpu.memory_space<vmem>>
        %dma_wait3A_151 = tpu.memref_slice %arg3[%dma_wait3A, %mul3A_141] : memref<2x160000xi32, #tpu.memory_space<hbm>> -> memref<1x128xi32, #tpu.memory_space<hbm>>
        %dma_wait3A_152 = tpu.memref_squeeze %dma_wait3A_151 : memref<1x128xi32, #tpu.memory_space<hbm>> -> memref<128xi32, #tpu.memory_space<hbm>>
        tpu.wait_dma2 semaphore(%arg14 : memref<!tpu.dma_semaphore, #tpu.memory_space<semaphore_mem>>) src(%dma_wait3A_152 : memref<128xi32, #tpu.memory_space<hbm>>) dst(%dma_wait3A_150 : memref<128xi32, #tpu.memory_space<vmem>>)
        %add3A_153 = arith.constant 7 : i32
        %add3A_154 = arith.addi %add3A_28, %add3A_153 : i32
        %mul3A_155 = arith.constant 128 : i32
        %mul3A_156 = arith.muli %add3A_154, %mul3A_155 : i32
        %dma_wait3A_157 = arith.constant 896 : i32
        %dma_wait3A_158 = arith.constant 0 : i32
        %dma_wait3A_159 = tpu.memref_slice %arg10[%dma_wait3A_157, %dma_wait3A_158] : memref<1024x32xf32, #tpu.memory_space<vmem>> -> memref<128x32xf32, #tpu.memory_space<vmem>>
        %dma_wait3A_160 = arith.constant 0 : i32
        %dma_wait3A_161 = tpu.memref_slice %arg2[%mul3A_156, %dma_wait3A_160] : memref<160000x32xf32, #tpu.memory_space<hbm>> -> memref<128x32xf32, #tpu.memory_space<hbm>>
        %dma_wait3A_162 = arith.constant 896 : i32
        %dma_wait3A_163 = arith.constant 0 : i32
        %dma_wait3A_164 = tpu.memref_slice %arg10[%dma_wait3A_162, %dma_wait3A_163] : memref<1024x32xf32, #tpu.memory_space<vmem>> -> memref<128x32xf32, #tpu.memory_space<vmem>>
        %dma_wait3A_165 = arith.constant 0 : i32
        %dma_wait3A_166 = tpu.memref_slice %arg2[%mul3A_156, %dma_wait3A_165] : memref<160000x32xf32, #tpu.memory_space<hbm>> -> memref<128x32xf32, #tpu.memory_space<hbm>>
        tpu.wait_dma2 semaphore(%arg15 : memref<!tpu.dma_semaphore, #tpu.memory_space<semaphore_mem>>) src(%dma_wait3A_166 : memref<128x32xf32, #tpu.memory_space<hbm>>) dst(%dma_wait3A_164 : memref<128x32xf32, #tpu.memory_space<vmem>>)
        %run_scoped3A = arith.constant 7 : i32
        "tpu.region"() ({
          %run_scoped3A_168 = tpu.sem_alloc : memref<!tpu.dma_semaphore, #tpu.memory_space<semaphore_mem>>
          %dma_start3A = arith.constant 896 : i32
          %dma_start3A_169 = arith.constant 0 : i32
          %dma_start3A_170 = tpu.memref_slice %arg10[%dma_start3A, %dma_start3A_169] : memref<1024x32xf32, #tpu.memory_space<vmem>> -> memref<128x32xf32, #tpu.memory_space<vmem>>
          %dma_start3A_171 = arith.constant 0 : i32
          %dma_start3A_172 = tpu.memref_slice %arg9[%run_scoped3A, %dma_start3A_171] : memref<8x128xi32, #tpu.memory_space<vmem>> -> memref<1x128xi32, #tpu.memory_space<vmem>>
          %dma_start3A_173 = tpu.memref_squeeze %dma_start3A_172 : memref<1x128xi32, #tpu.memory_space<vmem>> -> memref<128xi32, #tpu.memory_space<vmem>>
          %dma_start3A_174 = arith.constant 0 : i32
          %dma_start3A_175 = arith.constant 0 : i32
          %dma_start3A_176 = tpu.memref_slice %arg12[%dma_start3A_174, %dma_start3A_175] : memref<10000x32xf32, #tpu.memory_space<vmem_shared>> -> memref<10000x32xf32, #tpu.memory_space<vmem_shared>>
          tpu.enqueue_indirect_dma source(%dma_start3A_170 : memref<128x32xf32, #tpu.memory_space<vmem>>) target(%dma_start3A_176 : memref<10000x32xf32, #tpu.memory_space<vmem_shared>>) offsets(%dma_start3A_173 : memref<128xi32, #tpu.memory_space<vmem>>) semaphore(%run_scoped3A_168 : memref<!tpu.dma_semaphore, #tpu.memory_space<semaphore_mem>>) {add = true}
          %dma_wait3A_177 = arith.constant 896 : i32
          %dma_wait3A_178 = arith.constant 0 : i32
          %dma_wait3A_179 = tpu.memref_slice %arg10[%dma_wait3A_177, %dma_wait3A_178] : memref<1024x32xf32, #tpu.memory_space<vmem>> -> memref<128x32xf32, #tpu.memory_space<vmem>>
          %dma_wait3A_180 = arith.constant 0 : i32
          %dma_wait3A_181 = tpu.memref_slice %arg9[%run_scoped3A, %dma_wait3A_180] : memref<8x128xi32, #tpu.memory_space<vmem>> -> memref<1x128xi32, #tpu.memory_space<vmem>>
          %dma_wait3A_182 = tpu.memref_squeeze %dma_wait3A_181 : memref<1x128xi32, #tpu.memory_space<vmem>> -> memref<128xi32, #tpu.memory_space<vmem>>
          %dma_wait3A_183 = arith.constant 0 : i32
          %dma_wait3A_184 = arith.constant 0 : i32
          %dma_wait3A_185 = tpu.memref_slice %arg12[%dma_wait3A_183, %dma_wait3A_184] : memref<10000x32xf32, #tpu.memory_space<vmem_shared>> -> memref<10000x32xf32, #tpu.memory_space<vmem_shared>>
          tpu.wait_indirect_dma semaphore(%run_scoped3A_168 : memref<!tpu.dma_semaphore, #tpu.memory_space<semaphore_mem>>) src(%dma_wait3A_179 : memref<128x32xf32, #tpu.memory_space<vmem>>) dst(%dma_wait3A_185 : memref<10000x32xf32, #tpu.memory_space<vmem_shared>>)
          tpu.yield
        }) : () -> ()
        %run_scoped3A_167 = arith.constant 7 : i32
        "tpu.region"() ({
          %run_scoped3A_168 = tpu.sem_alloc : memref<!tpu.dma_semaphore, #tpu.memory_space<semaphore_mem>>
          %dma_start3A = arith.constant 0 : i32
          %dma_start3A_169 = tpu.memref_slice %arg9[%run_scoped3A_167, %dma_start3A] : memref<8x128xi32, #tpu.memory_space<vmem>> -> memref<1x128xi32, #tpu.memory_space<vmem>>
          %dma_start3A_170 = tpu.memref_squeeze %dma_start3A_169 : memref<1x128xi32, #tpu.memory_space<vmem>> -> memref<128xi32, #tpu.memory_space<vmem>>
          %dma_start3A_171 = arith.constant 0 : i32
          %dma_start3A_172 = arith.constant 0 : i32
          %dma_start3A_173 = tpu.memref_slice %arg13[%dma_start3A_171, %dma_start3A_172] : memref<10000x16xf32, #tpu.memory_space<vmem_shared>> -> memref<10000x16xf32, #tpu.memory_space<vmem_shared>>
          tpu.enqueue_indirect_dma source(%arg11 : memref<128x16xf32, #tpu.memory_space<vmem>>) target(%dma_start3A_173 : memref<10000x16xf32, #tpu.memory_space<vmem_shared>>) offsets(%dma_start3A_170 : memref<128xi32, #tpu.memory_space<vmem>>) semaphore(%run_scoped3A_168 : memref<!tpu.dma_semaphore, #tpu.memory_space<semaphore_mem>>) {add = true}
          %dma_wait3A_174 = arith.constant 0 : i32
          %dma_wait3A_175 = tpu.memref_slice %arg9[%run_scoped3A_167, %dma_wait3A_174] : memref<8x128xi32, #tpu.memory_space<vmem>> -> memref<1x128xi32, #tpu.memory_space<vmem>>
          %dma_wait3A_176 = tpu.memref_squeeze %dma_wait3A_175 : memref<1x128xi32, #tpu.memory_space<vmem>> -> memref<128xi32, #tpu.memory_space<vmem>>
          %dma_wait3A_177 = arith.constant 0 : i32
          %dma_wait3A_178 = arith.constant 0 : i32
          %dma_wait3A_179 = tpu.memref_slice %arg13[%dma_wait3A_177, %dma_wait3A_178] : memref<10000x16xf32, #tpu.memory_space<vmem_shared>> -> memref<10000x16xf32, #tpu.memory_space<vmem_shared>>
          tpu.wait_indirect_dma semaphore(%run_scoped3A_168 : memref<!tpu.dma_semaphore, #tpu.memory_space<semaphore_mem>>) src(%arg11 : memref<128x16xf32, #tpu.memory_space<vmem>>) dst(%dma_wait3A_179 : memref<10000x16xf32, #tpu.memory_space<vmem_shared>>)
          tpu.yield
        }) : () -> ()
      } else {
      }
    }
    %scan3A_13 = arith.constant 5 : i32
    %barrier3A_14 = arith.constant 0 : index
    tpu.barrier barrier_id(%barrier3A_14)
    %mul3A_15 = arith.constant 625 : i32
    %mul3A_16 = arith.muli %arg1, %mul3A_15 : i32
    %mul3A_17 = arith.constant 625 : i32
    %mul3A_18 = arith.muli %arg1, %mul3A_17 : i32
    "tpu.region"() ({
      %run_scoped3A = tpu.sem_alloc : memref<!tpu.dma_semaphore, #tpu.memory_space<semaphore_mem>>
      %dma_start3A = arith.constant 0 : i32
      %dma_start3A_23 = tpu.memref_slice %arg7[%arg0, %mul3A_18, %dma_start3A] : memref<2x10000x32xf32, #tpu.memory_space<hbm>> -> memref<1x625x32xf32, #tpu.memory_space<hbm>>
      %dma_start3A_24 = tpu.memref_squeeze %dma_start3A_23 : memref<1x625x32xf32, #tpu.memory_space<hbm>> -> memref<625x32xf32, #tpu.memory_space<hbm>>
      %dma_start3A_25 = arith.constant 0 : i32
      %dma_start3A_26 = tpu.memref_slice %arg12[%mul3A_16, %dma_start3A_25] : memref<10000x32xf32, #tpu.memory_space<vmem_shared>> -> memref<625x32xf32, #tpu.memory_space<vmem_shared>>
      tpu.enqueue_dma source(%dma_start3A_26 : memref<625x32xf32, #tpu.memory_space<vmem_shared>>) target(%dma_start3A_24 : memref<625x32xf32, #tpu.memory_space<hbm>>) target_semaphore(%run_scoped3A : memref<!tpu.dma_semaphore, #tpu.memory_space<semaphore_mem>>)
      %dma_wait3A = arith.constant 0 : i32
      %dma_wait3A_27 = tpu.memref_slice %arg7[%arg0, %mul3A_18, %dma_wait3A] : memref<2x10000x32xf32, #tpu.memory_space<hbm>> -> memref<1x625x32xf32, #tpu.memory_space<hbm>>
      %dma_wait3A_28 = tpu.memref_squeeze %dma_wait3A_27 : memref<1x625x32xf32, #tpu.memory_space<hbm>> -> memref<625x32xf32, #tpu.memory_space<hbm>>
      %dma_wait3A_29 = arith.constant 0 : i32
      %dma_wait3A_30 = tpu.memref_slice %arg12[%mul3A_16, %dma_wait3A_29] : memref<10000x32xf32, #tpu.memory_space<vmem_shared>> -> memref<625x32xf32, #tpu.memory_space<vmem_shared>>
      tpu.wait_dma2 semaphore(%run_scoped3A : memref<!tpu.dma_semaphore, #tpu.memory_space<semaphore_mem>>) src(%dma_wait3A_30 : memref<625x32xf32, #tpu.memory_space<vmem_shared>>) dst(%dma_wait3A_28 : memref<625x32xf32, #tpu.memory_space<hbm>>)
      tpu.yield
    }) : () -> ()
    %mul3A_19 = arith.constant 625 : i32
    %mul3A_20 = arith.muli %arg1, %mul3A_19 : i32
    %mul3A_21 = arith.constant 625 : i32
    %mul3A_22 = arith.muli %arg1, %mul3A_21 : i32
    "tpu.region"() ({
      %run_scoped3A = tpu.sem_alloc : memref<!tpu.dma_semaphore, #tpu.memory_space<semaphore_mem>>
      %dma_start3A = arith.constant 0 : i32
      %dma_start3A_23 = tpu.memref_slice %arg8[%arg0, %mul3A_22, %dma_start3A] : memref<2x10000x16xf32, #tpu.memory_space<hbm>> -> memref<1x625x16xf32, #tpu.memory_space<hbm>>
      %dma_start3A_24 = tpu.memref_squeeze %dma_start3A_23 : memref<1x625x16xf32, #tpu.memory_space<hbm>> -> memref<625x16xf32, #tpu.memory_space<hbm>>
      %dma_start3A_25 = arith.constant 0 : i32
      %dma_start3A_26 = tpu.memref_slice %arg13[%mul3A_20, %dma_start3A_25] : memref<10000x16xf32, #tpu.memory_space<vmem_shared>> -> memref<625x16xf32, #tpu.memory_space<vmem_shared>>
      tpu.enqueue_dma source(%dma_start3A_26 : memref<625x16xf32, #tpu.memory_space<vmem_shared>>) target(%dma_start3A_24 : memref<625x16xf32, #tpu.memory_space<hbm>>) target_semaphore(%run_scoped3A : memref<!tpu.dma_semaphore, #tpu.memory_space<semaphore_mem>>)
      %dma_wait3A = arith.constant 0 : i32
      %dma_wait3A_27 = tpu.memref_slice %arg8[%arg0, %mul3A_22, %dma_wait3A] : memref<2x10000x16xf32, #tpu.memory_space<hbm>> -> memref<1x625x16xf32, #tpu.memory_space<hbm>>
      %dma_wait3A_28 = tpu.memref_squeeze %dma_wait3A_27 : memref<1x625x16xf32, #tpu.memory_space<hbm>> -> memref<625x16xf32, #tpu.memory_space<hbm>>
      %dma_wait3A_29 = arith.constant 0 : i32
      %dma_wait3A_30 = tpu.memref_slice %arg13[%mul3A_20, %dma_wait3A_29] : memref<10000x16xf32, #tpu.memory_space<vmem_shared>> -> memref<625x16xf32, #tpu.memory_space<vmem_shared>>
      tpu.wait_dma2 semaphore(%run_scoped3A : memref<!tpu.dma_semaphore, #tpu.memory_space<semaphore_mem>>) src(%dma_wait3A_30 : memref<625x16xf32, #tpu.memory_space<vmem_shared>>) dst(%dma_wait3A_28 : memref<625x16xf32, #tpu.memory_space<hbm>>)
      tpu.yield
    }) : () -> ()
    return
  }
}

module attributes {stable_mosaic.version = 14 : i64} {
  func.func @body(%arg0: i32, %arg1: memref<32x3200xf32, #tpu.memory_space<vmem>>, %arg2: memref<16x3200xf32, #tpu.memory_space<vmem>>, %arg3: memref<1x3200xf32, #tpu.memory_space<vmem>>, %arg4: memref<16x16xf32, #tpu.memory_space<vmem>>, %arg5: memref<16x1xf32, #tpu.memory_space<vmem>>, %arg6: memref<32x512xf32, #tpu.memory_space<vmem>>, %arg7: memref<32x32xf32, #tpu.memory_space<vmem>>, %arg8: memref<32x3200xf32, #tpu.memory_space<vmem>>) attributes {dimension_semantics = [#tpu.dimension_semantics<arbitrary>], iteration_bounds = array<i64: 50>, scalar_prefetch = 0 : i64, scratch_operands = 0 : i64, tpu.core_type = #tpu.core_type<tc>, window_params = [{transform_indices = @transform_0, window_bounds = array<i64: 32, 3200>}, {transform_indices = @transform_1, window_bounds = array<i64: 16, 3200>}, {transform_indices = @transform_2, window_bounds = array<i64: 1, 3200>}, {pipeline_mode = #tpu.pipeline_mode<synchronous>, transform_indices = @transform_3, window_bounds = array<i64: 16, 16>}, {pipeline_mode = #tpu.pipeline_mode<synchronous>, transform_indices = @transform_4, window_bounds = array<i64: 16, 1>}, {pipeline_mode = #tpu.pipeline_mode<synchronous>, transform_indices = @transform_5, window_bounds = array<i64: 32, 512>}, {pipeline_mode = #tpu.pipeline_mode<synchronous>, transform_indices = @transform_6, window_bounds = array<i64: 32, 32>}, {transform_indices = @transform_7, window_bounds = array<i64: 32, 3200>}]} {
    %get3A = arith.constant 0 : index
    %get3A_0 = arith.constant 0 : index
    %get3A_1 = vector.load %arg1[%get3A, %get3A_0] : memref<32x3200xf32, #tpu.memory_space<vmem>>, vector<32x3200xf32>
    %get3A_2 = arith.constant 0 : index
    %get3A_3 = arith.constant 0 : index
    %get3A_4 = vector.load %arg3[%get3A_2, %get3A_3] : memref<1x3200xf32, #tpu.memory_space<vmem>>, vector<1x3200xf32>
    %get3A_5 = arith.constant 0 : index
    %get3A_6 = arith.constant 0 : index
    %get3A_7 = vector.load %arg4[%get3A_5, %get3A_6] : memref<16x16xf32, #tpu.memory_space<vmem>>, vector<16x16xf32>
    %get3A_8 = arith.constant 0 : index
    %get3A_9 = arith.constant 0 : index
    %get3A_10 = vector.load %arg2[%get3A_8, %get3A_9] : memref<16x3200xf32, #tpu.memory_space<vmem>>, vector<16x3200xf32>
    %dot_general3A = arith.constant dense<0.000000e+00> : vector<16x3200xf32>
    %dot_general3A_11 = tpu.matmul %get3A_7, %get3A_10, %dot_general3A {dimension_numbers = #tpu.dot_dimension_numbers<[1], [0], [0], [1], [0, 0, 1, 1], [], []>, transpose_lhs_hint = false} : vector<16x16xf32>, vector<16x3200xf32>, vector<16x3200xf32> -> vector<16x3200xf32>
    %get3A_12 = arith.constant 0 : index
    %get3A_13 = arith.constant 0 : index
    %get3A_14 = vector.load %arg5[%get3A_12, %get3A_13] : memref<16x1xf32, #tpu.memory_space<vmem>>, vector<16x1xf32>
    %add3A = vector.broadcast %get3A_14 : vector<16x1xf32> to vector<16x3200xf32>
    %add3A_15 = arith.addf %dot_general3A_11, %add3A : vector<16x3200xf32>
    %max3A = arith.constant 0.000000e+00 : f32
    %max3A_16 = vector.broadcast %max3A : f32 to vector<16x3200xf32>
    %max3A_17 = arith.maximumf %add3A_15, %max3A_16 : vector<16x3200xf32>
    %mul3A = vector.broadcast %get3A_4 : vector<1x3200xf32> to vector<16x3200xf32>
    %mul3A_18 = arith.mulf %max3A_17, %mul3A : vector<16x3200xf32>
    %broadcast_in_dim3A = vector.shape_cast %mul3A_18 : vector<16x3200xf32> to vector<16x1x3200xf32>
    %broadcast_in_dim3A_19 = vector.shape_cast %get3A_1 : vector<32x3200xf32> to vector<1x32x3200xf32>
    %mul3A_20 = vector.broadcast %broadcast_in_dim3A : vector<16x1x3200xf32> to vector<16x32x3200xf32>
    %mul3A_21 = vector.broadcast %broadcast_in_dim3A_19 : vector<1x32x3200xf32> to vector<16x32x3200xf32>
    %mul3A_22 = arith.mulf %mul3A_20, %mul3A_21 : vector<16x32x3200xf32>
    %reshape3A = vector.shape_cast %mul3A_22 : vector<16x32x3200xf32> to vector<512x3200xf32>
    %get3A_23 = arith.constant 0 : index
    %get3A_24 = arith.constant 0 : index
    %get3A_25 = vector.load %arg6[%get3A_23, %get3A_24] : memref<32x512xf32, #tpu.memory_space<vmem>>, vector<32x512xf32>
    %dot_general3A_26 = arith.constant dense<0.000000e+00> : vector<32x3200xf32>
    %dot_general3A_27 = tpu.matmul %get3A_25, %reshape3A, %dot_general3A_26 {dimension_numbers = #tpu.dot_dimension_numbers<[1], [0], [0], [1], [0, 0, 1, 1], [], []>, transpose_lhs_hint = false} : vector<32x512xf32>, vector<512x3200xf32>, vector<32x3200xf32> -> vector<32x3200xf32>
    %get3A_28 = arith.constant 0 : index
    %get3A_29 = arith.constant 0 : index
    %get3A_30 = vector.load %arg7[%get3A_28, %get3A_29] : memref<32x32xf32, #tpu.memory_space<vmem>>, vector<32x32xf32>
    %dot_general3A_31 = arith.constant dense<0.000000e+00> : vector<32x3200xf32>
    %dot_general3A_32 = tpu.matmul %get3A_30, %get3A_1, %dot_general3A_31 {dimension_numbers = #tpu.dot_dimension_numbers<[1], [0], [0], [1], [0, 0, 1, 1], [], []>, transpose_lhs_hint = false} : vector<32x32xf32>, vector<32x3200xf32>, vector<32x3200xf32> -> vector<32x3200xf32>
    %mul3A_33 = vector.broadcast %get3A_4 : vector<1x3200xf32> to vector<32x3200xf32>
    %mul3A_34 = arith.mulf %dot_general3A_32, %mul3A_33 : vector<32x3200xf32>
    %add3A_35 = arith.addf %dot_general3A_27, %mul3A_34 : vector<32x3200xf32>
    %mul3A_36 = arith.constant 0.176776692 : f32
    %mul3A_37 = vector.broadcast %mul3A_36 : f32 to vector<32x3200xf32>
    %mul3A_38 = arith.mulf %add3A_35, %mul3A_37 : vector<32x3200xf32>
    %swap3A = arith.constant 0 : index
    %swap3A_39 = arith.constant 0 : index
    %swap3A_40 = vector.load %arg8[%swap3A, %swap3A_39] : memref<32x3200xf32, #tpu.memory_space<vmem>>, vector<32x3200xf32>
    tpu.vector_store %arg8[%swap3A, %swap3A_39], %mul3A_38 {strides = array<i32>} : memref<32x3200xf32, #tpu.memory_space<vmem>>, vector<32x3200xf32>,
    return
  }
  func.func @transform_0(%arg0: i32) -> (i32, i32) {
    %c0_i32 = arith.constant 0 : i32
    %c0_i32_0 = arith.constant 0 : i32
    return %c0_i32, %arg0 : i32, i32
  }
  func.func @transform_1(%arg0: i32) -> (i32, i32) {
    %c0_i32 = arith.constant 0 : i32
    %c0_i32_0 = arith.constant 0 : i32
    return %c0_i32, %arg0 : i32, i32
  }
  func.func @transform_2(%arg0: i32) -> (i32, i32) {
    %c0_i32 = arith.constant 0 : i32
    %c0_i32_0 = arith.constant 0 : i32
    return %c0_i32, %arg0 : i32, i32
  }
  func.func @transform_3(%arg0: i32) -> (i32, i32) {
    %c0_i32 = arith.constant 0 : i32
    %c0_i32_0 = arith.constant 0 : i32
    %c0_i32_1 = arith.constant 0 : i32
    return %c0_i32, %c0_i32_0 : i32, i32
  }
  func.func @transform_4(%arg0: i32) -> (i32, i32) {
    %c0_i32 = arith.constant 0 : i32
    %c0_i32_0 = arith.constant 0 : i32
    %c0_i32_1 = arith.constant 0 : i32
    return %c0_i32, %c0_i32_0 : i32, i32
  }
  func.func @transform_5(%arg0: i32) -> (i32, i32) {
    %c0_i32 = arith.constant 0 : i32
    %c0_i32_0 = arith.constant 0 : i32
    %c0_i32_1 = arith.constant 0 : i32
    return %c0_i32, %c0_i32_0 : i32, i32
  }
  func.func @transform_6(%arg0: i32) -> (i32, i32) {
    %c0_i32 = arith.constant 0 : i32
    %c0_i32_0 = arith.constant 0 : i32
    %c0_i32_1 = arith.constant 0 : i32
    return %c0_i32, %c0_i32_0 : i32, i32
  }
  func.func @transform_7(%arg0: i32) -> (i32, i32) {
    %c0_i32 = arith.constant 0 : i32
    %c0_i32_0 = arith.constant 0 : i32
    return %c0_i32, %arg0 : i32, i32
  }
}

module attributes {stable_mosaic.version = 14 : i64} {
  func.func @body(%arg0: memref<2x32x10000xf32, #tpu.memory_space<vmem>>, %arg1: memref<2x16x10000xf32, #tpu.memory_space<vmem>>, %arg2: memref<32x10000xf32, #tpu.memory_space<vmem>>, %arg3: memref<32x1xf32, #tpu.memory_space<vmem>>, %arg4: memref<32x1xf32, #tpu.memory_space<vmem>>, %arg5: memref<32x10000xf32, #tpu.memory_space<vmem>>) attributes {dimension_semantics = [], scalar_prefetch = 0 : i64, scratch_operands = 0 : i64, tpu.core_type = #tpu.core_type<tc>} {
    %get3A = arith.constant 0 : index
    %get3A_0 = arith.constant 0 : index
    %get3A_1 = arith.constant 0 : index
    %get3A_2 = vector.load %arg0[%get3A, %get3A_0, %get3A_1] : memref<2x32x10000xf32, #tpu.memory_space<vmem>>, vector<1x32x10000xf32>
    %get3A_3 = vector.shape_cast %get3A_2 : vector<1x32x10000xf32> to vector<32x10000xf32>
    %get3A_4 = arith.constant 1 : index
    %get3A_5 = arith.constant 0 : index
    %get3A_6 = arith.constant 0 : index
    %get3A_7 = vector.load %arg0[%get3A_4, %get3A_5, %get3A_6] : memref<2x32x10000xf32, #tpu.memory_space<vmem>>, vector<1x32x10000xf32>
    %get3A_8 = vector.shape_cast %get3A_7 : vector<1x32x10000xf32> to vector<32x10000xf32>
    %add3A = arith.addf %get3A_3, %get3A_8 : vector<32x10000xf32>
    %get3A_9 = arith.constant 0 : index
    %get3A_10 = arith.constant 0 : index
    %get3A_11 = arith.constant 0 : index
    %get3A_12 = vector.load %arg1[%get3A_9, %get3A_10, %get3A_11] : memref<2x16x10000xf32, #tpu.memory_space<vmem>>, vector<1x1x10000xf32>
    %get3A_13 = vector.shape_cast %get3A_12 : vector<1x1x10000xf32> to vector<1x10000xf32>
    %get3A_14 = arith.constant 1 : index
    %get3A_15 = arith.constant 0 : index
    %get3A_16 = arith.constant 0 : index
    %get3A_17 = vector.load %arg1[%get3A_14, %get3A_15, %get3A_16] : memref<2x16x10000xf32, #tpu.memory_space<vmem>>, vector<1x1x10000xf32>
    %get3A_18 = vector.shape_cast %get3A_17 : vector<1x1x10000xf32> to vector<1x10000xf32>
    %add3A_19 = arith.addf %get3A_13, %get3A_18 : vector<1x10000xf32>
    %max3A = arith.constant 1.000000e+00 : f32
    %max3A_20 = vector.broadcast %max3A : f32 to vector<1x10000xf32>
    %max3A_21 = arith.maximumf %add3A_19, %max3A_20 : vector<1x10000xf32>
    %div3A = vector.broadcast %max3A_21 : vector<1x10000xf32> to vector<32x10000xf32>
    %div3A_22 = arith.divf %add3A, %div3A : vector<32x10000xf32>
    %get3A_23 = arith.constant 0 : index
    %get3A_24 = arith.constant 0 : index
    %get3A_25 = vector.load %arg2[%get3A_23, %get3A_24] : memref<32x10000xf32, #tpu.memory_space<vmem>>, vector<32x10000xf32>
    %add3A_26 = arith.addf %div3A_22, %get3A_25 : vector<32x10000xf32>
    %reduce_sum3A = arith.constant dense<0.000000e+00> : vector<32xf32>
    %reduce_sum3A_27 = vector.multi_reduction <add>, %add3A_26, %reduce_sum3A [1] : vector<32x10000xf32> to vector<32xf32>
    %broadcast_in_dim3A = vector.shape_cast %reduce_sum3A_27 : vector<32xf32> to vector<32x1xf32>
    %div3A_28 = arith.constant 1.000000e+04 : f32
    %div3A_29 = vector.broadcast %div3A_28 : f32 to vector<32x1xf32>
    %div3A_30 = arith.divf %broadcast_in_dim3A, %div3A_29 : vector<32x1xf32>
    %sub3A = vector.broadcast %div3A_30 : vector<32x1xf32> to vector<32x10000xf32>
    %sub3A_31 = arith.subf %add3A_26, %sub3A : vector<32x10000xf32>
    %mul3A = arith.mulf %sub3A_31, %sub3A_31 : vector<32x10000xf32>
    %reduce_sum3A_32 = arith.constant dense<0.000000e+00> : vector<32xf32>
    %reduce_sum3A_33 = vector.multi_reduction <add>, %mul3A, %reduce_sum3A_32 [1] : vector<32x10000xf32> to vector<32xf32>
    %broadcast_in_dim3A_34 = vector.shape_cast %reduce_sum3A_33 : vector<32xf32> to vector<32x1xf32>
    %div3A_35 = arith.constant 1.000000e+04 : f32
    %div3A_36 = vector.broadcast %div3A_35 : f32 to vector<32x1xf32>
    %div3A_37 = arith.divf %broadcast_in_dim3A_34, %div3A_36 : vector<32x1xf32>
    %add3A_38 = arith.constant 9.99999974E-6 : f32
    %add3A_39 = vector.broadcast %add3A_38 : f32 to vector<32x1xf32>
    %add3A_40 = arith.addf %div3A_37, %add3A_39 : vector<32x1xf32>
    %rsqrt3A = math.rsqrt %add3A_40 : vector<32x1xf32>
    %mul3A_41 = vector.broadcast %rsqrt3A : vector<32x1xf32> to vector<32x10000xf32>
    %mul3A_42 = arith.mulf %sub3A_31, %mul3A_41 : vector<32x10000xf32>
    %get3A_43 = arith.constant 0 : index
    %get3A_44 = arith.constant 0 : index
    %get3A_45 = vector.load %arg3[%get3A_43, %get3A_44] : memref<32x1xf32, #tpu.memory_space<vmem>>, vector<32x1xf32>
    %mul3A_46 = vector.broadcast %get3A_45 : vector<32x1xf32> to vector<32x10000xf32>
    %mul3A_47 = arith.mulf %mul3A_42, %mul3A_46 : vector<32x10000xf32>
    %get3A_48 = arith.constant 0 : index
    %get3A_49 = arith.constant 0 : index
    %get3A_50 = vector.load %arg4[%get3A_48, %get3A_49] : memref<32x1xf32, #tpu.memory_space<vmem>>, vector<32x1xf32>
    %add3A_51 = vector.broadcast %get3A_50 : vector<32x1xf32> to vector<32x10000xf32>
    %add3A_52 = arith.addf %mul3A_47, %add3A_51 : vector<32x10000xf32>
    %swap3A = arith.constant 0 : index
    %swap3A_53 = arith.constant 0 : index
    %swap3A_54 = vector.load %arg5[%swap3A, %swap3A_53] : memref<32x10000xf32, #tpu.memory_space<vmem>>, vector<32x10000xf32>
    tpu.vector_store %arg5[%swap3A, %swap3A_53], %add3A_52 {strides = array<i32>} : memref<32x10000xf32, #tpu.memory_space<vmem>>, vector<32x10000xf32>,
    return
  }
}

</mosaic_0001>

<sc_bundles>
// kernel: kernel.6.cloned.1.call-start
scs
__scs_entry_jumppad:
0x0: {  	(pc) =	sbr.rel $0x88, $3  }
0x1: {  	(tag) =	ssettag $0x0;
	lr =	simm.s32 $0x1  }
0x2: {  	[smem:$0x3F97] =	sst lr;
	_ =	strace $0xD0000000  }
0x3: {  	_ = 	snop  }
0x4: {  	_ = 	snop  }
0x5: {  	_ = 	snop  }
0x6: {  	_ = 	snop  }
0x7: {  	_ = 	snop  }
__scs_overlays_trampoline_lowered:
0x8: {  	[smem:$0x3FA6] =	sst s0  }
0x9: {  	[smem:$0x3FA7] =	sst s1  }
0xa: {  	[smem:$0x3FA8] =	sst s2  }
0xb: {  	[smem:$0x3FA9] =	sst s3  }
0xc: {  	[smem:$0x3FAA] =	sst s4  }
0xd: {  	[smem:$0x3FAB] =	sst s5  }
0xe: {  	[smem:$0x3FAC] =	sst s6  }
0xf: {  	[smem:$0x3FAD] =	sst s7  }
0x10: {  	[smem:$0x3FAE] =	sst s8  }
0x11: {  	[smem:$0x3FAF] =	sst s9;
	s0 =	simm.s32 @!p0 $0x0  }
0x12: {  	s1 =	sld [smem:$0x3F95];
	s0 =	simm.s32 @p0 $0x1  }
0x13: {  	[smem:$0x3FB0] =	sst s0;
	s0 =	simm.s32 @!p1 $0x0  }
0x14: {  	s2 =	sld [smem:$0x3F94];
	s0 =	simm.s32 @p1 $0x1  }
0x15: {  	[smem:$0x3FB1] =	sst s0;
	s0 =	simm.s32 @!p2 $0x0  }
0x16: {  	s3 =	sld [smem:$0x3FDB];
	s0 =	simm.s32 @p2 $0x1  }
0x17: {  	s4 =	simm.s32 $0x1BF5;
	[smem:$0x3FB3] =	sst s0  }
0x18: {  	s0 =	sld [smem:$0x3F96];
	_ =	swait.ge [sflag:s4], $0x0  }
0x19: {  	s7 =	sld [smem:$0x3F97]  }
0x1a: {  	s8 =	sadd.s32 $0xFFFFE003, lr  }
0x1b: {  	s9 =	sadd.s32 $0xFFFFFEF7, lr;
	s5 =	simm.s32 $0xFFFFFFFF;
	p2 =	slt.u32 s8, $0xFFFFF086  }
0x1c: {  	p1 =	slt.u32 s9, $0xF7A;
	s5 =	simm.s32 @!p2 $0x0  }
0x1d: {  	s5 =	simm.s32 @p1 $0x1;
	p0 =	seq.s32 s7, s2  }
0x1e: {  	s7 =	smul.u32 @!p0 $0xF7A, s2;
	p2 =	seq.s32 @!p0 s5, $0x0  }
0x1f: {  	s9 =	smul.u32 $0xF7A, s1;
	s8 =	simm.s32 @!p0 $0x1BF5;
	p2 =	por !p2, p0  }
0x20: {  	[sflag:s8] =	ssyncset.s32 @!p0 $0xFFFFF086;
	s6 =	sadd.s32 @!p0 s3, s7;
	s7 =	simm.s32 @!p0 $0x108  }
0x21: {  	s3 =	sadd.s32 s3, s9;
	s6 =	sadd.s32 @!p0 $0x88, s6;
	s7 =	simm.s32 @p2 $0x1082  }
0x22: {  	[simem:s7], [sflag:s8] =	dma.local @!p0 [hbm:s6], $0xF7A  }
0x23: {  	s9 =	sor.u32 $0xD0000000, s2;
	s6 =	simm.s32 $0x108;
	_ =	swait.ge @!p0 [sflag:s8], $0x0  }
0x24: {  	s3 =	sadd.s32 $0x88, s3;
	s6 =	simm.s32 @!p1 $0x1082;
	[sflag:s4] =	ssyncset.s32 $0xFFFFF086  }
0x25: {  	[simem:s6], [sflag:s4] =	dma.local [hbm:s3], $0xF7A  }
0x26: {  	[smem:$0x3F97] =	sst s1;
	(tag) =	ssettag s2;
	_ =	strace s9  }
0x27: {  	s1 =	sld [smem:$0x3FA7]  }
0x28: {  	s2 =	sld [smem:$0x3FA8]  }
0x29: {  	s4 =	sld [smem:$0x3FAA]  }
0x2a: {  	p0 =	seq.s32 s5, $0x0;
	s5 =	sld [smem:$0x3FAB]  }
0x2b: {  	s6 =	sld [smem:$0x3FAC]  }
0x2c: {  	s7 =	sld [smem:$0x3FAD]  }
0x2d: {  	s3 =	simm.s32 $0x108;
	s8 =	sld [smem:$0x3FAE]  }
0x2e: {  	s3 =	simm.s32 @!p0 $0x1082;
	s9 =	sld [smem:$0x3FAF]  }
0x2f: {  	lr =	sadd.s32 s0, s3;
	s0 =	sld [smem:$0x3FA6]  }
0x30: {  	s3 =	sld [smem:$0x3FA9]  }
0x31: {  	[smem:$0x3FB2] =	sst s10  }
0x32: {  	s10 =	sld [smem:$0x3FB0];
	_ =	sdelay $0x3  }
0x33: {  	p0 =	seq.s32 s10, $0x1;
	s10 =	sld [smem:$0x3FB2];
	_ =	sdelay $0x3  }
0x34: {  	[smem:$0x3FB2] =	sst s10  }
0x35: {  	s10 =	sld [smem:$0x3FB1];
	_ =	sdelay $0x3  }
0x36: {  	p1 =	seq.s32 s10, $0x1;
	s10 =	sld [smem:$0x3FB2];
	_ =	sdelay $0x3  }
0x37: {  	[smem:$0x3FB2] =	sst s10  }
0x38: {  	s10 =	sld [smem:$0x3FB3]  }
0x39: {  	_ = 	snop;
	(pc) =	sbr.ind lr, $3  }
0x3a: {  	_ = 	snop  }
0x3b: {  	_ = 	snop  }
0x3c: {  	p2 =	seq.s32 s10, $0x1;
	s10 =	sld [smem:$0x3FB2]  }
0x3d: {  	_ =	shalt  }
0x3e: {  	_ =	shalt  }
0x3f: {  	_ =	shalt  }
0x40: {  	_ =	shalt  }
0x41: {  	_ =	shalt  }
0x42: {  	_ =	shalt  }
0x43: {  	_ =	shalt  }
0x44: {  	_ =	shalt  }
0x45: {  	_ =	shalt  }
0x46: {  	_ =	shalt  }
0x47: {  	_ =	shalt  }
0x48: {  	_ =	shalt  }
0x49: {  	_ =	shalt  }
0x4a: {  	_ =	shalt  }
0x4b: {  	_ =	shalt  }
0x4c: {  	_ =	shalt  }
0x4d: {  	_ =	shalt  }
0x4e: {  	_ =	shalt  }
0x4f: {  	_ =	shalt  }
0x50: {  	_ =	shalt  }
0x51: {  	_ =	shalt  }
0x52: {  	_ =	shalt  }
0x53: {  	_ =	shalt  }
0x54: {  	_ =	shalt  }
0x55: {  	_ =	shalt  }
0x56: {  	_ =	shalt  }
0x57: {  	_ =	shalt  }
0x58: {  	_ =	shalt  }
0x59: {  	_ =	shalt  }
0x5a: {  	_ =	shalt  }
0x5b: {  	_ =	shalt  }
0x5c: {  	_ =	shalt  }
0x5d: {  	_ =	shalt  }
0x5e: {  	_ =	shalt  }
0x5f: {  	_ =	shalt  }
0x60: {  	_ =	shalt  }
0x61: {  	_ =	shalt  }
0x62: {  	_ =	shalt  }
0x63: {  	_ =	shalt  }
0x64: {  	_ =	shalt  }
0x65: {  	_ =	shalt  }
0x66: {  	_ =	shalt  }
0x67: {  	_ =	shalt  }
0x68: {  	_ =	shalt  }
0x69: {  	_ =	shalt  }
0x6a: {  	_ =	shalt  }
0x6b: {  	_ =	shalt  }
0x6c: {  	_ =	shalt  }
0x6d: {  	_ =	shalt  }
0x6e: {  	_ =	shalt  }
0x6f: {  	_ =	shalt  }
0x70: {  	_ =	shalt  }
0x71: {  	_ =	shalt  }
0x72: {  	_ =	shalt  }
0x73: {  	_ =	shalt  }
0x74: {  	_ =	shalt  }
0x75: {  	_ =	shalt  }
0x76: {  	_ =	shalt  }
0x77: {  	_ =	shalt  }
0x78: {  	_ =	shalt  }
0x79: {  	_ =	shalt  }
0x7a: {  	_ =	shalt  }
0x7b: {  	_ =	shalt  }
0x7c: {  	_ =	shalt  }
0x7d: {  	_ =	shalt  }
0x7e: {  	_ =	shalt  }
0x7f: {  	_ =	shalt  }
0x80: {  	_ =	shalt  }
0x81: {  	_ =	shalt  }
0x82: {  	_ =	shalt  }
0x83: {  	_ =	shalt  }
0x84: {  	_ =	shalt  }
0x85: {  	_ =	shalt  }
0x86: {  	_ =	shalt  }
0x87: {  	_ =	shalt  }
.Lfunc_end0:
.L_simem_size_0:
called_computation_lowered:
.L_overlay_start_0:
0x88: {  	s2 =	sld [smem:$0x3FD9]  }
0x89: {  	s3 =	sld [smem:$0x3FFE];
	_ =	sdelay $0x1  }
0x8a: {  	s1 =	srdreg.scid  }
0x8b: {  	s0 =	sand.u32 $0x1, s1  }
0x8c: {  	s17 =	sshll.u32 s0, $0xA;
	s2 =	sadd.s32 s3, s2  }
0x8d: {  	s2 =	sadd.s32 s2, s17  }
0x8e: {  	[smem:$0x3FBE] =	sst s2  }
0x8f: {  	_ = 	snop  }
0x90: {  	s2 =	sld [smem:$0x3FD0];
	(tm) =	ssettm $0x1  }
0x91: {  	s18 =	sld [smem:$0x3FFB];
	_ =	sdelay $0x3  }
0x92: {  	_ =	strace s18  }
0x93: {  	s3 =	sld [smem:$0x3FFC];
	_ =	sdelay $0x3  }
0x94: {  	_ =	strace s3  }
0x95: {  	s3 =	sld [smem:$0x3FFD];
	_ =	sdelay $0x3  }
0x96: {  	_ =	strace s3  }
0x97: {  	_ =	strace $0x8FFFFFFF  }
0x98: {  	s19 =	sld [smem:$0x3FDB];
	_ =	sdelay $0x1  }
0x99: {  	s4 =	simm.s32 $_scs_section_size  }
0x9a: {  	s5 =	simm.s32 $_size__tile_overlayer_lowered;
	s6 =	simm.s32 $_tile_overlayer_lowered  }
0x9b: {  	s22 =	simm.s32 $0x1BFF;
	s21 =	sshll.u32 s6, $0x1;
	s3 =	sadd.s32 s4, s19  }
0x9c: {  	s7 =	simm.s32 $0x0;
	s20 =	sshll.u32 s5, $0x1;
	s5 =	sadd.s32 s21, s3  }
0x9d: {  	[timem:s7], [sflag:s22] =	dma.local [hbm:s5], s20  }
0x9e: {  	_ =	swait.ge [sflag:s22], s20  }
0x9f: {  	s4 =	ssub.s32 $0x0, s20;
	[sflag:s22] =	ssyncset.done $0x0  }
0xa0: {  	[sflag:s22] =	ssyncadd.s32 s4;
	_ =	sdelay $0x1  }
0xa1: {  	s23 =	simm.s32 $0x1B8B  }
0xa2: {  	_ =	swait.ge [sflag:s23], $0x1  }
0xa3: {  	[sflag:s23] =	ssyncset.done $0x0  }
0xa4: {  	s25 =	simm.s32 $0x1B8E;
	s24 =	sld [smem:$0x3FFE];
	[sflag:s23] =	ssyncadd.s32 $0xFFFFFFFF  }
0xa5: {  	s26 =	simm.s32 $execute0_lowered;
	[smem:$0x3FD2] =	sst s25  }
0xa6: {  	s5 =	sshll.u32 s26, $0x1;
	_ =	strace $0x80000046;
	[dreg:$0x1] =	wrdreg $0xFFFFFFFF  }
0xa7: {  	s28 =	simm.s32 $_size_execute0_lowered;
	s3 =	sadd.s32 s3, s5;
	[dreg:$0x0] =	wrdreg $0x0  }
0xa8: {  	s5 =	sshll.u32 s28, $0x1;
	[dreg:$0x2] =	wrdreg s3  }
0xa9: {  	[dreg:$0x3] =	wrdreg s5  }
0xaa: {  	[dreg:$0x4] =	wrdreg $0xC0  }
0xab: {  	_ =	task [dreg:s7], $0x5FFFF  }
0xac: {  	[dreg:$0x1] =	wrdreg $0xFFFFFFFF  }
0xad: {  	[dreg:$0x0] =	wrdreg $0x60  }
0xae: {  	[dreg:$0x2] =	wrdreg s2  }
0xaf: {  	[dreg:$0x3] =	wrdreg s24  }
0xb0: {  	[dreg:$0x4] =	wrdreg $0x9  }
0xb1: {  	_ =	task.clear_ibuf [dreg:s7], $0x5FFFF;
	_ =	strace $0x90000046  }
0xb2: {  	s29 =	simm.s32 $0x9;
	_ =	strace $0x80000048  }
0xb3: {  	_ =	swait.ge [sflag:s29], $0x1  }
0xb4: {  	[sflag:s29] =	ssyncadd.s32 $0xFFFFFFFF  }
0xb5: {  	_ =	strace $0x90000048  }
0xb6: {  	_ =	sfence  }
0xb7: {  	s30 =	sld [smem:$0x0];
	_ =	sdelay $0x2  }
0xb8: {  	s31 =	sshll.u32 s1, $0xD;
	s1 =	sshrl.u32 s1, $0x2  }
0xb9: {  	s3 =	sand.u32 $0x4000, s31;
	s1 =	sadd.s32 s1, s30  }
0xba: {  	s0 =	sor.u32 s3, s0;
	s1 =	sshll.u32 s1, $0x11  }
0xbb: {  	s0 =	sor.u32 s1, s0  }
0xbc: {  	s0 =	sadd.s32 $0x8F2B, s0  }
0xbd: {  	[sflag:s0] =	ssyncadd.remote.s32 $0x1  }
0xbe: {  	_ =	sfence.sel $0xFFFF  }
0xbf: {  	[dreg:$0x0] =	wrdreg $0xFFFFFFFF;
	(pc) =	sbr.abs _section_cstart, $3  }
0xc0: {  	[dreg:$0x1] =	wrdreg $0xFFFFFFFF  }
0xc1: {  	_ =	task.clear_ibuf [dreg:s7], $0x2FFFF;
	_ =	strace $0x9FFFFFFF  }
0xc2: {  	(tm) =	ssettm $0x7FFFFFFF  }
0xc3: {  	_ =	shalt  }
tec
execute0_lowered:
.L_overlay_start_1:
0x0: {  	(tag) =	ssettag $0x1  }
0x1: {  	s2 =	rddreg [dreg:$0x0]  }
0x2: {  	s4 =	rddreg [dreg:$0x1]  }
0x3: {  	s0 =	rddreg [dreg:$0x2];
	s1 =	stileid.u32  }
0x4: {  	s6 =	srdreg.scid;
	s5 =	smul.u32 $0x500, s1  }
0x5: {  	s3 =	simm.s32 $0x0;
	s13 =	simm.s32 $0x2;
	s7 =	smul.u32 $0xA000, s1  }
0x6: {  	s14 =	simm.s32 $0x3;
	s6 =	sand.u32 $0x1, s6;
	s12 =	smul.u32 $0x50, s1  }
0x7: {  	s15 =	simm.s32 $0x0;
	[smem:$0x7FF] =	sst s3;
	s8 =	smul.u32 $0x5000, s6  }
0x8: {  	_ =	strace $0x80000047;
	s9 =	ssub.s32 $0x2, s6;
	s10 =	smul.u32 $0x280, s6  }
0x9: {  	s28 =	smul.u32 $0x28, s6;
	s5 =	sadd.s32 s5, s4;
	s11 =	sshrl.u32 s9, $0x1  }
.Ltmp0:
0xa: {  	s7 =	sadd.s32 s7, s4;
	s26 =	ssub.s32 s9, s11;
	(pc) =	sbr.rel .LBB2_1-.Ltmp0, $4  }
0xb: {  	s29 =	sadd.s32 s8, s7;
	s30 =	sadd.s32 s10, s5;
	s31 =	sadd.s32 s28, s12  }
0xc: {  	s8 =	simm.s32 $0x380;
	s9 =	simm.s32 $0x1;
	s10 =	simm.s32 $0x80  }
0xd: {  	s11 =	simm.s32 $0x400;
	s12 =	simm.s32 $0x1400;
	s4 =	smax.u32 s26, $0x1  }
0xe: {  	s5 =	sadd.s32 $0xC800, s29;
	s6 =	sadd.s32 $0x7820, s30;
	s7 =	sor.u32 $0x7, s31  }
.LBB2_7:
0xf: {  	s15 =	sadd.s32 $0x1, s15  }
0x10: {  	p0 =	sne.s32 s15, s4  }
.Ltmp1:
0x11: {  	_ = 	snop;
	(pc) =	sbr.rel @!p0 .LBB2_8-.Ltmp1, $1  }
0x12: {  	_ =	sdelay $0x3  }
.LBB2_1:
.Ltmp2:
0x13: {  	(pc) =	sbr.rel .LBB2_2-.Ltmp2, $2  }
0x14: {  	_ =	sdelay $0x2  }
0x15: {  	s16 =	smov.u32 s7;
	s17 =	smov.u32 s6;
	s18 =	simm.s32 $0x0  }
.LBB2_3:
0x16: {  	s19 =	sadd.s32 $0x70, s17  }
0x17: {  	[tilespmem:s8], [sflag:$0x1] =	stream.linear.gather [hbm4b:s19+s3], $0x80, $0x38;
	[tilespmem:$0x8400] =	vst v63  }
.LBB2_5:
0x18: {  	_ =	swait.ge [sflag:s9], $0x80  }
0x19: {  	[sflag:s9] =	ssyncset.done $0x0  }
0x1a: {  	[sflag:s9] =	ssyncadd.s32 $0xFFFFFF80  }
0x1b: {  	_ =	swait.ge [sflag:s9], $0x80  }
0x1c: {  	[sflag:s9] =	ssyncset.done $0x0  }
0x1d: {  	s19 =	simm.s32 @!p0 $0x1;
	[sflag:s9] =	ssyncadd.s32 $0xFFFFFF80  }
0x1e: {  	_ =	swait.ge @!p0 [sflag:s19], $0x80  }
0x1f: {  	[sflag:s19] =	ssyncset.done @!p0 $0x0  }
0x20: {  	[sflag:s19] =	ssyncadd.s32 @!p0 $0xFFFFFF80;
	s19 =	simm.s32 @!p1 $0x1  }
0x21: {  	_ =	swait.ge @!p1 [sflag:s19], $0x80  }
0x22: {  	[sflag:s19] =	ssyncset.done @!p1 $0x0  }
0x23: {  	[sflag:s19] =	ssyncadd.s32 @!p1 $0xFFFFFF80;
	s19 =	simm.s32 @!p2 $0x1  }
0x24: {  	_ =	swait.ge @!p2 [sflag:s19], $0x80  }
0x25: {  	[sflag:s19] =	ssyncset.done @!p2 $0x0  }
0x26: {  	[sflag:s19] =	ssyncadd.s32 @!p2 $0xFFFFFF80;
	s19 =	simm.s32 @!p3 $0x1  }
0x27: {  	_ =	swait.ge @!p3 [sflag:s19], $0x80  }
0x28: {  	[sflag:s19] =	ssyncset.done @!p3 $0x0  }
0x29: {  	[sflag:s19] =	ssyncadd.s32 @!p3 $0xFFFFFF80;
	s19 =	simm.s32 @!p4 $0x1  }
0x2a: {  	_ =	swait.ge @!p4 [sflag:s19], $0x80  }
0x2b: {  	[sflag:s19] =	ssyncset.done @!p4 $0x0  }
0x2c: {  	[sflag:s19] =	ssyncadd.s32 @!p4 $0xFFFFFF80;
	s19 =	simm.s32 @!p5 $0x1  }
0x2d: {  	_ =	swait.ge @!p5 [sflag:s19], $0x80  }
0x2e: {  	[sflag:s19] =	ssyncset.done @!p5 $0x0  }
0x2f: {  	[sflag:s19] =	ssyncadd.s32 @!p5 $0xFFFFFF80  }
0x30: {  	[tilespmem:s11], [sflag:$0x2] =	stream.indirect.gather [hbm4b:s2+s10], $0x20, s3, s10, $0xb8;
	[tilespmem:$0x8400] =	vst v63  }
0x31: {  	_ = 	snop  }
0x32: {  	[tilespmem:s12], [sflag:$0x2] =	stream.indirect.gather [hbm4b:s2+s10], $0x20, s10, s10, $0xb8;
	[tilespmem:$0x8400] =	vst v63  }
0x33: {  	s20 =	simm.s32 @!p0 $0x100;
	s21 =	simm.s32 @!p0 $0x2400;
	s19 =	simm.s32 @!p0 $0x80  }
0x34: {  	[tilespmem:s21], [sflag:$0x2] =	stream.indirect.gather @!p0 [hbm4b:s2+s19], $0x20, s20, s19, $0xb8;
	[tilespmem:$0x8400] =	vst v63  }
0x35: {  	s22 =	simm.s32 @!p1 $0x3400;
	s19 =	simm.s32 @!p1 $0x80;
	s20 =	simm.s32 @!p1 $0x180  }
0x36: {  	[tilespmem:s22], [sflag:$0x2] =	stream.indirect.gather @!p1 [hbm4b:s2+s19], $0x20, s20, s19, $0xb8;
	[tilespmem:$0x8400] =	vst v63  }
0x37: {  	s23 =	simm.s32 @!p2 $0x4400;
	s19 =	simm.s32 @!p2 $0x80;
	s20 =	simm.s32 @!p2 $0x200  }
0x38: {  	[tilespmem:s23], [sflag:$0x2] =	stream.indirect.gather @!p2 [hbm4b:s2+s19], $0x20, s20, s19, $0xb8;
	[tilespmem:$0x8400] =	vst v63  }
0x39: {  	s24 =	simm.s32 @!p3 $0x5400;
	s19 =	simm.s32 @!p3 $0x80;
	s20 =	simm.s32 @!p3 $0x280  }
0x3a: {  	[tilespmem:s24], [sflag:$0x2] =	stream.indirect.gather @!p3 [hbm4b:s2+s19], $0x20, s20, s19, $0xb8;
	[tilespmem:$0x8400] =	vst v63  }
0x3b: {  	s25 =	simm.s32 @!p4 $0x6400;
	s19 =	simm.s32 @!p4 $0x80;
	s20 =	simm.s32 @!p4 $0x300  }
0x3c: {  	[tilespmem:s25], [sflag:$0x2] =	stream.indirect.gather @!p4 [hbm4b:s2+s19], $0x20, s20, s19, $0xb8;
	[tilespmem:$0x8400] =	vst v63  }
0x3d: {  	s26 =	simm.s32 @!p5 $0x7400;
	s19 =	simm.s32 @!p5 $0x80;
	s20 =	simm.s32 @!p5 $0x380  }
0x3e: {  	[tilespmem:s26], [sflag:$0x2] =	stream.indirect.gather @!p5 [hbm4b:s2+s19], $0x20, s20, s19, $0xb8;
	[tilespmem:$0x8400] =	vst v63  }
0x3f: {  	_ =	swait.ge [sflag:s13], $0x1000  }
0x40: {  	[sflag:s13] =	ssyncset.done $0x0  }
0x41: {  	[sflag:s13] =	ssyncadd.s32 $0xFFFFF000  }
0x42: {  	_ =	swait.ge [sflag:s13], $0x1000  }
0x43: {  	[sflag:s13] =	ssyncset.done $0x0  }
0x44: {  	s19 =	simm.s32 @!p0 $0x2;
	[sflag:s13] =	ssyncadd.s32 $0xFFFFF000  }
0x45: {  	_ =	swait.ge @!p0 [sflag:s19], $0x1000  }
0x46: {  	[sflag:s19] =	ssyncset.done @!p0 $0x0  }
0x47: {  	[sflag:s19] =	ssyncadd.s32 @!p0 $0xFFFFF000;
	s19 =	simm.s32 @!p1 $0x2  }
0x48: {  	_ =	swait.ge @!p1 [sflag:s19], $0x1000  }
0x49: {  	[sflag:s19] =	ssyncset.done @!p1 $0x0  }
0x4a: {  	[sflag:s19] =	ssyncadd.s32 @!p1 $0xFFFFF000;
	s19 =	simm.s32 @!p2 $0x2  }
0x4b: {  	_ =	swait.ge @!p2 [sflag:s19], $0x1000  }
0x4c: {  	[sflag:s19] =	ssyncset.done @!p2 $0x0  }
0x4d: {  	[sflag:s19] =	ssyncadd.s32 @!p2 $0xFFFFF000;
	s19 =	simm.s32 @!p3 $0x2  }
0x4e: {  	_ =	swait.ge @!p3 [sflag:s19], $0x1000  }
0x4f: {  	[sflag:s19] =	ssyncset.done @!p3 $0x0  }
0x50: {  	[sflag:s19] =	ssyncadd.s32 @!p3 $0xFFFFF000;
	s19 =	simm.s32 @!p4 $0x2  }
0x51: {  	_ =	swait.ge @!p4 [sflag:s19], $0x1000  }
0x52: {  	[sflag:s19] =	ssyncset.done @!p4 $0x0  }
0x53: {  	[sflag:s19] =	ssyncadd.s32 @!p4 $0xFFFFF000;
	s19 =	simm.s32 @!p5 $0x2  }
0x54: {  	_ =	swait.ge @!p5 [sflag:s19], $0x1000  }
0x55: {  	[sflag:s19] =	ssyncset.done @!p5 $0x0  }
0x56: {  	s31 =	sadd.s32 s18, s5;
	[sflag:s19] =	ssyncadd.s32 @!p5 $0xFFFFF000  }
0x57: {  	[hbm4b:s31+s3] =	stream.linear.scatter [tilespmem:s11], [sflag:$0x3], $0x1000, $0x38;
	[tilespmem:$0x8400] =	vst v63  }
0x58: {  	s19 =	sadd.s32 $0x200, s31  }
0x59: {  	[hbm4b:s19+s3] =	stream.linear.scatter [tilespmem:s12], [sflag:$0x3], $0x1000, $0x38;
	[tilespmem:$0x8400] =	vst v63  }
0x5a: {  	s19 =	sadd.s32 @!p0 s18, s5  }
0x5b: {  	s20 =	simm.s32 @!p0 $0x0;
	s19 =	sadd.s32 @!p0 $0x400, s19  }
0x5c: {  	[hbm4b:s19+s20] =	stream.linear.scatter @!p0 [tilespmem:s21], [sflag:$0x3], $0x1000, $0x38;
	[tilespmem:$0x8400] =	vst v63  }
0x5d: {  	s19 =	sadd.s32 @!p1 s18, s5  }
0x5e: {  	s20 =	simm.s32 @!p1 $0x0;
	s19 =	sadd.s32 @!p1 $0x600, s19  }
0x5f: {  	[hbm4b:s19+s20] =	stream.linear.scatter @!p1 [tilespmem:s22], [sflag:$0x3], $0x1000, $0x38;
	[tilespmem:$0x8400] =	vst v63  }
0x60: {  	s19 =	sadd.s32 @!p2 s18, s5  }
0x61: {  	s20 =	simm.s32 @!p2 $0x0;
	s19 =	sadd.s32 @!p2 $0x800, s19  }
0x62: {  	[hbm4b:s19+s20] =	stream.linear.scatter @!p2 [tilespmem:s23], [sflag:$0x3], $0x1000, $0x38;
	[tilespmem:$0x8400] =	vst v63  }
0x63: {  	s19 =	sadd.s32 @!p3 s18, s5  }
0x64: {  	s20 =	simm.s32 @!p3 $0x0;
	s19 =	sadd.s32 @!p3 $0xA00, s19  }
0x65: {  	[hbm4b:s19+s20] =	stream.linear.scatter @!p3 [tilespmem:s24], [sflag:$0x3], $0x1000, $0x38;
	[tilespmem:$0x8400] =	vst v63  }
0x66: {  	s19 =	sadd.s32 @!p4 s18, s5  }
0x67: {  	s20 =	simm.s32 @!p4 $0x0;
	s19 =	sadd.s32 @!p4 $0xC00, s19  }
0x68: {  	[hbm4b:s19+s20] =	stream.linear.scatter @!p4 [tilespmem:s25], [sflag:$0x3], $0x1000, $0x38;
	[tilespmem:$0x8400] =	vst v63  }
0x69: {  	s19 =	sadd.s32 @!p5 s18, s5  }
0x6a: {  	s20 =	simm.s32 @!p5 $0x0;
	s19 =	sadd.s32 @!p5 $0xE00, s19  }
0x6b: {  	[hbm4b:s19+s20] =	stream.linear.scatter @!p5 [tilespmem:s26], [sflag:$0x3], $0x1000, $0x38;
	[tilespmem:$0x8400] =	vst v63  }
0x6c: {  	_ =	swait.ge [sflag:s14], $0x1000  }
0x6d: {  	[sflag:s14] =	ssyncset.done $0x0  }
0x6e: {  	[sflag:s14] =	ssyncadd.s32 $0xFFFFF000  }
0x6f: {  	_ =	swait.ge [sflag:s14], $0x1000  }
0x70: {  	[sflag:s14] =	ssyncset.done $0x0  }
0x71: {  	s19 =	simm.s32 @!p0 $0x3;
	[sflag:s14] =	ssyncadd.s32 $0xFFFFF000  }
0x72: {  	_ =	swait.ge @!p0 [sflag:s19], $0x1000  }
0x73: {  	[sflag:s19] =	ssyncset.done @!p0 $0x0  }
0x74: {  	[sflag:s19] =	ssyncadd.s32 @!p0 $0xFFFFF000;
	s19 =	simm.s32 @!p1 $0x3  }
0x75: {  	_ =	swait.ge @!p1 [sflag:s19], $0x1000  }
0x76: {  	[sflag:s19] =	ssyncset.done @!p1 $0x0  }
0x77: {  	[sflag:s19] =	ssyncadd.s32 @!p1 $0xFFFFF000;
	s19 =	simm.s32 @!p2 $0x3  }
0x78: {  	_ =	swait.ge @!p2 [sflag:s19], $0x1000  }
0x79: {  	[sflag:s19] =	ssyncset.done @!p2 $0x0  }
0x7a: {  	[sflag:s19] =	ssyncadd.s32 @!p2 $0xFFFFF000;
	s19 =	simm.s32 @!p3 $0x3  }
0x7b: {  	_ =	swait.ge @!p3 [sflag:s19], $0x1000  }
0x7c: {  	[sflag:s19] =	ssyncset.done @!p3 $0x0  }
0x7d: {  	[sflag:s19] =	ssyncadd.s32 @!p3 $0xFFFFF000;
	s19 =	simm.s32 @!p4 $0x3  }
0x7e: {  	_ =	swait.ge @!p4 [sflag:s19], $0x1000  }
0x7f: {  	[sflag:s19] =	ssyncset.done @!p4 $0x0  }
0x80: {  	[sflag:s19] =	ssyncadd.s32 @!p4 $0xFFFFF000;
	s19 =	simm.s32 @!p5 $0x3  }
0x81: {  	_ =	swait.ge @!p5 [sflag:s19], $0x1000  }
0x82: {  	[sflag:s19] =	ssyncset.done @!p5 $0x0  }
0x83: {  	[sflag:s19] =	ssyncadd.s32 @!p5 $0xFFFFF000  }
.LBB2_6:
0x84: {  	s18 =	sadd.s32 $0x1000, s18  }
0x85: {  	p0 =	sne.s32 s18, $0x5000  }
.Ltmp3:
0x86: {  	_ = 	snop;
	(pc) =	sbr.rel @!p0 .LBB2_7-.Ltmp3, $2  }
0x87: {  	_ =	sdelay $0x2  }
0x88: {  	s17 =	sadd.s32 $0x80, s17;
	s16 =	sadd.s32 $0x8, s16  }
.LBB2_2:
0x89: {  	s19 =	sadd.s32 $0xFFFFFFF9, s16;
	s26 =	sadd.s32 $0xFFFFFFFB, s16  }
0x8a: {  	s28 =	sadd.s32 $0xFFFFFFFC, s16;
	s29 =	sadd.s32 $0xFFFFFFFD, s16;
	s30 =	sadd.s32 $0xFFFFFFFE, s16  }
0x8b: {  	s31 =	sadd.s32 $0xFFFFFFFF, s16;
	p5 =	sgt.u32 s16, $0x4E1;
	p6 =	sgt.u32 s19, $0x4E1  }
0x8c: {  	p0 =	sgt.u32 s26, $0x4E1;
	p1 =	sgt.u32 s28, $0x4E1;
	s19 =	simm.s32 @!p6 $0x0  }
0x8d: {  	[tilespmem:s19], [sflag:$0x1] =	stream.linear.gather @!p6 [hbm4b:s17+s19], $0x80, $0x38;
	[tilespmem:$0x8400] =	vst v63  }
0x8e: {  	p2 =	sgt.u32 s29, $0x4E1;
	s20 =	sadd.s32 @!p6 $0x10, s17;
	s21 =	simm.s32 @!p6 $0x80  }
0x8f: {  	[tilespmem:s21], [sflag:$0x1] =	stream.linear.gather @!p6 [hbm4b:s20+s19], $0x80, $0x38;
	[tilespmem:$0x8400] =	vst v63  }
0x90: {  	s19 =	sadd.s32 @!p0 $0x20, s17;
	s20 =	simm.s32 @!p0 $0x0;
	s21 =	simm.s32 @!p0 $0x100  }
0x91: {  	[tilespmem:s21], [sflag:$0x1] =	stream.linear.gather @!p0 [hbm4b:s19+s20], $0x80, $0x38;
	[tilespmem:$0x8400] =	vst v63  }
0x92: {  	s19 =	sadd.s32 @!p1 $0x30, s17;
	s20 =	simm.s32 @!p1 $0x0;
	s21 =	simm.s32 @!p1 $0x180  }
0x93: {  	[tilespmem:s21], [sflag:$0x1] =	stream.linear.gather @!p1 [hbm4b:s19+s20], $0x80, $0x38;
	[tilespmem:$0x8400] =	vst v63  }
0x94: {  	s19 =	sadd.s32 @!p2 $0x40, s17;
	s20 =	simm.s32 @!p2 $0x0;
	s21 =	simm.s32 @!p2 $0x200  }
0x95: {  	[tilespmem:s21], [sflag:$0x1] =	stream.linear.gather @!p2 [hbm4b:s19+s20], $0x80, $0x38;
	[tilespmem:$0x8400] =	vst v63  }
.Ltmp4:
0x96: {  	p3 =	sgt.u32 s30, $0x4E1;
	p4 =	sgt.u32 s31, $0x4E1;
	(pc) =	sbr.rel @!p5 .LBB2_3-.Ltmp4, $4  }
0x97: {  	s19 =	sadd.s32 @!p3 $0x50, s17;
	s20 =	simm.s32 @!p3 $0x0;
	s21 =	simm.s32 @!p3 $0x280  }
0x98: {  	[tilespmem:s21], [sflag:$0x1] =	stream.linear.gather @!p3 [hbm4b:s19+s20], $0x80, $0x38;
	[tilespmem:$0x8400] =	vst v63  }
0x99: {  	s19 =	sadd.s32 @!p4 $0x60, s17;
	s20 =	simm.s32 @!p4 $0x0;
	s21 =	simm.s32 @!p4 $0x300  }
0x9a: {  	[tilespmem:s21], [sflag:$0x1] =	stream.linear.gather @!p4 [hbm4b:s19+s20], $0x80, $0x38;
	[tilespmem:$0x8400] =	vst v63  }
.Ltmp5:
0x9b: {  	(pc) =	sbr.rel @p6 .LBB2_6-.Ltmp5, $4  }
.Ltmp6:
0x9c: {  	(pc) =	sbr.rel @!p6 .LBB2_5-.Ltmp6, $4  }
0x9d: {  	_ = 	snop  }
0x9e: {  	_ = 	snop  }
0x9f: {  	_ = 	snop  }
0xa0: {  	_ = 	snop  }
.LBB2_8:
0xa1: {  	_ =	sfence.sel $0x180000  }
0xa2: {  	[bflag:$0x0] =	sbarrier.arrive $0xFFFF  }
0xa3: {  	p0 =	sne.s32 s1, $0x0;
	_ =	strace $0x90000047  }
0xa4: {  	s0 =	sadd.s32 @!p0 $0x100000, s0;
	[bflag:$0x2] =	sbarrier.arrive $0xFFFF  }
0xa5: {  	[sflag:s0] =	ssyncadd.tile.s32 @!p0 $0x1;
	_ =	shalt  }
.Lfunc_end2:
_tile_overlayer_lowered:
.L_overlay_start_2:
0xa6: {  	(tag) =	ssettag $0x2  }
0xa7: {  	s0 =	rddreg [dreg:$0x0];
	s2 =	stileid.u32  }
0xa8: {  	s1 =	rddreg [dreg:$0x1];
	p0 =	sne.s32 s2, $0x0  }
0xa9: {  	s3 =	rddreg [dreg:$0x2];
	[bflag:$0x3] =	sbarrier.arrive $0xFFFF;
	s2 =	simm.s32 @!p0 $0x1C04  }
0xaa: {  	[timem:s3], [sflag:s2] =	dma.local @!p0 [hbm:s0], s1  }
0xab: {  	s0 =	simm.s32 @!p0 $0x4  }
0xac: {  	_ =	swait.ge @!p0 [sflag:s0], s1  }
0xad: {  	s1 =	ssub.s32 @!p0 $0x0, s1;
	[sflag:s0] =	ssyncset.done @!p0 $0x0  }
0xae: {  	[sflag:s0] =	ssyncadd.s32 @!p0 s1  }
0xaf: {  	[bflag:$0x3] =	sbarrier.arrive $0xFFFF  }
0xb0: {  	_ =	shalt  }

// kernel: kernel.9.cloned.1.call-start
scs
__scs_entry_jumppad:
0x0: {  	(pc) =	sbr.rel $0x88, $3  }
0x1: {  	(tag) =	ssettag $0x0;
	lr =	simm.s32 $0x1  }
0x2: {  	[smem:$0x3F97] =	sst lr;
	_ =	strace $0xD0000000  }
0x3: {  	_ = 	snop  }
0x4: {  	_ = 	snop  }
0x5: {  	_ = 	snop  }
0x6: {  	_ = 	snop  }
0x7: {  	_ = 	snop  }
__scs_overlays_trampoline_lowered:
0x8: {  	[smem:$0x3FA6] =	sst s0  }
0x9: {  	[smem:$0x3FA7] =	sst s1  }
0xa: {  	[smem:$0x3FA8] =	sst s2  }
0xb: {  	[smem:$0x3FA9] =	sst s3  }
0xc: {  	[smem:$0x3FAA] =	sst s4  }
0xd: {  	[smem:$0x3FAB] =	sst s5  }
0xe: {  	[smem:$0x3FAC] =	sst s6  }
0xf: {  	[smem:$0x3FAD] =	sst s7  }
0x10: {  	[smem:$0x3FAE] =	sst s8  }
0x11: {  	[smem:$0x3FAF] =	sst s9;
	s0 =	simm.s32 @!p0 $0x0  }
0x12: {  	s1 =	sld [smem:$0x3F95];
	s0 =	simm.s32 @p0 $0x1  }
0x13: {  	[smem:$0x3FB0] =	sst s0;
	s0 =	simm.s32 @!p1 $0x0  }
0x14: {  	s2 =	sld [smem:$0x3F94];
	s0 =	simm.s32 @p1 $0x1  }
0x15: {  	[smem:$0x3FB1] =	sst s0;
	s0 =	simm.s32 @!p2 $0x0  }
0x16: {  	s3 =	sld [smem:$0x3FDB];
	s0 =	simm.s32 @p2 $0x1  }
0x17: {  	s4 =	simm.s32 $0x1BF5;
	[smem:$0x3FB3] =	sst s0  }
0x18: {  	s0 =	sld [smem:$0x3F96];
	_ =	swait.ge [sflag:s4], $0x0  }
0x19: {  	s7 =	sld [smem:$0x3F97]  }
0x1a: {  	s8 =	sadd.s32 $0xFFFFE003, lr  }
0x1b: {  	s9 =	sadd.s32 $0xFFFFFEF7, lr;
	s5 =	simm.s32 $0xFFFFFFFF;
	p2 =	slt.u32 s8, $0xFFFFF086  }
0x1c: {  	p1 =	slt.u32 s9, $0xF7A;
	s5 =	simm.s32 @!p2 $0x0  }
0x1d: {  	s5 =	simm.s32 @p1 $0x1;
	p0 =	seq.s32 s7, s2  }
0x1e: {  	s7 =	smul.u32 @!p0 $0xF7A, s2;
	p2 =	seq.s32 @!p0 s5, $0x0  }
0x1f: {  	s9 =	smul.u32 $0xF7A, s1;
	s8 =	simm.s32 @!p0 $0x1BF5;
	p2 =	por !p2, p0  }
0x20: {  	[sflag:s8] =	ssyncset.s32 @!p0 $0xFFFFF086;
	s6 =	sadd.s32 @!p0 s3, s7;
	s7 =	simm.s32 @!p0 $0x108  }
0x21: {  	s3 =	sadd.s32 s3, s9;
	s6 =	sadd.s32 @!p0 $0x88, s6;
	s7 =	simm.s32 @p2 $0x1082  }
0x22: {  	[simem:s7], [sflag:s8] =	dma.local @!p0 [hbm:s6], $0xF7A  }
0x23: {  	s9 =	sor.u32 $0xD0000000, s2;
	s6 =	simm.s32 $0x108;
	_ =	swait.ge @!p0 [sflag:s8], $0x0  }
0x24: {  	s3 =	sadd.s32 $0x88, s3;
	s6 =	simm.s32 @!p1 $0x1082;
	[sflag:s4] =	ssyncset.s32 $0xFFFFF086  }
0x25: {  	[simem:s6], [sflag:s4] =	dma.local [hbm:s3], $0xF7A  }
0x26: {  	[smem:$0x3F97] =	sst s1;
	(tag) =	ssettag s2;
	_ =	strace s9  }
0x27: {  	s1 =	sld [smem:$0x3FA7]  }
0x28: {  	s2 =	sld [smem:$0x3FA8]  }
0x29: {  	s4 =	sld [smem:$0x3FAA]  }
0x2a: {  	p0 =	seq.s32 s5, $0x0;
	s5 =	sld [smem:$0x3FAB]  }
0x2b: {  	s6 =	sld [smem:$0x3FAC]  }
0x2c: {  	s7 =	sld [smem:$0x3FAD]  }
0x2d: {  	s3 =	simm.s32 $0x108;
	s8 =	sld [smem:$0x3FAE]  }
0x2e: {  	s3 =	simm.s32 @!p0 $0x1082;
	s9 =	sld [smem:$0x3FAF]  }
0x2f: {  	lr =	sadd.s32 s0, s3;
	s0 =	sld [smem:$0x3FA6]  }
0x30: {  	s3 =	sld [smem:$0x3FA9]  }
0x31: {  	[smem:$0x3FB2] =	sst s10  }
0x32: {  	s10 =	sld [smem:$0x3FB0];
	_ =	sdelay $0x3  }
0x33: {  	p0 =	seq.s32 s10, $0x1;
	s10 =	sld [smem:$0x3FB2];
	_ =	sdelay $0x3  }
0x34: {  	[smem:$0x3FB2] =	sst s10  }
0x35: {  	s10 =	sld [smem:$0x3FB1];
	_ =	sdelay $0x3  }
0x36: {  	p1 =	seq.s32 s10, $0x1;
	s10 =	sld [smem:$0x3FB2];
	_ =	sdelay $0x3  }
0x37: {  	[smem:$0x3FB2] =	sst s10  }
0x38: {  	s10 =	sld [smem:$0x3FB3]  }
0x39: {  	_ = 	snop;
	(pc) =	sbr.ind lr, $3  }
0x3a: {  	_ = 	snop  }
0x3b: {  	_ = 	snop  }
0x3c: {  	p2 =	seq.s32 s10, $0x1;
	s10 =	sld [smem:$0x3FB2]  }
0x3d: {  	_ =	shalt  }
0x3e: {  	_ =	shalt  }
0x3f: {  	_ =	shalt  }
0x40: {  	_ =	shalt  }
0x41: {  	_ =	shalt  }
0x42: {  	_ =	shalt  }
0x43: {  	_ =	shalt  }
0x44: {  	_ =	shalt  }
0x45: {  	_ =	shalt  }
0x46: {  	_ =	shalt  }
0x47: {  	_ =	shalt  }
0x48: {  	_ =	shalt  }
0x49: {  	_ =	shalt  }
0x4a: {  	_ =	shalt  }
0x4b: {  	_ =	shalt  }
0x4c: {  	_ =	shalt  }
0x4d: {  	_ =	shalt  }
0x4e: {  	_ =	shalt  }
0x4f: {  	_ =	shalt  }
0x50: {  	_ =	shalt  }
0x51: {  	_ =	shalt  }
0x52: {  	_ =	shalt  }
0x53: {  	_ =	shalt  }
0x54: {  	_ =	shalt  }
0x55: {  	_ =	shalt  }
0x56: {  	_ =	shalt  }
0x57: {  	_ =	shalt  }
0x58: {  	_ =	shalt  }
0x59: {  	_ =	shalt  }
0x5a: {  	_ =	shalt  }
0x5b: {  	_ =	shalt  }
0x5c: {  	_ =	shalt  }
0x5d: {  	_ =	shalt  }
0x5e: {  	_ =	shalt  }
0x5f: {  	_ =	shalt  }
0x60: {  	_ =	shalt  }
0x61: {  	_ =	shalt  }
0x62: {  	_ =	shalt  }
0x63: {  	_ =	shalt  }
0x64: {  	_ =	shalt  }
0x65: {  	_ =	shalt  }
0x66: {  	_ =	shalt  }
0x67: {  	_ =	shalt  }
0x68: {  	_ =	shalt  }
0x69: {  	_ =	shalt  }
0x6a: {  	_ =	shalt  }
0x6b: {  	_ =	shalt  }
0x6c: {  	_ =	shalt  }
0x6d: {  	_ =	shalt  }
0x6e: {  	_ =	shalt  }
0x6f: {  	_ =	shalt  }
0x70: {  	_ =	shalt  }
0x71: {  	_ =	shalt  }
0x72: {  	_ =	shalt  }
0x73: {  	_ =	shalt  }
0x74: {  	_ =	shalt  }
0x75: {  	_ =	shalt  }
0x76: {  	_ =	shalt  }
0x77: {  	_ =	shalt  }
0x78: {  	_ =	shalt  }
0x79: {  	_ =	shalt  }
0x7a: {  	_ =	shalt  }
0x7b: {  	_ =	shalt  }
0x7c: {  	_ =	shalt  }
0x7d: {  	_ =	shalt  }
0x7e: {  	_ =	shalt  }
0x7f: {  	_ =	shalt  }
0x80: {  	_ =	shalt  }
0x81: {  	_ =	shalt  }
0x82: {  	_ =	shalt  }
0x83: {  	_ =	shalt  }
0x84: {  	_ =	shalt  }
0x85: {  	_ =	shalt  }
0x86: {  	_ =	shalt  }
0x87: {  	_ =	shalt  }
.Lfunc_end0:
.L_simem_size_0:
called_computation.1_lowered:
.L_overlay_start_0:
0x88: {  	s2 =	sld [smem:$0x3FD9]  }
0x89: {  	s3 =	sld [smem:$0x3FFE];
	_ =	sdelay $0x1  }
0x8a: {  	s1 =	srdreg.scid  }
0x8b: {  	s0 =	sand.u32 $0x1, s1  }
0x8c: {  	s17 =	sshll.u32 s0, $0xA;
	s2 =	sadd.s32 s3, s2  }
0x8d: {  	s2 =	sadd.s32 s2, s17  }
0x8e: {  	[smem:$0x3FBE] =	sst s2  }
0x8f: {  	_ = 	snop  }
0x90: {  	s2 =	sld [smem:$0x3FD0];
	(tm) =	ssettm $0x1  }
0x91: {  	s18 =	sld [smem:$0x3FFB];
	_ =	sdelay $0x3  }
0x92: {  	_ =	strace s18  }
0x93: {  	s3 =	sld [smem:$0x3FFC];
	_ =	sdelay $0x3  }
0x94: {  	_ =	strace s3  }
0x95: {  	s3 =	sld [smem:$0x3FFD];
	_ =	sdelay $0x3  }
0x96: {  	_ =	strace s3  }
0x97: {  	_ =	strace $0x8FFFFFFF  }
0x98: {  	s19 =	sld [smem:$0x3FDB];
	_ =	sdelay $0x1  }
0x99: {  	s4 =	simm.s32 $_scs_section_size  }
0x9a: {  	s5 =	simm.s32 $_size__tile_overlayer_lowered;
	s6 =	simm.s32 $_tile_overlayer_lowered  }
0x9b: {  	s22 =	simm.s32 $0x1BFF;
	s21 =	sshll.u32 s6, $0x1;
	s3 =	sadd.s32 s4, s19  }
0x9c: {  	s7 =	simm.s32 $0x0;
	s20 =	sshll.u32 s5, $0x1;
	s5 =	sadd.s32 s21, s3  }
0x9d: {  	[timem:s7], [sflag:s22] =	dma.local [hbm:s5], s20  }
0x9e: {  	_ =	swait.ge [sflag:s22], s20  }
0x9f: {  	s4 =	ssub.s32 $0x0, s20;
	[sflag:s22] =	ssyncset.done $0x0  }
0xa0: {  	[sflag:s22] =	ssyncadd.s32 s4;
	_ =	sdelay $0x1  }
0xa1: {  	s23 =	simm.s32 $0x1B8B  }
0xa2: {  	_ =	swait.ge [sflag:s23], $0x1  }
0xa3: {  	[sflag:s23] =	ssyncset.done $0x0  }
0xa4: {  	s25 =	simm.s32 $0x1B8E;
	s24 =	sld [smem:$0x3FFE];
	[sflag:s23] =	ssyncadd.s32 $0xFFFFFFFF  }
0xa5: {  	s26 =	simm.s32 $execute0_lowered;
	[smem:$0x3FD2] =	sst s25  }
0xa6: {  	s5 =	sshll.u32 s26, $0x1;
	_ =	strace $0x80000049;
	[dreg:$0x1] =	wrdreg $0xFFFFFFFF  }
0xa7: {  	s28 =	simm.s32 $_size_execute0_lowered;
	s3 =	sadd.s32 s3, s5;
	[dreg:$0x0] =	wrdreg $0x0  }
0xa8: {  	s5 =	sshll.u32 s28, $0x1;
	[dreg:$0x2] =	wrdreg s3  }
0xa9: {  	[dreg:$0x3] =	wrdreg s5  }
0xaa: {  	[dreg:$0x4] =	wrdreg $0xC0  }
0xab: {  	_ =	task [dreg:s7], $0x5FFFF  }
0xac: {  	[dreg:$0x1] =	wrdreg $0xFFFFFFFF  }
0xad: {  	[dreg:$0x0] =	wrdreg $0x60  }
0xae: {  	[dreg:$0x2] =	wrdreg s24  }
0xaf: {  	[dreg:$0x3] =	wrdreg s2  }
0xb0: {  	[dreg:$0x4] =	wrdreg $0x8C000  }
0xb1: {  	[dreg:$0x5] =	wrdreg $0xDA200  }
0xb2: {  	[dreg:$0x6] =	wrdreg $0x9  }
0xb3: {  	_ =	task.clear_ibuf [dreg:s7], $0x7FFFF;
	_ =	strace $0x90000049  }
0xb4: {  	s29 =	simm.s32 $0x9;
	_ =	strace $0x8000004B  }
0xb5: {  	_ =	swait.ge [sflag:s29], $0x1  }
0xb6: {  	[sflag:s29] =	ssyncadd.s32 $0xFFFFFFFF  }
0xb7: {  	_ =	strace $0x9000004B  }
0xb8: {  	_ =	sfence  }
0xb9: {  	s30 =	sld [smem:$0x0];
	_ =	sdelay $0x2  }
0xba: {  	s31 =	sshll.u32 s1, $0xD;
	s1 =	sshrl.u32 s1, $0x2  }
0xbb: {  	s3 =	sand.u32 $0x4000, s31;
	s1 =	sadd.s32 s1, s30  }
0xbc: {  	s0 =	sor.u32 s3, s0;
	s1 =	sshll.u32 s1, $0x11  }
0xbd: {  	s0 =	sor.u32 s1, s0  }
0xbe: {  	s0 =	sadd.s32 $0x8F2B, s0  }
0xbf: {  	[sflag:s0] =	ssyncadd.remote.s32 $0x1  }
0xc0: {  	_ =	sfence.sel $0xFFFF  }
0xc1: {  	[dreg:$0x0] =	wrdreg $0xFFFFFFFF;
	(pc) =	sbr.abs _section_cstart, $3  }
0xc2: {  	[dreg:$0x1] =	wrdreg $0xFFFFFFFF  }
0xc3: {  	_ =	task.clear_ibuf [dreg:s7], $0x2FFFF;
	_ =	strace $0x9FFFFFFF  }
0xc4: {  	(tm) =	ssettm $0x7FFFFFFF  }
0xc5: {  	_ =	shalt  }
tec
execute0_lowered:
.L_overlay_start_1:
0x0: {  	(tag) =	ssettag $0x1  }
0x1: {  	s0 =	stileid.u32  }
0x2: {  	s6 =	rddreg [dreg:$0x0];
	s5 =	smul.u32 $0xA000, s0  }
0x3: {  	s7 =	rddreg [dreg:$0x1];
	s8 =	smul.u32 $0x500, s0  }
0x4: {  	s2 =	rddreg [dreg:$0x2];
	s9 =	smul.u32 $0x2710, s0  }
0x5: {  	s10 =	srdreg.scid;
	s11 =	smul.u32 $0x4E20, s0  }
0x6: {  	s3 =	rddreg [dreg:$0x3];
	s10 =	sand.u32 $0x1, s10;
	s26 =	smul.u32 $0x50, s0  }
0x7: {  	s4 =	simm.s32 $0x0;
	s28 =	simm.s32 $0x0;
	s12 =	smul.u32 $0x4E200, s10  }
0x8: {  	[smem:$0x7FF] =	sst s4;
	s1 =	sadd.s32 $0xADC00, s6;
	s14 =	smul.u32 $0x27100, s10  }
0x9: {  	s31 =	sshll.u32 s0, $0x6;
	_ =	strace $0x8000004A;
	s17 =	smul.u32 $0x280, s10  }
0xa: {  	[dreg:$0x5] =	wrdreg s1;
	s16 =	ssub.s32 $0x2, s10;
	s18 =	smul.u32 $0x5000, s10  }
0xb: {  	s13 =	sadd.s32 s5, s6;
	s21 =	sshrl.u32 s9, $0x3;
	s15 =	sadd.s32 s8, s6  }
0xc: {  	s23 =	sshrl.u32 s16, $0x1;
	s24 =	sshrl.u32 s11, $0x3;
	s19 =	sadd.s32 s11, s2  }
0xd: {  	s20 =	sadd.s32 s9, s3;
	s22 =	sadd.s32 s21, s6;
	s12 =	sadd.s32 s11, s12  }
0xe: {  	s14 =	sadd.s32 s9, s14;
	s16 =	ssub.s32 s16, s23;
	s25 =	sadd.s32 s7, s24  }
0xf: {  	s21 =	smul.u32 $0x28, s10;
	s29 =	sadd.s32 s17, s15;
	s13 =	sadd.s32 s18, s13  }
0x10: {  	s15 =	simm.s32 $0x3;
	s17 =	sshrl.u32 s19, $0x3;
	s18 =	sshrl.u32 s20, $0x3  }
0x11: {  	s19 =	simm.s32 $0x380;
	s20 =	simm.s32 $0x7400;
	s23 =	simm.s32 $0x80  }
0x12: {  	s24 =	simm.s32 $0x400;
	s12 =	sshrl.u32 s12, $0x3;
	s14 =	sshrl.u32 s14, $0x3  }
0x13: {  	[dreg:$0x6] =	wrdreg s25;
	s7 =	sadd.s32 $0xA8C00, s22;
	s10 =	smax.u32 s16, $0x1  }
.Ltmp0:
0x14: {  	s11 =	sadd.s32 $0x2A00, s29;
	s16 =	sor.u32 $0x1C03, s31;
	(pc) =	sbr.rel .LBB2_1-.Ltmp0, $4  }
0x15: {  	s22 =	simm.s32 $0x2;
	s25 =	simm.s32 $0x4;
	s12 =	sadd.s32 s12, s6  }
0x16: {  	s14 =	sadd.s32 s14, s6;
	s30 =	sadd.s32 s21, s26;
	s21 =	simm.s32 $0x1  }
0x17: {  	s26 =	simm.s32 $0x1400;
	s8 =	sadd.s32 $0xADE00, s12;
	s9 =	sadd.s32 $0xC1800, s14  }
0x18: {  	s12 =	sadd.s32 $0xC800, s13;
	s13 =	sor.u32 $0x7, s30;
	s14 =	simm.s32 $0x8400  }
.LBB2_7:
0x19: {  	[bflag:$0x0] =	sbarrier.arrive $0xFFFF  }
0x1a: {  	[hbm:s8], [sflag:s16] =	dma.local [spmem:s17], $0x9C4  }
0x1b: {  	s28 =	sadd.s32 $0x1, s28;
	_ =	swait.ge [sflag:s15], $0x9C4  }
0x1c: {  	p0 =	sne.s32 s28, s10;
	[sflag:s15] =	ssyncset.done $0x0  }
.Ltmp1:
0x1d: {  	[sflag:s15] =	ssyncadd.s32 $0xFFFFF63C;
	(pc) =	sbr.rel @!p0 .LBB2_8-.Ltmp1, $4  }
0x1e: {  	[hbm:s9], [sflag:s16] =	dma.local [spmem:s18], $0x4E2  }
0x1f: {  	_ =	swait.ge [sflag:s15], $0x4E2  }
0x20: {  	[sflag:s15] =	ssyncset.done $0x0  }
0x21: {  	[sflag:s15] =	ssyncadd.s32 $0xFFFFFB1E  }
.LBB2_1:
0x22: {  	s0 =	rddreg [dreg:$0x5]  }
0x23: {  	[tilespmem:s14], [sflag:$0x3] =	stream.linear.gather [hbm4b:s0+s4], $0x800, $0x38;
	[tilespmem:$0x10130] =	vst v63  }
0x24: {  	_ =	swait.ge [sflag:s15], $0x800  }
0x25: {  	[sflag:s15] =	ssyncset.done $0x0  }
0x26: {  	s6 =	rddreg [dreg:$0x6];
	[sflag:s15] =	ssyncadd.s32 $0xFFFFF800  }
0x27: {  	[spmem:s17], [sflag:s16] =	dma.local [hbm:s6], $0x9C4  }
0x28: {  	_ =	swait.ge [sflag:s15], $0x9C4  }
0x29: {  	[sflag:s15] =	ssyncset.done $0x0  }
0x2a: {  	[sflag:s15] =	ssyncadd.s32 $0xFFFFF63C  }
0x2b: {  	[spmem:s18], [sflag:s16] =	dma.local [hbm:s7], $0x4E2  }
.Ltmp2:
0x2c: {  	_ =	swait.ge [sflag:s15], $0x4E2;
	(pc) =	sbr.rel .LBB2_2-.Ltmp2, $4  }
0x2d: {  	[sflag:s15] =	ssyncset.done $0x0  }
0x2e: {  	[sflag:s15] =	ssyncadd.s32 $0xFFFFFB1E  }
0x2f: {  	[bflag:$0x0] =	sbarrier.arrive $0xFFFF  }
0x30: {  	s29 =	smov.u32 s13;
	s30 =	smov.u32 s12;
	s31 =	simm.s32 $0x0  }
.LBB2_3:
0x31: {  	s0 =	sadd.s32 s31, s11  }
0x32: {  	s0 =	sadd.s32 $0x70, s0  }
0x33: {  	[tilespmem:s19], [sflag:$0x1] =	stream.linear.gather [hbm4b:s0+s4], $0x80, $0x38;
	[tilespmem:$0x10130] =	vst v63  }
0x34: {  	s6 =	sadd.s32 $0xE00, s30  }
0x35: {  	[tilespmem:s20], [sflag:$0x2] =	stream.linear.gather [hbm4b:s6+s4], $0x1000, $0x38;
	[tilespmem:$0x10130] =	vst v63  }
.LBB2_5:
0x36: {  	_ =	swait.ge [sflag:s21], $0x80  }
0x37: {  	[sflag:s21] =	ssyncset.done $0x0  }
0x38: {  	[sflag:s21] =	ssyncadd.s32 $0xFFFFFF80  }
0x39: {  	_ =	swait.ge [sflag:s22], $0x1000  }
0x3a: {  	[sflag:s22] =	ssyncset.done $0x0  }
0x3b: {  	[sflag:s22] =	ssyncadd.s32 $0xFFFFF000  }
0x3c: {  	[spmem:s2] =	stream.indirect.scatter.add.f32 [tilespmem:s24], [sflag:$0x4], $0x20, s4, s23, $0xb8;
	[tilespmem:$0x10130] =	vst v63  }
0x3d: {  	_ =	swait.ge [sflag:s25], $0x1000  }
0x3e: {  	[sflag:s25] =	ssyncset.done $0x0  }
0x3f: {  	[sflag:s25] =	ssyncadd.s32 $0xFFFFF000  }
0x40: {  	[spmem:s3] =	stream.indirect.scatter.add.f32 [tilespmem:s14], [sflag:$0x4], $0x10, s4, s23, $0xb8;
	[tilespmem:$0x10130] =	vst v63  }
0x41: {  	_ =	swait.ge [sflag:s25], $0x800  }
0x42: {  	[sflag:s25] =	ssyncset.done $0x0  }
0x43: {  	[sflag:s25] =	ssyncadd.s32 $0xFFFFF800  }
0x44: {  	_ =	swait.ge [sflag:s21], $0x80  }
0x45: {  	[sflag:s21] =	ssyncset.done $0x0  }
0x46: {  	[sflag:s21] =	ssyncadd.s32 $0xFFFFFF80  }
0x47: {  	_ =	swait.ge [sflag:s22], $0x1000  }
0x48: {  	[sflag:s22] =	ssyncset.done $0x0  }
0x49: {  	[sflag:s22] =	ssyncadd.s32 $0xFFFFF000  }
0x4a: {  	[spmem:s2] =	stream.indirect.scatter.add.f32 [tilespmem:s26], [sflag:$0x4], $0x20, s23, s23, $0xb8;
	[tilespmem:$0x10130] =	vst v63  }
0x4b: {  	_ =	swait.ge [sflag:s25], $0x1000  }
0x4c: {  	[sflag:s25] =	ssyncset.done $0x0  }
0x4d: {  	[sflag:s25] =	ssyncadd.s32 $0xFFFFF000  }
0x4e: {  	[spmem:s3] =	stream.indirect.scatter.add.f32 [tilespmem:s14], [sflag:$0x4], $0x10, s23, s23, $0xb8;
	[tilespmem:$0x10130] =	vst v63  }
0x4f: {  	_ =	swait.ge [sflag:s25], $0x800  }
0x50: {  	[sflag:s25] =	ssyncset.done $0x0  }
0x51: {  	s0 =	simm.s32 @!p5 $0x1;
	[sflag:s25] =	ssyncadd.s32 $0xFFFFF800  }
0x52: {  	_ =	swait.ge @!p5 [sflag:s0], $0x80  }
0x53: {  	[sflag:s0] =	ssyncset.done @!p5 $0x0  }
0x54: {  	[sflag:s0] =	ssyncadd.s32 @!p5 $0xFFFFFF80;
	s0 =	simm.s32 @!p5 $0x2  }
0x55: {  	_ =	swait.ge @!p5 [sflag:s0], $0x1000  }
0x56: {  	s1 =	simm.s32 @!p5 $0x100;
	[sflag:s0] =	ssyncset.done @!p5 $0x0  }
0x57: {  	s5 =	simm.s32 @!p5 $0x2400;
	[sflag:s0] =	ssyncadd.s32 @!p5 $0xFFFFF000;
	s0 =	simm.s32 @!p5 $0x80  }
0x58: {  	[spmem:s2] =	stream.indirect.scatter.add.f32 @!p5 [tilespmem:s5], [sflag:$0x4], $0x20, s1, s0, $0xb8;
	[tilespmem:$0x10130] =	vst v63  }
0x59: {  	s5 =	simm.s32 @!p5 $0x4  }
0x5a: {  	_ =	swait.ge @!p5 [sflag:s5], $0x1000  }
0x5b: {  	[sflag:s5] =	ssyncset.done @!p5 $0x0  }
0x5c: {  	s6 =	simm.s32 @!p5 $0x8400;
	[sflag:s5] =	ssyncadd.s32 @!p5 $0xFFFFF000  }
0x5d: {  	[spmem:s3] =	stream.indirect.scatter.add.f32 @!p5 [tilespmem:s6], [sflag:$0x4], $0x10, s1, s0, $0xb8;
	[tilespmem:$0x10130] =	vst v63  }
0x5e: {  	_ =	swait.ge @!p5 [sflag:s5], $0x800  }
0x5f: {  	[sflag:s5] =	ssyncset.done @!p5 $0x0  }
0x60: {  	s0 =	simm.s32 @!p4 $0x1;
	[sflag:s5] =	ssyncadd.s32 @!p5 $0xFFFFF800  }
0x61: {  	_ =	swait.ge @!p4 [sflag:s0], $0x80  }
0x62: {  	[sflag:s0] =	ssyncset.done @!p4 $0x0  }
0x63: {  	[sflag:s0] =	ssyncadd.s32 @!p4 $0xFFFFFF80;
	s0 =	simm.s32 @!p4 $0x2  }
0x64: {  	_ =	swait.ge @!p4 [sflag:s0], $0x1000  }
0x65: {  	s1 =	simm.s32 @!p4 $0x180;
	[sflag:s0] =	ssyncset.done @!p4 $0x0  }
0x66: {  	s5 =	simm.s32 @!p4 $0x3400;
	[sflag:s0] =	ssyncadd.s32 @!p4 $0xFFFFF000;
	s0 =	simm.s32 @!p4 $0x80  }
0x67: {  	[spmem:s2] =	stream.indirect.scatter.add.f32 @!p4 [tilespmem:s5], [sflag:$0x4], $0x20, s1, s0, $0xb8;
	[tilespmem:$0x10130] =	vst v63  }
0x68: {  	s5 =	simm.s32 @!p4 $0x4  }
0x69: {  	_ =	swait.ge @!p4 [sflag:s5], $0x1000  }
0x6a: {  	[sflag:s5] =	ssyncset.done @!p4 $0x0  }
0x6b: {  	s6 =	simm.s32 @!p4 $0x8400;
	[sflag:s5] =	ssyncadd.s32 @!p4 $0xFFFFF000  }
0x6c: {  	[spmem:s3] =	stream.indirect.scatter.add.f32 @!p4 [tilespmem:s6], [sflag:$0x4], $0x10, s1, s0, $0xb8;
	[tilespmem:$0x10130] =	vst v63  }
0x6d: {  	_ =	swait.ge @!p4 [sflag:s5], $0x800  }
0x6e: {  	[sflag:s5] =	ssyncset.done @!p4 $0x0  }
0x6f: {  	s0 =	simm.s32 @!p3 $0x1;
	[sflag:s5] =	ssyncadd.s32 @!p4 $0xFFFFF800  }
0x70: {  	_ =	swait.ge @!p3 [sflag:s0], $0x80  }
0x71: {  	[sflag:s0] =	ssyncset.done @!p3 $0x0  }
0x72: {  	[sflag:s0] =	ssyncadd.s32 @!p3 $0xFFFFFF80;
	s0 =	simm.s32 @!p3 $0x2  }
0x73: {  	_ =	swait.ge @!p3 [sflag:s0], $0x1000  }
0x74: {  	s1 =	simm.s32 @!p3 $0x200;
	[sflag:s0] =	ssyncset.done @!p3 $0x0  }
0x75: {  	s5 =	simm.s32 @!p3 $0x4400;
	[sflag:s0] =	ssyncadd.s32 @!p3 $0xFFFFF000;
	s0 =	simm.s32 @!p3 $0x80  }
0x76: {  	[spmem:s2] =	stream.indirect.scatter.add.f32 @!p3 [tilespmem:s5], [sflag:$0x4], $0x20, s1, s0, $0xb8;
	[tilespmem:$0x10130] =	vst v63  }
0x77: {  	s5 =	simm.s32 @!p3 $0x4  }
0x78: {  	_ =	swait.ge @!p3 [sflag:s5], $0x1000  }
0x79: {  	[sflag:s5] =	ssyncset.done @!p3 $0x0  }
0x7a: {  	s6 =	simm.s32 @!p3 $0x8400;
	[sflag:s5] =	ssyncadd.s32 @!p3 $0xFFFFF000  }
0x7b: {  	[spmem:s3] =	stream.indirect.scatter.add.f32 @!p3 [tilespmem:s6], [sflag:$0x4], $0x10, s1, s0, $0xb8;
	[tilespmem:$0x10130] =	vst v63  }
0x7c: {  	_ =	swait.ge @!p3 [sflag:s5], $0x800  }
0x7d: {  	[sflag:s5] =	ssyncset.done @!p3 $0x0  }
0x7e: {  	s0 =	simm.s32 @!p2 $0x1;
	[sflag:s5] =	ssyncadd.s32 @!p3 $0xFFFFF800  }
0x7f: {  	_ =	swait.ge @!p2 [sflag:s0], $0x80  }
0x80: {  	[sflag:s0] =	ssyncset.done @!p2 $0x0  }
0x81: {  	[sflag:s0] =	ssyncadd.s32 @!p2 $0xFFFFFF80;
	s0 =	simm.s32 @!p2 $0x2  }
0x82: {  	_ =	swait.ge @!p2 [sflag:s0], $0x1000  }
0x83: {  	s1 =	simm.s32 @!p2 $0x280;
	[sflag:s0] =	ssyncset.done @!p2 $0x0  }
0x84: {  	s5 =	simm.s32 @!p2 $0x5400;
	[sflag:s0] =	ssyncadd.s32 @!p2 $0xFFFFF000;
	s0 =	simm.s32 @!p2 $0x80  }
0x85: {  	[spmem:s2] =	stream.indirect.scatter.add.f32 @!p2 [tilespmem:s5], [sflag:$0x4], $0x20, s1, s0, $0xb8;
	[tilespmem:$0x10130] =	vst v63  }
0x86: {  	s5 =	simm.s32 @!p2 $0x4  }
0x87: {  	_ =	swait.ge @!p2 [sflag:s5], $0x1000  }
0x88: {  	[sflag:s5] =	ssyncset.done @!p2 $0x0  }
0x89: {  	s6 =	simm.s32 @!p2 $0x8400;
	[sflag:s5] =	ssyncadd.s32 @!p2 $0xFFFFF000  }
0x8a: {  	[spmem:s3] =	stream.indirect.scatter.add.f32 @!p2 [tilespmem:s6], [sflag:$0x4], $0x10, s1, s0, $0xb8;
	[tilespmem:$0x10130] =	vst v63  }
0x8b: {  	_ =	swait.ge @!p2 [sflag:s5], $0x800  }
0x8c: {  	[sflag:s5] =	ssyncset.done @!p2 $0x0  }
0x8d: {  	s0 =	simm.s32 @!p1 $0x1;
	[sflag:s5] =	ssyncadd.s32 @!p2 $0xFFFFF800  }
0x8e: {  	_ =	swait.ge @!p1 [sflag:s0], $0x80  }
0x8f: {  	[sflag:s0] =	ssyncset.done @!p1 $0x0  }
0x90: {  	[sflag:s0] =	ssyncadd.s32 @!p1 $0xFFFFFF80;
	s0 =	simm.s32 @!p1 $0x2  }
0x91: {  	_ =	swait.ge @!p1 [sflag:s0], $0x1000  }
0x92: {  	s1 =	simm.s32 @!p1 $0x300;
	[sflag:s0] =	ssyncset.done @!p1 $0x0  }
0x93: {  	s5 =	simm.s32 @!p1 $0x6400;
	[sflag:s0] =	ssyncadd.s32 @!p1 $0xFFFFF000;
	s0 =	simm.s32 @!p1 $0x80  }
0x94: {  	[spmem:s2] =	stream.indirect.scatter.add.f32 @!p1 [tilespmem:s5], [sflag:$0x4], $0x20, s1, s0, $0xb8;
	[tilespmem:$0x10130] =	vst v63  }
0x95: {  	s5 =	simm.s32 @!p1 $0x4  }
0x96: {  	_ =	swait.ge @!p1 [sflag:s5], $0x1000  }
0x97: {  	[sflag:s5] =	ssyncset.done @!p1 $0x0  }
0x98: {  	s6 =	simm.s32 @!p1 $0x8400;
	[sflag:s5] =	ssyncadd.s32 @!p1 $0xFFFFF000  }
0x99: {  	[spmem:s3] =	stream.indirect.scatter.add.f32 @!p1 [tilespmem:s6], [sflag:$0x4], $0x10, s1, s0, $0xb8;
	[tilespmem:$0x10130] =	vst v63  }
0x9a: {  	_ =	swait.ge @!p1 [sflag:s5], $0x800  }
0x9b: {  	[sflag:s5] =	ssyncset.done @!p1 $0x0  }
0x9c: {  	s0 =	simm.s32 @!p0 $0x1;
	[sflag:s5] =	ssyncadd.s32 @!p1 $0xFFFFF800  }
0x9d: {  	_ =	swait.ge @!p0 [sflag:s0], $0x80  }
0x9e: {  	[sflag:s0] =	ssyncset.done @!p0 $0x0  }
0x9f: {  	[sflag:s0] =	ssyncadd.s32 @!p0 $0xFFFFFF80;
	s0 =	simm.s32 @!p0 $0x2  }
0xa0: {  	_ =	swait.ge @!p0 [sflag:s0], $0x1000  }
0xa1: {  	s1 =	simm.s32 @!p0 $0x380;
	[sflag:s0] =	ssyncset.done @!p0 $0x0  }
0xa2: {  	s5 =	simm.s32 @!p0 $0x7400;
	[sflag:s0] =	ssyncadd.s32 @!p0 $0xFFFFF000;
	s0 =	simm.s32 @!p0 $0x80  }
0xa3: {  	[spmem:s2] =	stream.indirect.scatter.add.f32 @!p0 [tilespmem:s5], [sflag:$0x4], $0x20, s1, s0, $0xb8;
	[tilespmem:$0x10130] =	vst v63  }
0xa4: {  	s5 =	simm.s32 @!p0 $0x4  }
0xa5: {  	_ =	swait.ge @!p0 [sflag:s5], $0x1000  }
0xa6: {  	[sflag:s5] =	ssyncset.done @!p0 $0x0  }
0xa7: {  	[sflag:s5] =	ssyncadd.s32 @!p0 $0xFFFFF000;
	s5 =	simm.s32 @!p0 $0x8400  }
0xa8: {  	[spmem:s3] =	stream.indirect.scatter.add.f32 @!p0 [tilespmem:s5], [sflag:$0x3], $0x10, s1, s0, $0xb8;
	[tilespmem:$0x10130] =	vst v63  }
0xa9: {  	s0 =	simm.s32 @!p0 $0x3  }
0xaa: {  	_ =	swait.ge @!p0 [sflag:s0], $0x800  }
0xab: {  	[sflag:s0] =	ssyncset.done @!p0 $0x0  }
0xac: {  	[sflag:s0] =	ssyncadd.s32 @!p0 $0xFFFFF800  }
.LBB2_6:
0xad: {  	s31 =	sadd.s32 $0x80, s31  }
0xae: {  	p0 =	sne.s32 s31, $0x280  }
.Ltmp3:
0xaf: {  	_ = 	snop;
	(pc) =	sbr.rel @!p0 .LBB2_7-.Ltmp3, $2  }
0xb0: {  	_ =	sdelay $0x2  }
0xb1: {  	s30 =	sadd.s32 $0x1000, s30;
	s29 =	sadd.s32 $0x8, s29  }
.LBB2_2:
0xb2: {  	s1 =	sadd.s32 $0xFFFFFFF9, s29  }
0xb3: {  	p6 =	sgt.u32 s1, $0x4E1  }
0xb4: {  	s1 =	sadd.s32 @!p6 s31, s11;
	s0 =	simm.s32 @!p6 $0x0  }
0xb5: {  	[tilespmem:s0], [sflag:$0x1] =	stream.linear.gather @!p6 [hbm4b:s1+s0], $0x80, $0x38;
	[tilespmem:$0x10130] =	vst v63  }
0xb6: {  	s5 =	simm.s32 @!p6 $0x400  }
0xb7: {  	[tilespmem:s5], [sflag:$0x2] =	stream.linear.gather @!p6 [hbm4b:s30+s0], $0x1000, $0x38;
	[tilespmem:$0x10130] =	vst v63  }
0xb8: {  	s1 =	sadd.s32 @!p6 $0x10, s1;
	s5 =	simm.s32 @!p6 $0x80  }
0xb9: {  	[tilespmem:s5], [sflag:$0x1] =	stream.linear.gather @!p6 [hbm4b:s1+s0], $0x80, $0x38;
	[tilespmem:$0x10130] =	vst v63  }
0xba: {  	s1 =	sadd.s32 @!p6 $0x200, s30;
	s5 =	simm.s32 @!p6 $0x1400  }
0xbb: {  	[tilespmem:s5], [sflag:$0x2] =	stream.linear.gather @!p6 [hbm4b:s1+s0], $0x1000, $0x38;
	[tilespmem:$0x10130] =	vst v63  }
0xbc: {  	s5 =	sadd.s32 $0xFFFFFFFB, s29  }
0xbd: {  	p5 =	sgt.u32 s5, $0x4E1  }
0xbe: {  	s6 =	sadd.s32 $0xFFFFFFFC, s29;
	s0 =	sadd.s32 @!p5 s31, s11  }
0xbf: {  	s1 =	simm.s32 @!p5 $0x0;
	s5 =	simm.s32 @!p5 $0x100;
	s0 =	sadd.s32 @!p5 $0x20, s0  }
0xc0: {  	[tilespmem:s5], [sflag:$0x1] =	stream.linear.gather @!p5 [hbm4b:s0+s1], $0x80, $0x38;
	[tilespmem:$0x10130] =	vst v63  }
0xc1: {  	p4 =	sgt.u32 s6, $0x4E1;
	s0 =	sadd.s32 @!p5 $0x400, s30;
	s5 =	simm.s32 @!p5 $0x2400  }
0xc2: {  	[tilespmem:s5], [sflag:$0x2] =	stream.linear.gather @!p5 [hbm4b:s0+s1], $0x1000, $0x38;
	[tilespmem:$0x10130] =	vst v63  }
0xc3: {  	s0 =	sadd.s32 @!p4 s31, s11  }
0xc4: {  	s1 =	simm.s32 @!p4 $0x0;
	s5 =	simm.s32 @!p4 $0x180;
	s0 =	sadd.s32 @!p4 $0x30, s0  }
0xc5: {  	[tilespmem:s5], [sflag:$0x1] =	stream.linear.gather @!p4 [hbm4b:s0+s1], $0x80, $0x38;
	[tilespmem:$0x10130] =	vst v63  }
0xc6: {  	s0 =	sadd.s32 @!p4 $0x600, s30;
	s5 =	simm.s32 @!p4 $0x3400  }
0xc7: {  	[tilespmem:s5], [sflag:$0x2] =	stream.linear.gather @!p4 [hbm4b:s0+s1], $0x1000, $0x38;
	[tilespmem:$0x10130] =	vst v63  }
0xc8: {  	s1 =	sadd.s32 $0xFFFFFFFD, s29  }
0xc9: {  	p3 =	sgt.u32 s1, $0x4E1  }
0xca: {  	s0 =	sadd.s32 @!p3 s31, s11  }
0xcb: {  	s1 =	simm.s32 @!p3 $0x0;
	s5 =	simm.s32 @!p3 $0x200;
	s0 =	sadd.s32 @!p3 $0x40, s0  }
0xcc: {  	[tilespmem:s5], [sflag:$0x1] =	stream.linear.gather @!p3 [hbm4b:s0+s1], $0x80, $0x38;
	[tilespmem:$0x10130] =	vst v63  }
0xcd: {  	s0 =	sadd.s32 @!p3 $0x800, s30;
	s5 =	simm.s32 @!p3 $0x4400  }
0xce: {  	[tilespmem:s5], [sflag:$0x2] =	stream.linear.gather @!p3 [hbm4b:s0+s1], $0x1000, $0x38;
	[tilespmem:$0x10130] =	vst v63  }
0xcf: {  	s5 =	sadd.s32 $0xFFFFFFFE, s29  }
0xd0: {  	p2 =	sgt.u32 s5, $0x4E1  }
0xd1: {  	p0 =	sgt.u32 s29, $0x4E1;
	s6 =	sadd.s32 $0xFFFFFFFF, s29;
	s0 =	sadd.s32 @!p2 s31, s11  }
0xd2: {  	s1 =	simm.s32 @!p2 $0x0;
	s5 =	simm.s32 @!p2 $0x280;
	s0 =	sadd.s32 @!p2 $0x50, s0  }
0xd3: {  	[tilespmem:s5], [sflag:$0x1] =	stream.linear.gather @!p2 [hbm4b:s0+s1], $0x80, $0x38;
	[tilespmem:$0x10130] =	vst v63  }
0xd4: {  	p1 =	sgt.u32 s6, $0x4E1;
	s0 =	sadd.s32 @!p2 $0xA00, s30;
	s5 =	simm.s32 @!p2 $0x5400  }
0xd5: {  	[tilespmem:s5], [sflag:$0x2] =	stream.linear.gather @!p2 [hbm4b:s0+s1], $0x1000, $0x38;
	[tilespmem:$0x10130] =	vst v63  }
.Ltmp4:
0xd6: {  	s0 =	sadd.s32 @!p1 s31, s11;
	(pc) =	sbr.rel @!p0 .LBB2_3-.Ltmp4, $4  }
0xd7: {  	s1 =	simm.s32 @!p1 $0x0;
	s5 =	simm.s32 @!p1 $0x300;
	s0 =	sadd.s32 @!p1 $0x60, s0  }
0xd8: {  	[tilespmem:s5], [sflag:$0x1] =	stream.linear.gather @!p1 [hbm4b:s0+s1], $0x80, $0x38;
	[tilespmem:$0x10130] =	vst v63  }
0xd9: {  	s0 =	sadd.s32 @!p1 $0xC00, s30;
	s5 =	simm.s32 @!p1 $0x6400  }
0xda: {  	[tilespmem:s5], [sflag:$0x2] =	stream.linear.gather @!p1 [hbm4b:s0+s1], $0x1000, $0x38;
	[tilespmem:$0x10130] =	vst v63  }
.Ltmp5:
0xdb: {  	(pc) =	sbr.rel @p6 .LBB2_6-.Ltmp5, $4  }
.Ltmp6:
0xdc: {  	(pc) =	sbr.rel @!p6 .LBB2_5-.Ltmp6, $4  }
0xdd: {  	_ = 	snop  }
0xde: {  	_ = 	snop  }
0xdf: {  	_ = 	snop  }
0xe0: {  	_ = 	snop  }
.LBB2_8:
0xe1: {  	_ =	sfence.sel $0x180000  }
0xe2: {  	[bflag:$0x0] =	sbarrier.arrive $0xFFFF  }
0xe3: {  	_ =	strace $0x9000004A  }
0xe4: {  	s0 =	stileid.u32;
	[bflag:$0x2] =	sbarrier.arrive $0xFFFF  }
0xe5: {  	p0 =	sne.s32 s0, $0x0;
	s0 =	rddreg [dreg:$0x4]  }
0xe6: {  	s0 =	sadd.s32 @!p0 $0x100000, s0  }
0xe7: {  	[sflag:s0] =	ssyncadd.tile.s32 @!p0 $0x1;
	_ =	shalt  }
.Lfunc_end2:
_tile_overlayer_lowered:
.L_overlay_start_2:
0xe8: {  	(tag) =	ssettag $0x2  }
0xe9: {  	s0 =	rddreg [dreg:$0x0];
	s2 =	stileid.u32  }
0xea: {  	s1 =	rddreg [dreg:$0x1];
	p0 =	sne.s32 s2, $0x0  }
0xeb: {  	s3 =	rddreg [dreg:$0x2];
	[bflag:$0x3] =	sbarrier.arrive $0xFFFF;
	s2 =	simm.s32 @!p0 $0x1C03  }
0xec: {  	[timem:s3], [sflag:s2] =	dma.local @!p0 [hbm:s0], s1  }
0xed: {  	s0 =	simm.s32 @!p0 $0x3  }
0xee: {  	_ =	swait.ge @!p0 [sflag:s0], s1  }
0xef: {  	s1 =	ssub.s32 @!p0 $0x0, s1;
	[sflag:s0] =	ssyncset.done @!p0 $0x0  }
0xf0: {  	[sflag:s0] =	ssyncadd.s32 @!p0 s1  }
0xf1: {  	[bflag:$0x3] =	sbarrier.arrive $0xFFFF  }
0xf2: {  	_ =	shalt  }

</sc_bundles>
